<compile_context>
chip_gen: v7x
topology: tpu7x:2x2x1
jax: 0.10.2.dev20260603
libtpu: 0.0.44.dev20260713+nightly
codegen_flags: <defaults>
</compile_context>

<pallas_src>
import functools

import jax
import jax.numpy as jnp
from jax import lax
from jax.experimental import pallas as pl
from jax.experimental.pallas import tpu as pltpu
from jax.experimental.pallas import tpu_sc as plsc

N_NODES = 10000
N_EDGES = 320000
D = 128

NC = 2
NS = 16
NW = NC * NS

NPAD = 10240
CHUNK = 128
CHUNKS = 80
DCHUNK = 128
DCHUNKS = 80
DIBLK = 16
EPAD = NW * CHUNKS * CHUNK
ROWS_PER_TILE = NPAD // NS
HW = 16

BLK = 1024
GRID = NPAD // BLK

_mesh = plsc.VectorSubcoreMesh(core_axis_name="c", subcore_axis_name="s")


def _worker_id():
    return lax.axis_index("s") * NC + lax.axis_index("c")


@functools.partial(
    pl.kernel,
    out_type=jax.ShapeDtypeStruct((NC, NPAD, HW), jnp.float32),
    mesh=_mesh,
    scratch_types=[
        pltpu.VMEM((DCHUNKS, DCHUNK), jnp.int32),
        pltpu.VMEM((DCHUNK, HW), jnp.float32),
        pltpu.VMEM((DCHUNK, HW), jnp.float32),
        pltpu.VMEM_SHARED((NPAD, HW), jnp.float32),
        pltpu.SemaphoreType.DMA,
    ],
)
def _sc_degree(dst_hbm, hist_hbm, dst_v, ones_v, zero_v, acc_sh, sem):
    c = lax.axis_index("c")
    s = lax.axis_index("s")
    wid = _worker_id()

    @pl.loop(0, DCHUNK)
    def _(j):
        ones_v[j, :] = jnp.ones((HW,), jnp.float32)
        zero_v[j, :] = jnp.zeros((HW,), jnp.float32)

    for t in range(ROWS_PER_TILE // DCHUNK):
        pltpu.sync_copy(zero_v, acc_sh.at[pl.ds(s * ROWS_PER_TILE + t * DCHUNK, DCHUNK)])
    pltpu.sync_copy(dst_hbm.at[pl.ds(wid * DCHUNKS, DCHUNKS)], dst_v)
    plsc.subcore_barrier()

    @pl.loop(0, DCHUNKS)
    def _(j):
        pltpu.sync_copy(ones_v, acc_sh.at[dst_v.at[j]], add=True)

    plsc.subcore_barrier()
    base = s * ROWS_PER_TILE
    for t in range(ROWS_PER_TILE // DCHUNK):
        pltpu.sync_copy(acc_sh.at[pl.ds(base + t * DCHUNK, DCHUNK)], zero_v)
        pltpu.sync_copy(zero_v, hist_hbm.at[c, pl.ds(base + t * DCHUNK, DCHUNK)])


@functools.partial(
    pl.kernel,
    out_type=jax.ShapeDtypeStruct((NC, NPAD, D), jnp.float32),
    mesh=_mesh,
    scratch_types=[
        pltpu.VMEM((CHUNKS, CHUNK), jnp.int32),
        pltpu.VMEM((CHUNKS, CHUNK), jnp.int32),
        pltpu.VMEM((CHUNK, D), jnp.float32),
        pltpu.VMEM_SHARED((NPAD, D), jnp.float32),
        pltpu.SemaphoreType.DMA,
    ],
)
def _sc_scatter(g_hbm, src_hbm, dst_hbm, acc_hbm, src_v, dst_v, rows_v, acc_sh, sem):
    c = lax.axis_index("c")
    s = lax.axis_index("s")
    wid = _worker_id()

    @pl.loop(0, CHUNK)
    def _(j):
        for k in range(D // 16):
            rows_v[j, pl.ds(k * 16, 16)] = jnp.zeros((16,), jnp.float32)

    for t in range(ROWS_PER_TILE // CHUNK):
        pltpu.sync_copy(rows_v, acc_sh.at[pl.ds(s * ROWS_PER_TILE + t * CHUNK, CHUNK)])
    pltpu.sync_copy(src_hbm.at[pl.ds(wid * CHUNKS, CHUNKS)], src_v)
    pltpu.sync_copy(dst_hbm.at[pl.ds(wid * CHUNKS, CHUNKS)], dst_v)
    plsc.subcore_barrier()

    @pl.loop(0, CHUNKS)
    def _(j):
        pltpu.async_copy(g_hbm.at[src_v.at[j]], rows_v, sem).wait()
        pltpu.sync_copy(rows_v, acc_sh.at[dst_v.at[j]], add=True)

    plsc.subcore_barrier()
    base = s * ROWS_PER_TILE
    for t in range(ROWS_PER_TILE // CHUNK):
        pltpu.sync_copy(acc_sh.at[pl.ds(base + t * CHUNK, CHUNK)], rows_v)
        pltpu.sync_copy(rows_v, acc_hbm.at[c, pl.ds(base + t * CHUNK, CHUNK)])


def _dinv(hist_ref):
    deg = hist_ref[0, :, 0:1] + hist_ref[1, :, 0:1] + 1.0
    return lax.rsqrt(deg)


def _tc_g1_body(x_ref, w_ref, hist_ref, g_ref):
    h = jnp.dot(x_ref[...], w_ref[...], preferred_element_type=jnp.float32,
                precision=lax.Precision.HIGHEST)
    g_ref[...] = h * _dinv(hist_ref)


def _tc_mid_body(acc_ref, g_ref, hist_ref, b_ref, w_ref, out_ref):
    dinv = _dinv(hist_ref)
    z = dinv * (acc_ref[0] + acc_ref[1] + g_ref[...]) + b_ref[...]
    z = jnp.maximum(z, 0.0)
    h = jnp.dot(z, w_ref[...], preferred_element_type=jnp.float32,
                precision=lax.Precision.HIGHEST)
    out_ref[...] = h * dinv


def _tc_final_body(acc_ref, g_ref, hist_ref, b_ref, w_ref, bp_ref, out_ref):
    dinv = _dinv(hist_ref)
    z = dinv * (acc_ref[0] + acc_ref[1] + g_ref[...]) + b_ref[...]
    out_ref[...] = jnp.dot(z, w_ref[...], preferred_element_type=jnp.float32,
                           precision=lax.Precision.HIGHEST) + bp_ref[...]


_row_spec = pl.BlockSpec((BLK, D), lambda i: (i, 0))
_acc_spec = pl.BlockSpec((NC, BLK, D), lambda i: (0, i, 0))
_hist_spec = pl.BlockSpec((NC, BLK, HW), lambda i: (0, i, 0))
_full_spec = pl.BlockSpec((D, D), lambda i: (0, 0))
_bias_spec = pl.BlockSpec((1, D), lambda i: (0, 0))
_out_struct = jax.ShapeDtypeStruct((NPAD, D), jnp.float32)


def kernel(x, edge_index, W1, b1, W2, b2, Wp, bp):
    src = edge_index[0]
    dst = edge_index[1]
    pad = jnp.full((EPAD - N_EDGES,), NPAD - 1, dtype=jnp.int32)
    src_p = jnp.concatenate([src, pad])
    dst_p = jnp.concatenate([dst, pad])
    srcR = src_p.reshape(NW * CHUNKS, CHUNK)
    dstR = dst_p.reshape(NW * CHUNKS, CHUNK)
    dstD = dst_p.reshape(NW * DCHUNKS, DCHUNK)
    x_p = jnp.zeros((NPAD, D), jnp.float32).at[:N_NODES].set(x)
    b1r = b1.reshape(1, D)
    b2r = b2.reshape(1, D)
    bpr = bp.reshape(1, D)

    hist = _sc_degree(dstD)

    g1 = pl.pallas_call(
        _tc_g1_body,
        grid=(GRID,),
        in_specs=[_row_spec, _full_spec, _hist_spec],
        out_specs=_row_spec,
        out_shape=_out_struct,
    )(x_p, W1, hist)

    acc1 = _sc_scatter(g1, srcR, dstR)

    g2 = pl.pallas_call(
        _tc_mid_body,
        grid=(GRID,),
        in_specs=[_acc_spec, _row_spec, _hist_spec, _bias_spec, _full_spec],
        out_specs=_row_spec,
        out_shape=_out_struct,
    )(acc1, g1, hist, b1r, W2)

    acc2 = _sc_scatter(g2, srcR, dstR)

    out = pl.pallas_call(
        _tc_final_body,
        grid=(GRID,),
        in_specs=[_acc_spec, _row_spec, _hist_spec, _bias_spec, _full_spec,
                  _bias_spec],
        out_specs=_row_spec,
        out_shape=_out_struct,
    )(acc2, g2, hist, b2r, Wp, bpr)

    return out[:N_NODES]

# --- scband reference (transcript-rebuilt; emitter-appended) ---
"""Pipeline reference for scband-gcl-47467978556197 (READ-ONLY COPY).

The authoritative reference and input builder live on the scoring server;
editing this copy changes nothing except your own understanding.
"""

import jax, jax.numpy as jnp
import numpy as np

N_NODES = 10000
N_EDGES = 320000
IN_DIM = 128
HID_DIM = 128
OUT_DIM = 128


def _gcn_conv(x, edge_index, W, b):
    # PyG-style GCNConv: x' = D^{-1/2} (A + I) D^{-1/2} (x W) + b
    n = x.shape[0]
    h = x @ W
    src = edge_index[0]
    dst = edge_index[1]
    loop = jnp.arange(n, dtype=src.dtype)
    src = jnp.concatenate([src, loop])
    dst = jnp.concatenate([dst, loop])
    deg = jax.ops.segment_sum(jnp.ones(src.shape[0], dtype=h.dtype), dst, num_segments=n)
    dinv = jnp.where(deg > 0, jax.lax.rsqrt(deg), 0.0)
    norm = dinv[src] * dinv[dst]
    msg = h[src] * norm[:, None]
    out = jax.ops.segment_sum(msg, dst, num_segments=n)
    return out + b


def setup_inputs(seed: int = 0) -> dict:
    key = jax.random.key(seed)
    ks = jax.random.split(key, 8)
    x = jax.random.normal(ks[0], (N_NODES, IN_DIM), dtype=jnp.float32)
    edge_index = jax.random.randint(ks[1], (2, N_EDGES), 0, N_NODES, dtype=jnp.int64 if jax.config.jax_enable_x64 else jnp.int32).astype(jnp.int32)
    s1 = 1.0 / np.sqrt(IN_DIM)
    s2 = 1.0 / np.sqrt(HID_DIM)
    s3 = 1.0 / np.sqrt(OUT_DIM)
    W1 = jax.random.uniform(ks[2], (IN_DIM, HID_DIM), dtype=jnp.float32, minval=-s1, maxval=s1)
    b1 = jnp.zeros((HID_DIM,), dtype=jnp.float32)
    W2 = jax.random.uniform(ks[3], (HID_DIM, OUT_DIM), dtype=jnp.float32, minval=-s2, maxval=s2)
    b2 = jnp.zeros((OUT_DIM,), dtype=jnp.float32)
    Wp = jax.random.uniform(ks[4], (OUT_DIM, OUT_DIM), dtype=jnp.float32, minval=-s3, maxval=s3)
    bp = jax.random.uniform(ks[5], (OUT_DIM,), dtype=jnp.float32, minval=-s3, maxval=s3)
    return {"x": x, "edge_index": edge_index, "W1": W1, "b1": b1, "W2": W2, "b2": b2, "Wp": Wp, "bp": bp}


def reference(x, edge_index, W1, b1, W2, b2, Wp, bp):
    # GCL.forward with edge_weight=None, eval mode (dropout = identity)
    h = _gcn_conv(x, edge_index, W1, b1)
    h = jax.nn.relu(h)
    h = _gcn_conv(h, edge_index, W2, b2)
    out = h @ Wp + bp
    return out

if __name__ == "__main__":
    import jax
    _d = setup_inputs()
    print(jax.jit(kernel)(*tuple(_d.values())))

</pallas_src>

<mosaic_0001>
#map = affine_map<(d0, d1) -> (0, 0)>
#map1 = affine_map<(d0, d1) -> (0, 0, 0)>
module attributes {stable_mosaic.version = 14 : i64} {
  func.func @_sc_scatter(%arg0: i32, %arg1: i32, %arg2: memref<10240x128xf32, #tpu.memory_space<hbm>>, %arg3: memref<2560x128xi32, #tpu.memory_space<hbm>>, %arg4: memref<2560x128xi32, #tpu.memory_space<hbm>>, %arg5: memref<2x10240x128xf32, #tpu.memory_space<hbm>>, %arg6: memref<80x128xi32, #tpu.memory_space<vmem>>, %arg7: memref<80x128xi32, #tpu.memory_space<vmem>>, %arg8: memref<128x128xf32, #tpu.memory_space<vmem>>, %arg9: memref<10240x128xf32, #tpu.memory_space<vmem_shared>>, %arg10: memref<!tpu.dma_semaphore, #tpu.memory_space<semaphore_mem>>) attributes {dimension_semantics = [#tpu.dimension_semantics<core_parallel>, #tpu.dimension_semantics<subcore_parallel>], iteration_bounds = array<i64: 2, 16>, scalar_prefetch = 0 : i64, scratch_operands = 5 : i64, tpu.core_type = #tpu.core_type<sc_vector_subcore>, window_params = [{transform_indices = #map}, {transform_indices = #map}, {transform_indices = #map}, {transform_indices = #map1}]} {
    %mul3A = arith.constant 2 : i32
    %mul3A_0 = arith.muli %arg1, %mul3A : i32
    %add3A = arith.addi %mul3A_0, %arg0 : i32
    %scan3A = arith.constant 0 : i32
    %scan3A_1 = arith.constant 128 : i32
    %scan3A_2 = arith.addi %scan3A, %scan3A_1 : i32
    %scan3A_3 = arith.constant 1 : i32
    scf.for %scan3A_57 = %scan3A to %scan3A_2 step %scan3A_3  : i32 {
      %mul3A_58 = arith.constant 1 : i32
      %mul3A_59 = arith.muli %scan3A_57, %mul3A_58 : i32
      %add3A_60 = arith.constant 0 : i32
      %add3A_61 = arith.addi %add3A_60, %mul3A_59 : i32
      %broadcast_in_dim3A = arith.constant 0.000000e+00 : f32
      %broadcast_in_dim3A_62 = vector.broadcast %broadcast_in_dim3A : f32 to vector<16xf32>
      %swap3A = arith.index_cast %add3A_61 : i32 to index
      %swap3A_63 = arith.constant 0 : index
      %swap3A_64 = tpu.vector_load %arg8[%swap3A, %swap3A_63] {strides = array<i32>} : memref<128x128xf32, #tpu.memory_space<vmem>>, vector<1x16xf32>,
      %swap3A_65 = vector.shape_cast %swap3A_64 : vector<1x16xf32> to vector<16xf32>
      %swap3A_66 = vector.shape_cast %broadcast_in_dim3A_62 : vector<16xf32> to vector<1x16xf32>
      tpu.vector_store %arg8[%swap3A, %swap3A_63], %swap3A_66 {strides = array<i32>} : memref<128x128xf32, #tpu.memory_space<vmem>>, vector<1x16xf32>,
      %broadcast_in_dim3A_67 = arith.constant 0.000000e+00 : f32
      %broadcast_in_dim3A_68 = vector.broadcast %broadcast_in_dim3A_67 : f32 to vector<16xf32>
      %swap3A_69 = arith.index_cast %add3A_61 : i32 to index
      %swap3A_70 = arith.constant 16 : index
      %swap3A_71 = tpu.vector_load %arg8[%swap3A_69, %swap3A_70] {strides = array<i32>} : memref<128x128xf32, #tpu.memory_space<vmem>>, vector<1x16xf32>,
      %swap3A_72 = vector.shape_cast %swap3A_71 : vector<1x16xf32> to vector<16xf32>
      %swap3A_73 = vector.shape_cast %broadcast_in_dim3A_68 : vector<16xf32> to vector<1x16xf32>
      tpu.vector_store %arg8[%swap3A_69, %swap3A_70], %swap3A_73 {strides = array<i32>} : memref<128x128xf32, #tpu.memory_space<vmem>>, vector<1x16xf32>,
      %broadcast_in_dim3A_74 = arith.constant 0.000000e+00 : f32
      %broadcast_in_dim3A_75 = vector.broadcast %broadcast_in_dim3A_74 : f32 to vector<16xf32>
      %swap3A_76 = arith.index_cast %add3A_61 : i32 to index
      %swap3A_77 = arith.constant 32 : index
      %swap3A_78 = tpu.vector_load %arg8[%swap3A_76, %swap3A_77] {strides = array<i32>} : memref<128x128xf32, #tpu.memory_space<vmem>>, vector<1x16xf32>,
      %swap3A_79 = vector.shape_cast %swap3A_78 : vector<1x16xf32> to vector<16xf32>
      %swap3A_80 = vector.shape_cast %broadcast_in_dim3A_75 : vector<16xf32> to vector<1x16xf32>
      tpu.vector_store %arg8[%swap3A_76, %swap3A_77], %swap3A_80 {strides = array<i32>} : memref<128x128xf32, #tpu.memory_space<vmem>>, vector<1x16xf32>,
      %broadcast_in_dim3A_81 = arith.constant 0.000000e+00 : f32
      %broadcast_in_dim3A_82 = vector.broadcast %broadcast_in_dim3A_81 : f32 to vector<16xf32>
      %swap3A_83 = arith.index_cast %add3A_61 : i32 to index
      %swap3A_84 = arith.constant 48 : index
      %swap3A_85 = tpu.vector_load %arg8[%swap3A_83, %swap3A_84] {strides = array<i32>} : memref<128x128xf32, #tpu.memory_space<vmem>>, vector<1x16xf32>,
      %swap3A_86 = vector.shape_cast %swap3A_85 : vector<1x16xf32> to vector<16xf32>
      %swap3A_87 = vector.shape_cast %broadcast_in_dim3A_82 : vector<16xf32> to vector<1x16xf32>
      tpu.vector_store %arg8[%swap3A_83, %swap3A_84], %swap3A_87 {strides = array<i32>} : memref<128x128xf32, #tpu.memory_space<vmem>>, vector<1x16xf32>,
      %broadcast_in_dim3A_88 = arith.constant 0.000000e+00 : f32
      %broadcast_in_dim3A_89 = vector.broadcast %broadcast_in_dim3A_88 : f32 to vector<16xf32>
      %swap3A_90 = arith.index_cast %add3A_61 : i32 to index
      %swap3A_91 = arith.constant 64 : index
      %swap3A_92 = tpu.vector_load %arg8[%swap3A_90, %swap3A_91] {strides = array<i32>} : memref<128x128xf32, #tpu.memory_space<vmem>>, vector<1x16xf32>,
      %swap3A_93 = vector.shape_cast %swap3A_92 : vector<1x16xf32> to vector<16xf32>
      %swap3A_94 = vector.shape_cast %broadcast_in_dim3A_89 : vector<16xf32> to vector<1x16xf32>
      tpu.vector_store %arg8[%swap3A_90, %swap3A_91], %swap3A_94 {strides = array<i32>} : memref<128x128xf32, #tpu.memory_space<vmem>>, vector<1x16xf32>,
      %broadcast_in_dim3A_95 = arith.constant 0.000000e+00 : f32
      %broadcast_in_dim3A_96 = vector.broadcast %broadcast_in_dim3A_95 : f32 to vector<16xf32>
      %swap3A_97 = arith.index_cast %add3A_61 : i32 to index
      %swap3A_98 = arith.constant 80 : index
      %swap3A_99 = tpu.vector_load %arg8[%swap3A_97, %swap3A_98] {strides = array<i32>} : memref<128x128xf32, #tpu.memory_space<vmem>>, vector<1x16xf32>,
      %swap3A_100 = vector.shape_cast %swap3A_99 : vector<1x16xf32> to vector<16xf32>
      %swap3A_101 = vector.shape_cast %broadcast_in_dim3A_96 : vector<16xf32> to vector<1x16xf32>
      tpu.vector_store %arg8[%swap3A_97, %swap3A_98], %swap3A_101 {strides = array<i32>} : memref<128x128xf32, #tpu.memory_space<vmem>>, vector<1x16xf32>,
      %broadcast_in_dim3A_102 = arith.constant 0.000000e+00 : f32
      %broadcast_in_dim3A_103 = vector.broadcast %broadcast_in_dim3A_102 : f32 to vector<16xf32>
      %swap3A_104 = arith.index_cast %add3A_61 : i32 to index
      %swap3A_105 = arith.constant 96 : index
      %swap3A_106 = tpu.vector_load %arg8[%swap3A_104, %swap3A_105] {strides = array<i32>} : memref<128x128xf32, #tpu.memory_space<vmem>>, vector<1x16xf32>,
      %swap3A_107 = vector.shape_cast %swap3A_106 : vector<1x16xf32> to vector<16xf32>
      %swap3A_108 = vector.shape_cast %broadcast_in_dim3A_103 : vector<16xf32> to vector<1x16xf32>
      tpu.vector_store %arg8[%swap3A_104, %swap3A_105], %swap3A_108 {strides = array<i32>} : memref<128x128xf32, #tpu.memory_space<vmem>>, vector<1x16xf32>,
      %broadcast_in_dim3A_109 = arith.constant 0.000000e+00 : f32
      %broadcast_in_dim3A_110 = vector.broadcast %broadcast_in_dim3A_109 : f32 to vector<16xf32>
      %swap3A_111 = arith.index_cast %add3A_61 : i32 to index
      %swap3A_112 = arith.constant 112 : index
      %swap3A_113 = tpu.vector_load %arg8[%swap3A_111, %swap3A_112] {strides = array<i32>} : memref<128x128xf32, #tpu.memory_space<vmem>>, vector<1x16xf32>,
      %swap3A_114 = vector.shape_cast %swap3A_113 : vector<1x16xf32> to vector<16xf32>
      %swap3A_115 = vector.shape_cast %broadcast_in_dim3A_110 : vector<16xf32> to vector<1x16xf32>
      tpu.vector_store %arg8[%swap3A_111, %swap3A_112], %swap3A_115 {strides = array<i32>} : memref<128x128xf32, #tpu.memory_space<vmem>>, vector<1x16xf32>,
    }
    %scan3A_4 = arith.constant 128 : i32
    %mul3A_5 = arith.constant 640 : i32
    %mul3A_6 = arith.muli %arg1, %mul3A_5 : i32
    %add3A_7 = arith.constant 0 : i32
    %add3A_8 = arith.addi %mul3A_6, %add3A_7 : i32
    "tpu.region"() ({
      %run_scoped3A = tpu.sem_alloc : memref<!tpu.dma_semaphore, #tpu.memory_space<semaphore_mem>>
      %dma_start3A = arith.constant 0 : i32
      %dma_start3A_57 = tpu.memref_slice %arg9[%add3A_8, %dma_start3A] : memref<10240x128xf32, #tpu.memory_space<vmem_shared>> -> memref<128x128xf32, #tpu.memory_space<vmem_shared>>
      %dma_start3A_58 = arith.constant 0 : i32
      %dma_start3A_59 = tpu.memref_slice %arg9[%add3A_8, %dma_start3A_58] : memref<10240x128xf32, #tpu.memory_space<vmem_shared>> -> memref<128x128xf32, #tpu.memory_space<vmem_shared>>
      tpu.enqueue_dma source(%arg8 : memref<128x128xf32, #tpu.memory_space<vmem>>) target(%dma_start3A_59 : memref<128x128xf32, #tpu.memory_space<vmem_shared>>) target_semaphore(%run_scoped3A : memref<!tpu.dma_semaphore, #tpu.memory_space<semaphore_mem>>)
      %dma_wait3A = arith.constant 0 : i32
      %dma_wait3A_60 = tpu.memref_slice %arg9[%add3A_8, %dma_wait3A] : memref<10240x128xf32, #tpu.memory_space<vmem_shared>> -> memref<128x128xf32, #tpu.memory_space<vmem_shared>>
      %dma_wait3A_61 = arith.constant 0 : i32
      %dma_wait3A_62 = tpu.memref_slice %arg9[%add3A_8, %dma_wait3A_61] : memref<10240x128xf32, #tpu.memory_space<vmem_shared>> -> memref<128x128xf32, #tpu.memory_space<vmem_shared>>
      tpu.wait_dma2 semaphore(%run_scoped3A : memref<!tpu.dma_semaphore, #tpu.memory_space<semaphore_mem>>) src(%arg8 : memref<128x128xf32, #tpu.memory_space<vmem>>) dst(%dma_wait3A_62 : memref<128x128xf32, #tpu.memory_space<vmem_shared>>)
      tpu.yield
    }) : () -> ()
    %mul3A_9 = arith.constant 640 : i32
    %mul3A_10 = arith.muli %arg1, %mul3A_9 : i32
    %add3A_11 = arith.constant 128 : i32
    %add3A_12 = arith.addi %mul3A_10, %add3A_11 : i32
    "tpu.region"() ({
      %run_scoped3A = tpu.sem_alloc : memref<!tpu.dma_semaphore, #tpu.memory_space<semaphore_mem>>
      %dma_start3A = arith.constant 0 : i32
      %dma_start3A_57 = tpu.memref_slice %arg9[%add3A_12, %dma_start3A] : memref<10240x128xf32, #tpu.memory_space<vmem_shared>> -> memref<128x128xf32, #tpu.memory_space<vmem_shared>>
      %dma_start3A_58 = arith.constant 0 : i32
      %dma_start3A_59 = tpu.memref_slice %arg9[%add3A_12, %dma_start3A_58] : memref<10240x128xf32, #tpu.memory_space<vmem_shared>> -> memref<128x128xf32, #tpu.memory_space<vmem_shared>>
      tpu.enqueue_dma source(%arg8 : memref<128x128xf32, #tpu.memory_space<vmem>>) target(%dma_start3A_59 : memref<128x128xf32, #tpu.memory_space<vmem_shared>>) target_semaphore(%run_scoped3A : memref<!tpu.dma_semaphore, #tpu.memory_space<semaphore_mem>>)
      %dma_wait3A = arith.constant 0 : i32
      %dma_wait3A_60 = tpu.memref_slice %arg9[%add3A_12, %dma_wait3A] : memref<10240x128xf32, #tpu.memory_space<vmem_shared>> -> memref<128x128xf32, #tpu.memory_space<vmem_shared>>
      %dma_wait3A_61 = arith.constant 0 : i32
      %dma_wait3A_62 = tpu.memref_slice %arg9[%add3A_12, %dma_wait3A_61] : memref<10240x128xf32, #tpu.memory_space<vmem_shared>> -> memref<128x128xf32, #tpu.memory_space<vmem_shared>>
      tpu.wait_dma2 semaphore(%run_scoped3A : memref<!tpu.dma_semaphore, #tpu.memory_space<semaphore_mem>>) src(%arg8 : memref<128x128xf32, #tpu.memory_space<vmem>>) dst(%dma_wait3A_62 : memref<128x128xf32, #tpu.memory_space<vmem_shared>>)
      tpu.yield
    }) : () -> ()
    %mul3A_13 = arith.constant 640 : i32
    %mul3A_14 = arith.muli %arg1, %mul3A_13 : i32
    %add3A_15 = arith.constant 256 : i32
    %add3A_16 = arith.addi %mul3A_14, %add3A_15 : i32
    "tpu.region"() ({
      %run_scoped3A = tpu.sem_alloc : memref<!tpu.dma_semaphore, #tpu.memory_space<semaphore_mem>>
      %dma_start3A = arith.constant 0 : i32
      %dma_start3A_57 = tpu.memref_slice %arg9[%add3A_16, %dma_start3A] : memref<10240x128xf32, #tpu.memory_space<vmem_shared>> -> memref<128x128xf32, #tpu.memory_space<vmem_shared>>
      %dma_start3A_58 = arith.constant 0 : i32
      %dma_start3A_59 = tpu.memref_slice %arg9[%add3A_16, %dma_start3A_58] : memref<10240x128xf32, #tpu.memory_space<vmem_shared>> -> memref<128x128xf32, #tpu.memory_space<vmem_shared>>
      tpu.enqueue_dma source(%arg8 : memref<128x128xf32, #tpu.memory_space<vmem>>) target(%dma_start3A_59 : memref<128x128xf32, #tpu.memory_space<vmem_shared>>) target_semaphore(%run_scoped3A : memref<!tpu.dma_semaphore, #tpu.memory_space<semaphore_mem>>)
      %dma_wait3A = arith.constant 0 : i32
      %dma_wait3A_60 = tpu.memref_slice %arg9[%add3A_16, %dma_wait3A] : memref<10240x128xf32, #tpu.memory_space<vmem_shared>> -> memref<128x128xf32, #tpu.memory_space<vmem_shared>>
      %dma_wait3A_61 = arith.constant 0 : i32
      %dma_wait3A_62 = tpu.memref_slice %arg9[%add3A_16, %dma_wait3A_61] : memref<10240x128xf32, #tpu.memory_space<vmem_shared>> -> memref<128x128xf32, #tpu.memory_space<vmem_shared>>
      tpu.wait_dma2 semaphore(%run_scoped3A : memref<!tpu.dma_semaphore, #tpu.memory_space<semaphore_mem>>) src(%arg8 : memref<128x128xf32, #tpu.memory_space<vmem>>) dst(%dma_wait3A_62 : memref<128x128xf32, #tpu.memory_space<vmem_shared>>)
      tpu.yield
    }) : () -> ()
    %mul3A_17 = arith.constant 640 : i32
    %mul3A_18 = arith.muli %arg1, %mul3A_17 : i32
    %add3A_19 = arith.constant 384 : i32
    %add3A_20 = arith.addi %mul3A_18, %add3A_19 : i32
    "tpu.region"() ({
      %run_scoped3A = tpu.sem_alloc : memref<!tpu.dma_semaphore, #tpu.memory_space<semaphore_mem>>
      %dma_start3A = arith.constant 0 : i32
      %dma_start3A_57 = tpu.memref_slice %arg9[%add3A_20, %dma_start3A] : memref<10240x128xf32, #tpu.memory_space<vmem_shared>> -> memref<128x128xf32, #tpu.memory_space<vmem_shared>>
      %dma_start3A_58 = arith.constant 0 : i32
      %dma_start3A_59 = tpu.memref_slice %arg9[%add3A_20, %dma_start3A_58] : memref<10240x128xf32, #tpu.memory_space<vmem_shared>> -> memref<128x128xf32, #tpu.memory_space<vmem_shared>>
      tpu.enqueue_dma source(%arg8 : memref<128x128xf32, #tpu.memory_space<vmem>>) target(%dma_start3A_59 : memref<128x128xf32, #tpu.memory_space<vmem_shared>>) target_semaphore(%run_scoped3A : memref<!tpu.dma_semaphore, #tpu.memory_space<semaphore_mem>>)
      %dma_wait3A = arith.constant 0 : i32
      %dma_wait3A_60 = tpu.memref_slice %arg9[%add3A_20, %dma_wait3A] : memref<10240x128xf32, #tpu.memory_space<vmem_shared>> -> memref<128x128xf32, #tpu.memory_space<vmem_shared>>
      %dma_wait3A_61 = arith.constant 0 : i32
      %dma_wait3A_62 = tpu.memref_slice %arg9[%add3A_20, %dma_wait3A_61] : memref<10240x128xf32, #tpu.memory_space<vmem_shared>> -> memref<128x128xf32, #tpu.memory_space<vmem_shared>>
      tpu.wait_dma2 semaphore(%run_scoped3A : memref<!tpu.dma_semaphore, #tpu.memory_space<semaphore_mem>>) src(%arg8 : memref<128x128xf32, #tpu.memory_space<vmem>>) dst(%dma_wait3A_62 : memref<128x128xf32, #tpu.memory_space<vmem_shared>>)
      tpu.yield
    }) : () -> ()
    %mul3A_21 = arith.constant 640 : i32
    %mul3A_22 = arith.muli %arg1, %mul3A_21 : i32
    %add3A_23 = arith.constant 512 : i32
    %add3A_24 = arith.addi %mul3A_22, %add3A_23 : i32
    "tpu.region"() ({
      %run_scoped3A = tpu.sem_alloc : memref<!tpu.dma_semaphore, #tpu.memory_space<semaphore_mem>>
      %dma_start3A = arith.constant 0 : i32
      %dma_start3A_57 = tpu.memref_slice %arg9[%add3A_24, %dma_start3A] : memref<10240x128xf32, #tpu.memory_space<vmem_shared>> -> memref<128x128xf32, #tpu.memory_space<vmem_shared>>
      %dma_start3A_58 = arith.constant 0 : i32
      %dma_start3A_59 = tpu.memref_slice %arg9[%add3A_24, %dma_start3A_58] : memref<10240x128xf32, #tpu.memory_space<vmem_shared>> -> memref<128x128xf32, #tpu.memory_space<vmem_shared>>
      tpu.enqueue_dma source(%arg8 : memref<128x128xf32, #tpu.memory_space<vmem>>) target(%dma_start3A_59 : memref<128x128xf32, #tpu.memory_space<vmem_shared>>) target_semaphore(%run_scoped3A : memref<!tpu.dma_semaphore, #tpu.memory_space<semaphore_mem>>)
      %dma_wait3A = arith.constant 0 : i32
      %dma_wait3A_60 = tpu.memref_slice %arg9[%add3A_24, %dma_wait3A] : memref<10240x128xf32, #tpu.memory_space<vmem_shared>> -> memref<128x128xf32, #tpu.memory_space<vmem_shared>>
      %dma_wait3A_61 = arith.constant 0 : i32
      %dma_wait3A_62 = tpu.memref_slice %arg9[%add3A_24, %dma_wait3A_61] : memref<10240x128xf32, #tpu.memory_space<vmem_shared>> -> memref<128x128xf32, #tpu.memory_space<vmem_shared>>
      tpu.wait_dma2 semaphore(%run_scoped3A : memref<!tpu.dma_semaphore, #tpu.memory_space<semaphore_mem>>) src(%arg8 : memref<128x128xf32, #tpu.memory_space<vmem>>) dst(%dma_wait3A_62 : memref<128x128xf32, #tpu.memory_space<vmem_shared>>)
      tpu.yield
    }) : () -> ()
    %mul3A_25 = arith.constant 80 : i32
    %mul3A_26 = arith.muli %add3A, %mul3A_25 : i32
    "tpu.region"() ({
      %run_scoped3A = tpu.sem_alloc : memref<!tpu.dma_semaphore, #tpu.memory_space<semaphore_mem>>
      %dma_start3A = arith.constant 0 : i32
      %dma_start3A_57 = tpu.memref_slice %arg3[%mul3A_26, %dma_start3A] : memref<2560x128xi32, #tpu.memory_space<hbm>> -> memref<80x128xi32, #tpu.memory_space<hbm>>
      %dma_start3A_58 = arith.constant 0 : i32
      %dma_start3A_59 = tpu.memref_slice %arg3[%mul3A_26, %dma_start3A_58] : memref<2560x128xi32, #tpu.memory_space<hbm>> -> memref<80x128xi32, #tpu.memory_space<hbm>>
      tpu.enqueue_dma source(%dma_start3A_59 : memref<80x128xi32, #tpu.memory_space<hbm>>) target(%arg6 : memref<80x128xi32, #tpu.memory_space<vmem>>) target_semaphore(%run_scoped3A : memref<!tpu.dma_semaphore, #tpu.memory_space<semaphore_mem>>)
      %dma_wait3A = arith.constant 0 : i32
      %dma_wait3A_60 = tpu.memref_slice %arg3[%mul3A_26, %dma_wait3A] : memref<2560x128xi32, #tpu.memory_space<hbm>> -> memref<80x128xi32, #tpu.memory_space<hbm>>
      %dma_wait3A_61 = arith.constant 0 : i32
      %dma_wait3A_62 = tpu.memref_slice %arg3[%mul3A_26, %dma_wait3A_61] : memref<2560x128xi32, #tpu.memory_space<hbm>> -> memref<80x128xi32, #tpu.memory_space<hbm>>
      tpu.wait_dma2 semaphore(%run_scoped3A : memref<!tpu.dma_semaphore, #tpu.memory_space<semaphore_mem>>) src(%dma_wait3A_62 : memref<80x128xi32, #tpu.memory_space<hbm>>) dst(%arg6 : memref<80x128xi32, #tpu.memory_space<vmem>>)
      tpu.yield
    }) : () -> ()
    %mul3A_27 = arith.constant 80 : i32
    %mul3A_28 = arith.muli %add3A, %mul3A_27 : i32
    "tpu.region"() ({
      %run_scoped3A = tpu.sem_alloc : memref<!tpu.dma_semaphore, #tpu.memory_space<semaphore_mem>>
      %dma_start3A = arith.constant 0 : i32
      %dma_start3A_57 = tpu.memref_slice %arg4[%mul3A_28, %dma_start3A] : memref<2560x128xi32, #tpu.memory_space<hbm>> -> memref<80x128xi32, #tpu.memory_space<hbm>>
      %dma_start3A_58 = arith.constant 0 : i32
      %dma_start3A_59 = tpu.memref_slice %arg4[%mul3A_28, %dma_start3A_58] : memref<2560x128xi32, #tpu.memory_space<hbm>> -> memref<80x128xi32, #tpu.memory_space<hbm>>
      tpu.enqueue_dma source(%dma_start3A_59 : memref<80x128xi32, #tpu.memory_space<hbm>>) target(%arg7 : memref<80x128xi32, #tpu.memory_space<vmem>>) target_semaphore(%run_scoped3A : memref<!tpu.dma_semaphore, #tpu.memory_space<semaphore_mem>>)
      %dma_wait3A = arith.constant 0 : i32
      %dma_wait3A_60 = tpu.memref_slice %arg4[%mul3A_28, %dma_wait3A] : memref<2560x128xi32, #tpu.memory_space<hbm>> -> memref<80x128xi32, #tpu.memory_space<hbm>>
      %dma_wait3A_61 = arith.constant 0 : i32
      %dma_wait3A_62 = tpu.memref_slice %arg4[%mul3A_28, %dma_wait3A_61] : memref<2560x128xi32, #tpu.memory_space<hbm>> -> memref<80x128xi32, #tpu.memory_space<hbm>>
      tpu.wait_dma2 semaphore(%run_scoped3A : memref<!tpu.dma_semaphore, #tpu.memory_space<semaphore_mem>>) src(%dma_wait3A_62 : memref<80x128xi32, #tpu.memory_space<hbm>>) dst(%arg7 : memref<80x128xi32, #tpu.memory_space<vmem>>)
      tpu.yield
    }) : () -> ()
    %barrier3A = arith.constant 0 : index
    tpu.barrier barrier_id(%barrier3A)
    %scan3A_29 = arith.constant 0 : i32
    %scan3A_30 = arith.constant 80 : i32
    %scan3A_31 = arith.addi %scan3A_29, %scan3A_30 : i32
    %scan3A_32 = arith.constant 1 : i32
    scf.for %scan3A_57 = %scan3A_29 to %scan3A_31 step %scan3A_32  : i32 {
      %mul3A_58 = arith.constant 1 : i32
      %mul3A_59 = arith.muli %scan3A_57, %mul3A_58 : i32
      %add3A_60 = arith.constant 0 : i32
      %add3A_61 = arith.addi %add3A_60, %mul3A_59 : i32
      %dma_start3A = arith.constant 0 : i32
      %dma_start3A_62 = tpu.memref_slice %arg6[%add3A_61, %dma_start3A] : memref<80x128xi32, #tpu.memory_space<vmem>> -> memref<1x128xi32, #tpu.memory_space<vmem>>
      %dma_start3A_63 = tpu.memref_squeeze %dma_start3A_62 : memref<1x128xi32, #tpu.memory_space<vmem>> -> memref<128xi32, #tpu.memory_space<vmem>>
      %dma_start3A_64 = arith.constant 0 : i32
      %dma_start3A_65 = arith.constant 0 : i32
      %dma_start3A_66 = tpu.memref_slice %arg2[%dma_start3A_64, %dma_start3A_65] : memref<10240x128xf32, #tpu.memory_space<hbm>> -> memref<10240x128xf32, #tpu.memory_space<hbm>>
      tpu.enqueue_indirect_dma source(%dma_start3A_66 : memref<10240x128xf32, #tpu.memory_space<hbm>>) target(%arg8 : memref<128x128xf32, #tpu.memory_space<vmem>>) offsets(%dma_start3A_63 : memref<128xi32, #tpu.memory_space<vmem>>) semaphore(%arg10 : memref<!tpu.dma_semaphore, #tpu.memory_space<semaphore_mem>>)
      %dma_wait3A = arith.constant 0 : i32
      %dma_wait3A_67 = tpu.memref_slice %arg6[%add3A_61, %dma_wait3A] : memref<80x128xi32, #tpu.memory_space<vmem>> -> memref<1x128xi32, #tpu.memory_space<vmem>>
      %dma_wait3A_68 = tpu.memref_squeeze %dma_wait3A_67 : memref<1x128xi32, #tpu.memory_space<vmem>> -> memref<128xi32, #tpu.memory_space<vmem>>
      %dma_wait3A_69 = arith.constant 0 : i32
      %dma_wait3A_70 = arith.constant 0 : i32
      %dma_wait3A_71 = tpu.memref_slice %arg2[%dma_wait3A_69, %dma_wait3A_70] : memref<10240x128xf32, #tpu.memory_space<hbm>> -> memref<10240x128xf32, #tpu.memory_space<hbm>>
      tpu.wait_indirect_dma semaphore(%arg10 : memref<!tpu.dma_semaphore, #tpu.memory_space<semaphore_mem>>) src(%dma_wait3A_71 : memref<10240x128xf32, #tpu.memory_space<hbm>>) dst(%arg8 : memref<128x128xf32, #tpu.memory_space<vmem>>)
      "tpu.region"() ({
        %run_scoped3A = tpu.sem_alloc : memref<!tpu.dma_semaphore, #tpu.memory_space<semaphore_mem>>
        %dma_start3A_72 = arith.constant 0 : i32
        %dma_start3A_73 = tpu.memref_slice %arg7[%add3A_61, %dma_start3A_72] : memref<80x128xi32, #tpu.memory_space<vmem>> -> memref<1x128xi32, #tpu.memory_space<vmem>>
        %dma_start3A_74 = tpu.memref_squeeze %dma_start3A_73 : memref<1x128xi32, #tpu.memory_space<vmem>> -> memref<128xi32, #tpu.memory_space<vmem>>
        %dma_start3A_75 = arith.constant 0 : i32
        %dma_start3A_76 = arith.constant 0 : i32
        %dma_start3A_77 = tpu.memref_slice %arg9[%dma_start3A_75, %dma_start3A_76] : memref<10240x128xf32, #tpu.memory_space<vmem_shared>> -> memref<10240x128xf32, #tpu.memory_space<vmem_shared>>
        tpu.enqueue_indirect_dma source(%arg8 : memref<128x128xf32, #tpu.memory_space<vmem>>) target(%dma_start3A_77 : memref<10240x128xf32, #tpu.memory_space<vmem_shared>>) offsets(%dma_start3A_74 : memref<128xi32, #tpu.memory_space<vmem>>) semaphore(%run_scoped3A : memref<!tpu.dma_semaphore, #tpu.memory_space<semaphore_mem>>) {add = true}
        %dma_wait3A_78 = arith.constant 0 : i32
        %dma_wait3A_79 = tpu.memref_slice %arg7[%add3A_61, %dma_wait3A_78] : memref<80x128xi32, #tpu.memory_space<vmem>> -> memref<1x128xi32, #tpu.memory_space<vmem>>
        %dma_wait3A_80 = tpu.memref_squeeze %dma_wait3A_79 : memref<1x128xi32, #tpu.memory_space<vmem>> -> memref<128xi32, #tpu.memory_space<vmem>>
        %dma_wait3A_81 = arith.constant 0 : i32
        %dma_wait3A_82 = arith.constant 0 : i32
        %dma_wait3A_83 = tpu.memref_slice %arg9[%dma_wait3A_81, %dma_wait3A_82] : memref<10240x128xf32, #tpu.memory_space<vmem_shared>> -> memref<10240x128xf32, #tpu.memory_space<vmem_shared>>
        tpu.wait_indirect_dma semaphore(%run_scoped3A : memref<!tpu.dma_semaphore, #tpu.memory_space<semaphore_mem>>) src(%arg8 : memref<128x128xf32, #tpu.memory_space<vmem>>) dst(%dma_wait3A_83 : memref<10240x128xf32, #tpu.memory_space<vmem_shared>>)
        tpu.yield
      }) : () -> ()
    }
    %scan3A_33 = arith.constant 80 : i32
    %barrier3A_34 = arith.constant 0 : index
    tpu.barrier barrier_id(%barrier3A_34)
    %mul3A_35 = arith.constant 640 : i32
    %mul3A_36 = arith.muli %arg1, %mul3A_35 : i32
    %add3A_37 = arith.constant 0 : i32
    %add3A_38 = arith.addi %mul3A_36, %add3A_37 : i32
    "tpu.region"() ({
      %run_scoped3A = tpu.sem_alloc : memref<!tpu.dma_semaphore, #tpu.memory_space<semaphore_mem>>
      %dma_start3A = arith.constant 0 : i32
      %dma_start3A_57 = tpu.memref_slice %arg9[%add3A_38, %dma_start3A] : memref<10240x128xf32, #tpu.memory_space<vmem_shared>> -> memref<128x128xf32, #tpu.memory_space<vmem_shared>>
      %dma_start3A_58 = arith.constant 0 : i32
      %dma_start3A_59 = tpu.memref_slice %arg9[%add3A_38, %dma_start3A_58] : memref<10240x128xf32, #tpu.memory_space<vmem_shared>> -> memref<128x128xf32, #tpu.memory_space<vmem_shared>>
      tpu.enqueue_dma source(%dma_start3A_59 : memref<128x128xf32, #tpu.memory_space<vmem_shared>>) target(%arg8 : memref<128x128xf32, #tpu.memory_space<vmem>>) target_semaphore(%run_scoped3A : memref<!tpu.dma_semaphore, #tpu.memory_space<semaphore_mem>>)
      %dma_wait3A = arith.constant 0 : i32
      %dma_wait3A_60 = tpu.memref_slice %arg9[%add3A_38, %dma_wait3A] : memref<10240x128xf32, #tpu.memory_space<vmem_shared>> -> memref<128x128xf32, #tpu.memory_space<vmem_shared>>
      %dma_wait3A_61 = arith.constant 0 : i32
      %dma_wait3A_62 = tpu.memref_slice %arg9[%add3A_38, %dma_wait3A_61] : memref<10240x128xf32, #tpu.memory_space<vmem_shared>> -> memref<128x128xf32, #tpu.memory_space<vmem_shared>>
      tpu.wait_dma2 semaphore(%run_scoped3A : memref<!tpu.dma_semaphore, #tpu.memory_space<semaphore_mem>>) src(%dma_wait3A_62 : memref<128x128xf32, #tpu.memory_space<vmem_shared>>) dst(%arg8 : memref<128x128xf32, #tpu.memory_space<vmem>>)
      tpu.yield
    }) : () -> ()
    %add3A_39 = arith.constant 0 : i32
    %add3A_40 = arith.addi %mul3A_36, %add3A_39 : i32
    "tpu.region"() ({
      %run_scoped3A = tpu.sem_alloc : memref<!tpu.dma_semaphore, #tpu.memory_space<semaphore_mem>>
      %dma_start3A = arith.constant 0 : i32
      %dma_start3A_57 = tpu.memref_slice %arg5[%arg0, %add3A_40, %dma_start3A] : memref<2x10240x128xf32, #tpu.memory_space<hbm>> -> memref<1x128x128xf32, #tpu.memory_space<hbm>>
      %dma_start3A_58 = tpu.memref_squeeze %dma_start3A_57 : memref<1x128x128xf32, #tpu.memory_space<hbm>> -> memref<128x128xf32, #tpu.memory_space<hbm>>
      %dma_start3A_59 = arith.constant 0 : i32
      %dma_start3A_60 = tpu.memref_slice %arg5[%arg0, %add3A_40, %dma_start3A_59] : memref<2x10240x128xf32, #tpu.memory_space<hbm>> -> memref<1x128x128xf32, #tpu.memory_space<hbm>>
      %dma_start3A_61 = tpu.memref_squeeze %dma_start3A_60 : memref<1x128x128xf32, #tpu.memory_space<hbm>> -> memref<128x128xf32, #tpu.memory_space<hbm>>
      tpu.enqueue_dma source(%arg8 : memref<128x128xf32, #tpu.memory_space<vmem>>) target(%dma_start3A_61 : memref<128x128xf32, #tpu.memory_space<hbm>>) target_semaphore(%run_scoped3A : memref<!tpu.dma_semaphore, #tpu.memory_space<semaphore_mem>>)
      %dma_wait3A = arith.constant 0 : i32
      %dma_wait3A_62 = tpu.memref_slice %arg5[%arg0, %add3A_40, %dma_wait3A] : memref<2x10240x128xf32, #tpu.memory_space<hbm>> -> memref<1x128x128xf32, #tpu.memory_space<hbm>>
      %dma_wait3A_63 = tpu.memref_squeeze %dma_wait3A_62 : memref<1x128x128xf32, #tpu.memory_space<hbm>> -> memref<128x128xf32, #tpu.memory_space<hbm>>
      %dma_wait3A_64 = arith.constant 0 : i32
      %dma_wait3A_65 = tpu.memref_slice %arg5[%arg0, %add3A_40, %dma_wait3A_64] : memref<2x10240x128xf32, #tpu.memory_space<hbm>> -> memref<1x128x128xf32, #tpu.memory_space<hbm>>
      %dma_wait3A_66 = tpu.memref_squeeze %dma_wait3A_65 : memref<1x128x128xf32, #tpu.memory_space<hbm>> -> memref<128x128xf32, #tpu.memory_space<hbm>>
      tpu.wait_dma2 semaphore(%run_scoped3A : memref<!tpu.dma_semaphore, #tpu.memory_space<semaphore_mem>>) src(%arg8 : memref<128x128xf32, #tpu.memory_space<vmem>>) dst(%dma_wait3A_66 : memref<128x128xf32, #tpu.memory_space<hbm>>)
      tpu.yield
    }) : () -> ()
    %add3A_41 = arith.constant 128 : i32
    %add3A_42 = arith.addi %mul3A_36, %add3A_41 : i32
    "tpu.region"() ({
      %run_scoped3A = tpu.sem_alloc : memref<!tpu.dma_semaphore, #tpu.memory_space<semaphore_mem>>
      %dma_start3A = arith.constant 0 : i32
      %dma_start3A_57 = tpu.memref_slice %arg9[%add3A_42, %dma_start3A] : memref<10240x128xf32, #tpu.memory_space<vmem_shared>> -> memref<128x128xf32, #tpu.memory_space<vmem_shared>>
      %dma_start3A_58 = arith.constant 0 : i32
      %dma_start3A_59 = tpu.memref_slice %arg9[%add3A_42, %dma_start3A_58] : memref<10240x128xf32, #tpu.memory_space<vmem_shared>> -> memref<128x128xf32, #tpu.memory_space<vmem_shared>>
      tpu.enqueue_dma source(%dma_start3A_59 : memref<128x128xf32, #tpu.memory_space<vmem_shared>>) target(%arg8 : memref<128x128xf32, #tpu.memory_space<vmem>>) target_semaphore(%run_scoped3A : memref<!tpu.dma_semaphore, #tpu.memory_space<semaphore_mem>>)
      %dma_wait3A = arith.constant 0 : i32
      %dma_wait3A_60 = tpu.memref_slice %arg9[%add3A_42, %dma_wait3A] : memref<10240x128xf32, #tpu.memory_space<vmem_shared>> -> memref<128x128xf32, #tpu.memory_space<vmem_shared>>
      %dma_wait3A_61 = arith.constant 0 : i32
      %dma_wait3A_62 = tpu.memref_slice %arg9[%add3A_42, %dma_wait3A_61] : memref<10240x128xf32, #tpu.memory_space<vmem_shared>> -> memref<128x128xf32, #tpu.memory_space<vmem_shared>>
      tpu.wait_dma2 semaphore(%run_scoped3A : memref<!tpu.dma_semaphore, #tpu.memory_space<semaphore_mem>>) src(%dma_wait3A_62 : memref<128x128xf32, #tpu.memory_space<vmem_shared>>) dst(%arg8 : memref<128x128xf32, #tpu.memory_space<vmem>>)
      tpu.yield
    }) : () -> ()
    %add3A_43 = arith.constant 128 : i32
    %add3A_44 = arith.addi %mul3A_36, %add3A_43 : i32
    "tpu.region"() ({
      %run_scoped3A = tpu.sem_alloc : memref<!tpu.dma_semaphore, #tpu.memory_space<semaphore_mem>>
      %dma_start3A = arith.constant 0 : i32
      %dma_start3A_57 = tpu.memref_slice %arg5[%arg0, %add3A_44, %dma_start3A] : memref<2x10240x128xf32, #tpu.memory_space<hbm>> -> memref<1x128x128xf32, #tpu.memory_space<hbm>>
      %dma_start3A_58 = tpu.memref_squeeze %dma_start3A_57 : memref<1x128x128xf32, #tpu.memory_space<hbm>> -> memref<128x128xf32, #tpu.memory_space<hbm>>
      %dma_start3A_59 = arith.constant 0 : i32
      %dma_start3A_60 = tpu.memref_slice %arg5[%arg0, %add3A_44, %dma_start3A_59] : memref<2x10240x128xf32, #tpu.memory_space<hbm>> -> memref<1x128x128xf32, #tpu.memory_space<hbm>>
      %dma_start3A_61 = tpu.memref_squeeze %dma_start3A_60 : memref<1x128x128xf32, #tpu.memory_space<hbm>> -> memref<128x128xf32, #tpu.memory_space<hbm>>
      tpu.enqueue_dma source(%arg8 : memref<128x128xf32, #tpu.memory_space<vmem>>) target(%dma_start3A_61 : memref<128x128xf32, #tpu.memory_space<hbm>>) target_semaphore(%run_scoped3A : memref<!tpu.dma_semaphore, #tpu.memory_space<semaphore_mem>>)
      %dma_wait3A = arith.constant 0 : i32
      %dma_wait3A_62 = tpu.memref_slice %arg5[%arg0, %add3A_44, %dma_wait3A] : memref<2x10240x128xf32, #tpu.memory_space<hbm>> -> memref<1x128x128xf32, #tpu.memory_space<hbm>>
      %dma_wait3A_63 = tpu.memref_squeeze %dma_wait3A_62 : memref<1x128x128xf32, #tpu.memory_space<hbm>> -> memref<128x128xf32, #tpu.memory_space<hbm>>
      %dma_wait3A_64 = arith.constant 0 : i32
      %dma_wait3A_65 = tpu.memref_slice %arg5[%arg0, %add3A_44, %dma_wait3A_64] : memref<2x10240x128xf32, #tpu.memory_space<hbm>> -> memref<1x128x128xf32, #tpu.memory_space<hbm>>
      %dma_wait3A_66 = tpu.memref_squeeze %dma_wait3A_65 : memref<1x128x128xf32, #tpu.memory_space<hbm>> -> memref<128x128xf32, #tpu.memory_space<hbm>>
      tpu.wait_dma2 semaphore(%run_scoped3A : memref<!tpu.dma_semaphore, #tpu.memory_space<semaphore_mem>>) src(%arg8 : memref<128x128xf32, #tpu.memory_space<vmem>>) dst(%dma_wait3A_66 : memref<128x128xf32, #tpu.memory_space<hbm>>)
      tpu.yield
    }) : () -> ()
    %add3A_45 = arith.constant 256 : i32
    %add3A_46 = arith.addi %mul3A_36, %add3A_45 : i32
    "tpu.region"() ({
      %run_scoped3A = tpu.sem_alloc : memref<!tpu.dma_semaphore, #tpu.memory_space<semaphore_mem>>
      %dma_start3A = arith.constant 0 : i32
      %dma_start3A_57 = tpu.memref_slice %arg9[%add3A_46, %dma_start3A] : memref<10240x128xf32, #tpu.memory_space<vmem_shared>> -> memref<128x128xf32, #tpu.memory_space<vmem_shared>>
      %dma_start3A_58 = arith.constant 0 : i32
      %dma_start3A_59 = tpu.memref_slice %arg9[%add3A_46, %dma_start3A_58] : memref<10240x128xf32, #tpu.memory_space<vmem_shared>> -> memref<128x128xf32, #tpu.memory_space<vmem_shared>>
      tpu.enqueue_dma source(%dma_start3A_59 : memref<128x128xf32, #tpu.memory_space<vmem_shared>>) target(%arg8 : memref<128x128xf32, #tpu.memory_space<vmem>>) target_semaphore(%run_scoped3A : memref<!tpu.dma_semaphore, #tpu.memory_space<semaphore_mem>>)
      %dma_wait3A = arith.constant 0 : i32
      %dma_wait3A_60 = tpu.memref_slice %arg9[%add3A_46, %dma_wait3A] : memref<10240x128xf32, #tpu.memory_space<vmem_shared>> -> memref<128x128xf32, #tpu.memory_space<vmem_shared>>
      %dma_wait3A_61 = arith.constant 0 : i32
      %dma_wait3A_62 = tpu.memref_slice %arg9[%add3A_46, %dma_wait3A_61] : memref<10240x128xf32, #tpu.memory_space<vmem_shared>> -> memref<128x128xf32, #tpu.memory_space<vmem_shared>>
      tpu.wait_dma2 semaphore(%run_scoped3A : memref<!tpu.dma_semaphore, #tpu.memory_space<semaphore_mem>>) src(%dma_wait3A_62 : memref<128x128xf32, #tpu.memory_space<vmem_shared>>) dst(%arg8 : memref<128x128xf32, #tpu.memory_space<vmem>>)
      tpu.yield
    }) : () -> ()
    %add3A_47 = arith.constant 256 : i32
    %add3A_48 = arith.addi %mul3A_36, %add3A_47 : i32
    "tpu.region"() ({
      %run_scoped3A = tpu.sem_alloc : memref<!tpu.dma_semaphore, #tpu.memory_space<semaphore_mem>>
      %dma_start3A = arith.constant 0 : i32
      %dma_start3A_57 = tpu.memref_slice %arg5[%arg0, %add3A_48, %dma_start3A] : memref<2x10240x128xf32, #tpu.memory_space<hbm>> -> memref<1x128x128xf32, #tpu.memory_space<hbm>>
      %dma_start3A_58 = tpu.memref_squeeze %dma_start3A_57 : memref<1x128x128xf32, #tpu.memory_space<hbm>> -> memref<128x128xf32, #tpu.memory_space<hbm>>
      %dma_start3A_59 = arith.constant 0 : i32
      %dma_start3A_60 = tpu.memref_slice %arg5[%arg0, %add3A_48, %dma_start3A_59] : memref<2x10240x128xf32, #tpu.memory_space<hbm>> -> memref<1x128x128xf32, #tpu.memory_space<hbm>>
      %dma_start3A_61 = tpu.memref_squeeze %dma_start3A_60 : memref<1x128x128xf32, #tpu.memory_space<hbm>> -> memref<128x128xf32, #tpu.memory_space<hbm>>
      tpu.enqueue_dma source(%arg8 : memref<128x128xf32, #tpu.memory_space<vmem>>) target(%dma_start3A_61 : memref<128x128xf32, #tpu.memory_space<hbm>>) target_semaphore(%run_scoped3A : memref<!tpu.dma_semaphore, #tpu.memory_space<semaphore_mem>>)
      %dma_wait3A = arith.constant 0 : i32
      %dma_wait3A_62 = tpu.memref_slice %arg5[%arg0, %add3A_48, %dma_wait3A] : memref<2x10240x128xf32, #tpu.memory_space<hbm>> -> memref<1x128x128xf32, #tpu.memory_space<hbm>>
      %dma_wait3A_63 = tpu.memref_squeeze %dma_wait3A_62 : memref<1x128x128xf32, #tpu.memory_space<hbm>> -> memref<128x128xf32, #tpu.memory_space<hbm>>
      %dma_wait3A_64 = arith.constant 0 : i32
      %dma_wait3A_65 = tpu.memref_slice %arg5[%arg0, %add3A_48, %dma_wait3A_64] : memref<2x10240x128xf32, #tpu.memory_space<hbm>> -> memref<1x128x128xf32, #tpu.memory_space<hbm>>
      %dma_wait3A_66 = tpu.memref_squeeze %dma_wait3A_65 : memref<1x128x128xf32, #tpu.memory_space<hbm>> -> memref<128x128xf32, #tpu.memory_space<hbm>>
      tpu.wait_dma2 semaphore(%run_scoped3A : memref<!tpu.dma_semaphore, #tpu.memory_space<semaphore_mem>>) src(%arg8 : memref<128x128xf32, #tpu.memory_space<vmem>>) dst(%dma_wait3A_66 : memref<128x128xf32, #tpu.memory_space<hbm>>)
      tpu.yield
    }) : () -> ()
    %add3A_49 = arith.constant 384 : i32
    %add3A_50 = arith.addi %mul3A_36, %add3A_49 : i32
    "tpu.region"() ({
      %run_scoped3A = tpu.sem_alloc : memref<!tpu.dma_semaphore, #tpu.memory_space<semaphore_mem>>
      %dma_start3A = arith.constant 0 : i32
      %dma_start3A_57 = tpu.memref_slice %arg9[%add3A_50, %dma_start3A] : memref<10240x128xf32, #tpu.memory_space<vmem_shared>> -> memref<128x128xf32, #tpu.memory_space<vmem_shared>>
      %dma_start3A_58 = arith.constant 0 : i32
      %dma_start3A_59 = tpu.memref_slice %arg9[%add3A_50, %dma_start3A_58] : memref<10240x128xf32, #tpu.memory_space<vmem_shared>> -> memref<128x128xf32, #tpu.memory_space<vmem_shared>>
      tpu.enqueue_dma source(%dma_start3A_59 : memref<128x128xf32, #tpu.memory_space<vmem_shared>>) target(%arg8 : memref<128x128xf32, #tpu.memory_space<vmem>>) target_semaphore(%run_scoped3A : memref<!tpu.dma_semaphore, #tpu.memory_space<semaphore_mem>>)
      %dma_wait3A = arith.constant 0 : i32
      %dma_wait3A_60 = tpu.memref_slice %arg9[%add3A_50, %dma_wait3A] : memref<10240x128xf32, #tpu.memory_space<vmem_shared>> -> memref<128x128xf32, #tpu.memory_space<vmem_shared>>
      %dma_wait3A_61 = arith.constant 0 : i32
      %dma_wait3A_62 = tpu.memref_slice %arg9[%add3A_50, %dma_wait3A_61] : memref<10240x128xf32, #tpu.memory_space<vmem_shared>> -> memref<128x128xf32, #tpu.memory_space<vmem_shared>>
      tpu.wait_dma2 semaphore(%run_scoped3A : memref<!tpu.dma_semaphore, #tpu.memory_space<semaphore_mem>>) src(%dma_wait3A_62 : memref<128x128xf32, #tpu.memory_space<vmem_shared>>) dst(%arg8 : memref<128x128xf32, #tpu.memory_space<vmem>>)
      tpu.yield
    }) : () -> ()
    %add3A_51 = arith.constant 384 : i32
    %add3A_52 = arith.addi %mul3A_36, %add3A_51 : i32
    "tpu.region"() ({
      %run_scoped3A = tpu.sem_alloc : memref<!tpu.dma_semaphore, #tpu.memory_space<semaphore_mem>>
      %dma_start3A = arith.constant 0 : i32
      %dma_start3A_57 = tpu.memref_slice %arg5[%arg0, %add3A_52, %dma_start3A] : memref<2x10240x128xf32, #tpu.memory_space<hbm>> -> memref<1x128x128xf32, #tpu.memory_space<hbm>>
      %dma_start3A_58 = tpu.memref_squeeze %dma_start3A_57 : memref<1x128x128xf32, #tpu.memory_space<hbm>> -> memref<128x128xf32, #tpu.memory_space<hbm>>
      %dma_start3A_59 = arith.constant 0 : i32
      %dma_start3A_60 = tpu.memref_slice %arg5[%arg0, %add3A_52, %dma_start3A_59] : memref<2x10240x128xf32, #tpu.memory_space<hbm>> -> memref<1x128x128xf32, #tpu.memory_space<hbm>>
      %dma_start3A_61 = tpu.memref_squeeze %dma_start3A_60 : memref<1x128x128xf32, #tpu.memory_space<hbm>> -> memref<128x128xf32, #tpu.memory_space<hbm>>
      tpu.enqueue_dma source(%arg8 : memref<128x128xf32, #tpu.memory_space<vmem>>) target(%dma_start3A_61 : memref<128x128xf32, #tpu.memory_space<hbm>>) target_semaphore(%run_scoped3A : memref<!tpu.dma_semaphore, #tpu.memory_space<semaphore_mem>>)
      %dma_wait3A = arith.constant 0 : i32
      %dma_wait3A_62 = tpu.memref_slice %arg5[%arg0, %add3A_52, %dma_wait3A] : memref<2x10240x128xf32, #tpu.memory_space<hbm>> -> memref<1x128x128xf32, #tpu.memory_space<hbm>>
      %dma_wait3A_63 = tpu.memref_squeeze %dma_wait3A_62 : memref<1x128x128xf32, #tpu.memory_space<hbm>> -> memref<128x128xf32, #tpu.memory_space<hbm>>
      %dma_wait3A_64 = arith.constant 0 : i32
      %dma_wait3A_65 = tpu.memref_slice %arg5[%arg0, %add3A_52, %dma_wait3A_64] : memref<2x10240x128xf32, #tpu.memory_space<hbm>> -> memref<1x128x128xf32, #tpu.memory_space<hbm>>
      %dma_wait3A_66 = tpu.memref_squeeze %dma_wait3A_65 : memref<1x128x128xf32, #tpu.memory_space<hbm>> -> memref<128x128xf32, #tpu.memory_space<hbm>>
      tpu.wait_dma2 semaphore(%run_scoped3A : memref<!tpu.dma_semaphore, #tpu.memory_space<semaphore_mem>>) src(%arg8 : memref<128x128xf32, #tpu.memory_space<vmem>>) dst(%dma_wait3A_66 : memref<128x128xf32, #tpu.memory_space<hbm>>)
      tpu.yield
    }) : () -> ()
    %add3A_53 = arith.constant 512 : i32
    %add3A_54 = arith.addi %mul3A_36, %add3A_53 : i32
    "tpu.region"() ({
      %run_scoped3A = tpu.sem_alloc : memref<!tpu.dma_semaphore, #tpu.memory_space<semaphore_mem>>
      %dma_start3A = arith.constant 0 : i32
      %dma_start3A_57 = tpu.memref_slice %arg9[%add3A_54, %dma_start3A] : memref<10240x128xf32, #tpu.memory_space<vmem_shared>> -> memref<128x128xf32, #tpu.memory_space<vmem_shared>>
      %dma_start3A_58 = arith.constant 0 : i32
      %dma_start3A_59 = tpu.memref_slice %arg9[%add3A_54, %dma_start3A_58] : memref<10240x128xf32, #tpu.memory_space<vmem_shared>> -> memref<128x128xf32, #tpu.memory_space<vmem_shared>>
      tpu.enqueue_dma source(%dma_start3A_59 : memref<128x128xf32, #tpu.memory_space<vmem_shared>>) target(%arg8 : memref<128x128xf32, #tpu.memory_space<vmem>>) target_semaphore(%run_scoped3A : memref<!tpu.dma_semaphore, #tpu.memory_space<semaphore_mem>>)
      %dma_wait3A = arith.constant 0 : i32
      %dma_wait3A_60 = tpu.memref_slice %arg9[%add3A_54, %dma_wait3A] : memref<10240x128xf32, #tpu.memory_space<vmem_shared>> -> memref<128x128xf32, #tpu.memory_space<vmem_shared>>
      %dma_wait3A_61 = arith.constant 0 : i32
      %dma_wait3A_62 = tpu.memref_slice %arg9[%add3A_54, %dma_wait3A_61] : memref<10240x128xf32, #tpu.memory_space<vmem_shared>> -> memref<128x128xf32, #tpu.memory_space<vmem_shared>>
      tpu.wait_dma2 semaphore(%run_scoped3A : memref<!tpu.dma_semaphore, #tpu.memory_space<semaphore_mem>>) src(%dma_wait3A_62 : memref<128x128xf32, #tpu.memory_space<vmem_shared>>) dst(%arg8 : memref<128x128xf32, #tpu.memory_space<vmem>>)
      tpu.yield
    }) : () -> ()
    %add3A_55 = arith.constant 512 : i32
    %add3A_56 = arith.addi %mul3A_36, %add3A_55 : i32
    "tpu.region"() ({
      %run_scoped3A = tpu.sem_alloc : memref<!tpu.dma_semaphore, #tpu.memory_space<semaphore_mem>>
      %dma_start3A = arith.constant 0 : i32
      %dma_start3A_57 = tpu.memref_slice %arg5[%arg0, %add3A_56, %dma_start3A] : memref<2x10240x128xf32, #tpu.memory_space<hbm>> -> memref<1x128x128xf32, #tpu.memory_space<hbm>>
      %dma_start3A_58 = tpu.memref_squeeze %dma_start3A_57 : memref<1x128x128xf32, #tpu.memory_space<hbm>> -> memref<128x128xf32, #tpu.memory_space<hbm>>
      %dma_start3A_59 = arith.constant 0 : i32
      %dma_start3A_60 = tpu.memref_slice %arg5[%arg0, %add3A_56, %dma_start3A_59] : memref<2x10240x128xf32, #tpu.memory_space<hbm>> -> memref<1x128x128xf32, #tpu.memory_space<hbm>>
      %dma_start3A_61 = tpu.memref_squeeze %dma_start3A_60 : memref<1x128x128xf32, #tpu.memory_space<hbm>> -> memref<128x128xf32, #tpu.memory_space<hbm>>
      tpu.enqueue_dma source(%arg8 : memref<128x128xf32, #tpu.memory_space<vmem>>) target(%dma_start3A_61 : memref<128x128xf32, #tpu.memory_space<hbm>>) target_semaphore(%run_scoped3A : memref<!tpu.dma_semaphore, #tpu.memory_space<semaphore_mem>>)
      %dma_wait3A = arith.constant 0 : i32
      %dma_wait3A_62 = tpu.memref_slice %arg5[%arg0, %add3A_56, %dma_wait3A] : memref<2x10240x128xf32, #tpu.memory_space<hbm>> -> memref<1x128x128xf32, #tpu.memory_space<hbm>>
      %dma_wait3A_63 = tpu.memref_squeeze %dma_wait3A_62 : memref<1x128x128xf32, #tpu.memory_space<hbm>> -> memref<128x128xf32, #tpu.memory_space<hbm>>
      %dma_wait3A_64 = arith.constant 0 : i32
      %dma_wait3A_65 = tpu.memref_slice %arg5[%arg0, %add3A_56, %dma_wait3A_64] : memref<2x10240x128xf32, #tpu.memory_space<hbm>> -> memref<1x128x128xf32, #tpu.memory_space<hbm>>
      %dma_wait3A_66 = tpu.memref_squeeze %dma_wait3A_65 : memref<1x128x128xf32, #tpu.memory_space<hbm>> -> memref<128x128xf32, #tpu.memory_space<hbm>>
      tpu.wait_dma2 semaphore(%run_scoped3A : memref<!tpu.dma_semaphore, #tpu.memory_space<semaphore_mem>>) src(%arg8 : memref<128x128xf32, #tpu.memory_space<vmem>>) dst(%dma_wait3A_66 : memref<128x128xf32, #tpu.memory_space<hbm>>)
      tpu.yield
    }) : () -> ()
    return
  }
}

#map = affine_map<(d0, d1) -> (0, 0)>
#map1 = affine_map<(d0, d1) -> (0, 0, 0)>
module attributes {stable_mosaic.version = 14 : i64} {
  func.func @_sc_scatter(%arg0: i32, %arg1: i32, %arg2: memref<10240x128xf32, #tpu.memory_space<hbm>>, %arg3: memref<2560x128xi32, #tpu.memory_space<hbm>>, %arg4: memref<2560x128xi32, #tpu.memory_space<hbm>>, %arg5: memref<2x10240x128xf32, #tpu.memory_space<hbm>>, %arg6: memref<80x128xi32, #tpu.memory_space<vmem>>, %arg7: memref<80x128xi32, #tpu.memory_space<vmem>>, %arg8: memref<128x128xf32, #tpu.memory_space<vmem>>, %arg9: memref<10240x128xf32, #tpu.memory_space<vmem_shared>>, %arg10: memref<!tpu.dma_semaphore, #tpu.memory_space<semaphore_mem>>) attributes {dimension_semantics = [#tpu.dimension_semantics<core_parallel>, #tpu.dimension_semantics<subcore_parallel>], iteration_bounds = array<i64: 2, 16>, scalar_prefetch = 0 : i64, scratch_operands = 5 : i64, tpu.core_type = #tpu.core_type<sc_vector_subcore>, window_params = [{transform_indices = #map}, {transform_indices = #map}, {transform_indices = #map}, {transform_indices = #map1}]} {
    %mul3A = arith.constant 2 : i32
    %mul3A_0 = arith.muli %arg1, %mul3A : i32
    %add3A = arith.addi %mul3A_0, %arg0 : i32
    %scan3A = arith.constant 0 : i32
    %scan3A_1 = arith.constant 128 : i32
    %scan3A_2 = arith.addi %scan3A, %scan3A_1 : i32
    %scan3A_3 = arith.constant 1 : i32
    scf.for %scan3A_57 = %scan3A to %scan3A_2 step %scan3A_3  : i32 {
      %mul3A_58 = arith.constant 1 : i32
      %mul3A_59 = arith.muli %scan3A_57, %mul3A_58 : i32
      %add3A_60 = arith.constant 0 : i32
      %add3A_61 = arith.addi %add3A_60, %mul3A_59 : i32
      %broadcast_in_dim3A = arith.constant 0.000000e+00 : f32
      %broadcast_in_dim3A_62 = vector.broadcast %broadcast_in_dim3A : f32 to vector<16xf32>
      %swap3A = arith.index_cast %add3A_61 : i32 to index
      %swap3A_63 = arith.constant 0 : index
      %swap3A_64 = tpu.vector_load %arg8[%swap3A, %swap3A_63] {strides = array<i32>} : memref<128x128xf32, #tpu.memory_space<vmem>>, vector<1x16xf32>,
      %swap3A_65 = vector.shape_cast %swap3A_64 : vector<1x16xf32> to vector<16xf32>
      %swap3A_66 = vector.shape_cast %broadcast_in_dim3A_62 : vector<16xf32> to vector<1x16xf32>
      tpu.vector_store %arg8[%swap3A, %swap3A_63], %swap3A_66 {strides = array<i32>} : memref<128x128xf32, #tpu.memory_space<vmem>>, vector<1x16xf32>,
      %broadcast_in_dim3A_67 = arith.constant 0.000000e+00 : f32
      %broadcast_in_dim3A_68 = vector.broadcast %broadcast_in_dim3A_67 : f32 to vector<16xf32>
      %swap3A_69 = arith.index_cast %add3A_61 : i32 to index
      %swap3A_70 = arith.constant 16 : index
      %swap3A_71 = tpu.vector_load %arg8[%swap3A_69, %swap3A_70] {strides = array<i32>} : memref<128x128xf32, #tpu.memory_space<vmem>>, vector<1x16xf32>,
      %swap3A_72 = vector.shape_cast %swap3A_71 : vector<1x16xf32> to vector<16xf32>
      %swap3A_73 = vector.shape_cast %broadcast_in_dim3A_68 : vector<16xf32> to vector<1x16xf32>
      tpu.vector_store %arg8[%swap3A_69, %swap3A_70], %swap3A_73 {strides = array<i32>} : memref<128x128xf32, #tpu.memory_space<vmem>>, vector<1x16xf32>,
      %broadcast_in_dim3A_74 = arith.constant 0.000000e+00 : f32
      %broadcast_in_dim3A_75 = vector.broadcast %broadcast_in_dim3A_74 : f32 to vector<16xf32>
      %swap3A_76 = arith.index_cast %add3A_61 : i32 to index
      %swap3A_77 = arith.constant 32 : index
      %swap3A_78 = tpu.vector_load %arg8[%swap3A_76, %swap3A_77] {strides = array<i32>} : memref<128x128xf32, #tpu.memory_space<vmem>>, vector<1x16xf32>,
      %swap3A_79 = vector.shape_cast %swap3A_78 : vector<1x16xf32> to vector<16xf32>
      %swap3A_80 = vector.shape_cast %broadcast_in_dim3A_75 : vector<16xf32> to vector<1x16xf32>
      tpu.vector_store %arg8[%swap3A_76, %swap3A_77], %swap3A_80 {strides = array<i32>} : memref<128x128xf32, #tpu.memory_space<vmem>>, vector<1x16xf32>,
      %broadcast_in_dim3A_81 = arith.constant 0.000000e+00 : f32
      %broadcast_in_dim3A_82 = vector.broadcast %broadcast_in_dim3A_81 : f32 to vector<16xf32>
      %swap3A_83 = arith.index_cast %add3A_61 : i32 to index
      %swap3A_84 = arith.constant 48 : index
      %swap3A_85 = tpu.vector_load %arg8[%swap3A_83, %swap3A_84] {strides = array<i32>} : memref<128x128xf32, #tpu.memory_space<vmem>>, vector<1x16xf32>,
      %swap3A_86 = vector.shape_cast %swap3A_85 : vector<1x16xf32> to vector<16xf32>
      %swap3A_87 = vector.shape_cast %broadcast_in_dim3A_82 : vector<16xf32> to vector<1x16xf32>
      tpu.vector_store %arg8[%swap3A_83, %swap3A_84], %swap3A_87 {strides = array<i32>} : memref<128x128xf32, #tpu.memory_space<vmem>>, vector<1x16xf32>,
      %broadcast_in_dim3A_88 = arith.constant 0.000000e+00 : f32
      %broadcast_in_dim3A_89 = vector.broadcast %broadcast_in_dim3A_88 : f32 to vector<16xf32>
      %swap3A_90 = arith.index_cast %add3A_61 : i32 to index
      %swap3A_91 = arith.constant 64 : index
      %swap3A_92 = tpu.vector_load %arg8[%swap3A_90, %swap3A_91] {strides = array<i32>} : memref<128x128xf32, #tpu.memory_space<vmem>>, vector<1x16xf32>,
      %swap3A_93 = vector.shape_cast %swap3A_92 : vector<1x16xf32> to vector<16xf32>
      %swap3A_94 = vector.shape_cast %broadcast_in_dim3A_89 : vector<16xf32> to vector<1x16xf32>
      tpu.vector_store %arg8[%swap3A_90, %swap3A_91], %swap3A_94 {strides = array<i32>} : memref<128x128xf32, #tpu.memory_space<vmem>>, vector<1x16xf32>,
      %broadcast_in_dim3A_95 = arith.constant 0.000000e+00 : f32
      %broadcast_in_dim3A_96 = vector.broadcast %broadcast_in_dim3A_95 : f32 to vector<16xf32>
      %swap3A_97 = arith.index_cast %add3A_61 : i32 to index
      %swap3A_98 = arith.constant 80 : index
      %swap3A_99 = tpu.vector_load %arg8[%swap3A_97, %swap3A_98] {strides = array<i32>} : memref<128x128xf32, #tpu.memory_space<vmem>>, vector<1x16xf32>,
      %swap3A_100 = vector.shape_cast %swap3A_99 : vector<1x16xf32> to vector<16xf32>
      %swap3A_101 = vector.shape_cast %broadcast_in_dim3A_96 : vector<16xf32> to vector<1x16xf32>
      tpu.vector_store %arg8[%swap3A_97, %swap3A_98], %swap3A_101 {strides = array<i32>} : memref<128x128xf32, #tpu.memory_space<vmem>>, vector<1x16xf32>,
      %broadcast_in_dim3A_102 = arith.constant 0.000000e+00 : f32
      %broadcast_in_dim3A_103 = vector.broadcast %broadcast_in_dim3A_102 : f32 to vector<16xf32>
      %swap3A_104 = arith.index_cast %add3A_61 : i32 to index
      %swap3A_105 = arith.constant 96 : index
      %swap3A_106 = tpu.vector_load %arg8[%swap3A_104, %swap3A_105] {strides = array<i32>} : memref<128x128xf32, #tpu.memory_space<vmem>>, vector<1x16xf32>,
      %swap3A_107 = vector.shape_cast %swap3A_106 : vector<1x16xf32> to vector<16xf32>
      %swap3A_108 = vector.shape_cast %broadcast_in_dim3A_103 : vector<16xf32> to vector<1x16xf32>
      tpu.vector_store %arg8[%swap3A_104, %swap3A_105], %swap3A_108 {strides = array<i32>} : memref<128x128xf32, #tpu.memory_space<vmem>>, vector<1x16xf32>,
      %broadcast_in_dim3A_109 = arith.constant 0.000000e+00 : f32
      %broadcast_in_dim3A_110 = vector.broadcast %broadcast_in_dim3A_109 : f32 to vector<16xf32>
      %swap3A_111 = arith.index_cast %add3A_61 : i32 to index
      %swap3A_112 = arith.constant 112 : index
      %swap3A_113 = tpu.vector_load %arg8[%swap3A_111, %swap3A_112] {strides = array<i32>} : memref<128x128xf32, #tpu.memory_space<vmem>>, vector<1x16xf32>,
      %swap3A_114 = vector.shape_cast %swap3A_113 : vector<1x16xf32> to vector<16xf32>
      %swap3A_115 = vector.shape_cast %broadcast_in_dim3A_110 : vector<16xf32> to vector<1x16xf32>
      tpu.vector_store %arg8[%swap3A_111, %swap3A_112], %swap3A_115 {strides = array<i32>} : memref<128x128xf32, #tpu.memory_space<vmem>>, vector<1x16xf32>,
    }
    %scan3A_4 = arith.constant 128 : i32
    %mul3A_5 = arith.constant 640 : i32
    %mul3A_6 = arith.muli %arg1, %mul3A_5 : i32
    %add3A_7 = arith.constant 0 : i32
    %add3A_8 = arith.addi %mul3A_6, %add3A_7 : i32
    "tpu.region"() ({
      %run_scoped3A = tpu.sem_alloc : memref<!tpu.dma_semaphore, #tpu.memory_space<semaphore_mem>>
      %dma_start3A = arith.constant 0 : i32
      %dma_start3A_57 = tpu.memref_slice %arg9[%add3A_8, %dma_start3A] : memref<10240x128xf32, #tpu.memory_space<vmem_shared>> -> memref<128x128xf32, #tpu.memory_space<vmem_shared>>
      %dma_start3A_58 = arith.constant 0 : i32
      %dma_start3A_59 = tpu.memref_slice %arg9[%add3A_8, %dma_start3A_58] : memref<10240x128xf32, #tpu.memory_space<vmem_shared>> -> memref<128x128xf32, #tpu.memory_space<vmem_shared>>
      tpu.enqueue_dma source(%arg8 : memref<128x128xf32, #tpu.memory_space<vmem>>) target(%dma_start3A_59 : memref<128x128xf32, #tpu.memory_space<vmem_shared>>) target_semaphore(%run_scoped3A : memref<!tpu.dma_semaphore, #tpu.memory_space<semaphore_mem>>)
      %dma_wait3A = arith.constant 0 : i32
      %dma_wait3A_60 = tpu.memref_slice %arg9[%add3A_8, %dma_wait3A] : memref<10240x128xf32, #tpu.memory_space<vmem_shared>> -> memref<128x128xf32, #tpu.memory_space<vmem_shared>>
      %dma_wait3A_61 = arith.constant 0 : i32
      %dma_wait3A_62 = tpu.memref_slice %arg9[%add3A_8, %dma_wait3A_61] : memref<10240x128xf32, #tpu.memory_space<vmem_shared>> -> memref<128x128xf32, #tpu.memory_space<vmem_shared>>
      tpu.wait_dma2 semaphore(%run_scoped3A : memref<!tpu.dma_semaphore, #tpu.memory_space<semaphore_mem>>) src(%arg8 : memref<128x128xf32, #tpu.memory_space<vmem>>) dst(%dma_wait3A_62 : memref<128x128xf32, #tpu.memory_space<vmem_shared>>)
      tpu.yield
    }) : () -> ()
    %mul3A_9 = arith.constant 640 : i32
    %mul3A_10 = arith.muli %arg1, %mul3A_9 : i32
    %add3A_11 = arith.constant 128 : i32
    %add3A_12 = arith.addi %mul3A_10, %add3A_11 : i32
    "tpu.region"() ({
      %run_scoped3A = tpu.sem_alloc : memref<!tpu.dma_semaphore, #tpu.memory_space<semaphore_mem>>
      %dma_start3A = arith.constant 0 : i32
      %dma_start3A_57 = tpu.memref_slice %arg9[%add3A_12, %dma_start3A] : memref<10240x128xf32, #tpu.memory_space<vmem_shared>> -> memref<128x128xf32, #tpu.memory_space<vmem_shared>>
      %dma_start3A_58 = arith.constant 0 : i32
      %dma_start3A_59 = tpu.memref_slice %arg9[%add3A_12, %dma_start3A_58] : memref<10240x128xf32, #tpu.memory_space<vmem_shared>> -> memref<128x128xf32, #tpu.memory_space<vmem_shared>>
      tpu.enqueue_dma source(%arg8 : memref<128x128xf32, #tpu.memory_space<vmem>>) target(%dma_start3A_59 : memref<128x128xf32, #tpu.memory_space<vmem_shared>>) target_semaphore(%run_scoped3A : memref<!tpu.dma_semaphore, #tpu.memory_space<semaphore_mem>>)
      %dma_wait3A = arith.constant 0 : i32
      %dma_wait3A_60 = tpu.memref_slice %arg9[%add3A_12, %dma_wait3A] : memref<10240x128xf32, #tpu.memory_space<vmem_shared>> -> memref<128x128xf32, #tpu.memory_space<vmem_shared>>
      %dma_wait3A_61 = arith.constant 0 : i32
      %dma_wait3A_62 = tpu.memref_slice %arg9[%add3A_12, %dma_wait3A_61] : memref<10240x128xf32, #tpu.memory_space<vmem_shared>> -> memref<128x128xf32, #tpu.memory_space<vmem_shared>>
      tpu.wait_dma2 semaphore(%run_scoped3A : memref<!tpu.dma_semaphore, #tpu.memory_space<semaphore_mem>>) src(%arg8 : memref<128x128xf32, #tpu.memory_space<vmem>>) dst(%dma_wait3A_62 : memref<128x128xf32, #tpu.memory_space<vmem_shared>>)
      tpu.yield
    }) : () -> ()
    %mul3A_13 = arith.constant 640 : i32
    %mul3A_14 = arith.muli %arg1, %mul3A_13 : i32
    %add3A_15 = arith.constant 256 : i32
    %add3A_16 = arith.addi %mul3A_14, %add3A_15 : i32
    "tpu.region"() ({
      %run_scoped3A = tpu.sem_alloc : memref<!tpu.dma_semaphore, #tpu.memory_space<semaphore_mem>>
      %dma_start3A = arith.constant 0 : i32
      %dma_start3A_57 = tpu.memref_slice %arg9[%add3A_16, %dma_start3A] : memref<10240x128xf32, #tpu.memory_space<vmem_shared>> -> memref<128x128xf32, #tpu.memory_space<vmem_shared>>
      %dma_start3A_58 = arith.constant 0 : i32
      %dma_start3A_59 = tpu.memref_slice %arg9[%add3A_16, %dma_start3A_58] : memref<10240x128xf32, #tpu.memory_space<vmem_shared>> -> memref<128x128xf32, #tpu.memory_space<vmem_shared>>
      tpu.enqueue_dma source(%arg8 : memref<128x128xf32, #tpu.memory_space<vmem>>) target(%dma_start3A_59 : memref<128x128xf32, #tpu.memory_space<vmem_shared>>) target_semaphore(%run_scoped3A : memref<!tpu.dma_semaphore, #tpu.memory_space<semaphore_mem>>)
      %dma_wait3A = arith.constant 0 : i32
      %dma_wait3A_60 = tpu.memref_slice %arg9[%add3A_16, %dma_wait3A] : memref<10240x128xf32, #tpu.memory_space<vmem_shared>> -> memref<128x128xf32, #tpu.memory_space<vmem_shared>>
      %dma_wait3A_61 = arith.constant 0 : i32
      %dma_wait3A_62 = tpu.memref_slice %arg9[%add3A_16, %dma_wait3A_61] : memref<10240x128xf32, #tpu.memory_space<vmem_shared>> -> memref<128x128xf32, #tpu.memory_space<vmem_shared>>
      tpu.wait_dma2 semaphore(%run_scoped3A : memref<!tpu.dma_semaphore, #tpu.memory_space<semaphore_mem>>) src(%arg8 : memref<128x128xf32, #tpu.memory_space<vmem>>) dst(%dma_wait3A_62 : memref<128x128xf32, #tpu.memory_space<vmem_shared>>)
      tpu.yield
    }) : () -> ()
    %mul3A_17 = arith.constant 640 : i32
    %mul3A_18 = arith.muli %arg1, %mul3A_17 : i32
    %add3A_19 = arith.constant 384 : i32
    %add3A_20 = arith.addi %mul3A_18, %add3A_19 : i32
    "tpu.region"() ({
      %run_scoped3A = tpu.sem_alloc : memref<!tpu.dma_semaphore, #tpu.memory_space<semaphore_mem>>
      %dma_start3A = arith.constant 0 : i32
      %dma_start3A_57 = tpu.memref_slice %arg9[%add3A_20, %dma_start3A] : memref<10240x128xf32, #tpu.memory_space<vmem_shared>> -> memref<128x128xf32, #tpu.memory_space<vmem_shared>>
      %dma_start3A_58 = arith.constant 0 : i32
      %dma_start3A_59 = tpu.memref_slice %arg9[%add3A_20, %dma_start3A_58] : memref<10240x128xf32, #tpu.memory_space<vmem_shared>> -> memref<128x128xf32, #tpu.memory_space<vmem_shared>>
      tpu.enqueue_dma source(%arg8 : memref<128x128xf32, #tpu.memory_space<vmem>>) target(%dma_start3A_59 : memref<128x128xf32, #tpu.memory_space<vmem_shared>>) target_semaphore(%run_scoped3A : memref<!tpu.dma_semaphore, #tpu.memory_space<semaphore_mem>>)
      %dma_wait3A = arith.constant 0 : i32
      %dma_wait3A_60 = tpu.memref_slice %arg9[%add3A_20, %dma_wait3A] : memref<10240x128xf32, #tpu.memory_space<vmem_shared>> -> memref<128x128xf32, #tpu.memory_space<vmem_shared>>
      %dma_wait3A_61 = arith.constant 0 : i32
      %dma_wait3A_62 = tpu.memref_slice %arg9[%add3A_20, %dma_wait3A_61] : memref<10240x128xf32, #tpu.memory_space<vmem_shared>> -> memref<128x128xf32, #tpu.memory_space<vmem_shared>>
      tpu.wait_dma2 semaphore(%run_scoped3A : memref<!tpu.dma_semaphore, #tpu.memory_space<semaphore_mem>>) src(%arg8 : memref<128x128xf32, #tpu.memory_space<vmem>>) dst(%dma_wait3A_62 : memref<128x128xf32, #tpu.memory_space<vmem_shared>>)
      tpu.yield
    }) : () -> ()
    %mul3A_21 = arith.constant 640 : i32
    %mul3A_22 = arith.muli %arg1, %mul3A_21 : i32
    %add3A_23 = arith.constant 512 : i32
    %add3A_24 = arith.addi %mul3A_22, %add3A_23 : i32
    "tpu.region"() ({
      %run_scoped3A = tpu.sem_alloc : memref<!tpu.dma_semaphore, #tpu.memory_space<semaphore_mem>>
      %dma_start3A = arith.constant 0 : i32
      %dma_start3A_57 = tpu.memref_slice %arg9[%add3A_24, %dma_start3A] : memref<10240x128xf32, #tpu.memory_space<vmem_shared>> -> memref<128x128xf32, #tpu.memory_space<vmem_shared>>
      %dma_start3A_58 = arith.constant 0 : i32
      %dma_start3A_59 = tpu.memref_slice %arg9[%add3A_24, %dma_start3A_58] : memref<10240x128xf32, #tpu.memory_space<vmem_shared>> -> memref<128x128xf32, #tpu.memory_space<vmem_shared>>
      tpu.enqueue_dma source(%arg8 : memref<128x128xf32, #tpu.memory_space<vmem>>) target(%dma_start3A_59 : memref<128x128xf32, #tpu.memory_space<vmem_shared>>) target_semaphore(%run_scoped3A : memref<!tpu.dma_semaphore, #tpu.memory_space<semaphore_mem>>)
      %dma_wait3A = arith.constant 0 : i32
      %dma_wait3A_60 = tpu.memref_slice %arg9[%add3A_24, %dma_wait3A] : memref<10240x128xf32, #tpu.memory_space<vmem_shared>> -> memref<128x128xf32, #tpu.memory_space<vmem_shared>>
      %dma_wait3A_61 = arith.constant 0 : i32
      %dma_wait3A_62 = tpu.memref_slice %arg9[%add3A_24, %dma_wait3A_61] : memref<10240x128xf32, #tpu.memory_space<vmem_shared>> -> memref<128x128xf32, #tpu.memory_space<vmem_shared>>
      tpu.wait_dma2 semaphore(%run_scoped3A : memref<!tpu.dma_semaphore, #tpu.memory_space<semaphore_mem>>) src(%arg8 : memref<128x128xf32, #tpu.memory_space<vmem>>) dst(%dma_wait3A_62 : memref<128x128xf32, #tpu.memory_space<vmem_shared>>)
      tpu.yield
    }) : () -> ()
    %mul3A_25 = arith.constant 80 : i32
    %mul3A_26 = arith.muli %add3A, %mul3A_25 : i32
    "tpu.region"() ({
      %run_scoped3A = tpu.sem_alloc : memref<!tpu.dma_semaphore, #tpu.memory_space<semaphore_mem>>
      %dma_start3A = arith.constant 0 : i32
      %dma_start3A_57 = tpu.memref_slice %arg3[%mul3A_26, %dma_start3A] : memref<2560x128xi32, #tpu.memory_space<hbm>> -> memref<80x128xi32, #tpu.memory_space<hbm>>
      %dma_start3A_58 = arith.constant 0 : i32
      %dma_start3A_59 = tpu.memref_slice %arg3[%mul3A_26, %dma_start3A_58] : memref<2560x128xi32, #tpu.memory_space<hbm>> -> memref<80x128xi32, #tpu.memory_space<hbm>>
      tpu.enqueue_dma source(%dma_start3A_59 : memref<80x128xi32, #tpu.memory_space<hbm>>) target(%arg6 : memref<80x128xi32, #tpu.memory_space<vmem>>) target_semaphore(%run_scoped3A : memref<!tpu.dma_semaphore, #tpu.memory_space<semaphore_mem>>)
      %dma_wait3A = arith.constant 0 : i32
      %dma_wait3A_60 = tpu.memref_slice %arg3[%mul3A_26, %dma_wait3A] : memref<2560x128xi32, #tpu.memory_space<hbm>> -> memref<80x128xi32, #tpu.memory_space<hbm>>
      %dma_wait3A_61 = arith.constant 0 : i32
      %dma_wait3A_62 = tpu.memref_slice %arg3[%mul3A_26, %dma_wait3A_61] : memref<2560x128xi32, #tpu.memory_space<hbm>> -> memref<80x128xi32, #tpu.memory_space<hbm>>
      tpu.wait_dma2 semaphore(%run_scoped3A : memref<!tpu.dma_semaphore, #tpu.memory_space<semaphore_mem>>) src(%dma_wait3A_62 : memref<80x128xi32, #tpu.memory_space<hbm>>) dst(%arg6 : memref<80x128xi32, #tpu.memory_space<vmem>>)
      tpu.yield
    }) : () -> ()
    %mul3A_27 = arith.constant 80 : i32
    %mul3A_28 = arith.muli %add3A, %mul3A_27 : i32
    "tpu.region"() ({
      %run_scoped3A = tpu.sem_alloc : memref<!tpu.dma_semaphore, #tpu.memory_space<semaphore_mem>>
      %dma_start3A = arith.constant 0 : i32
      %dma_start3A_57 = tpu.memref_slice %arg4[%mul3A_28, %dma_start3A] : memref<2560x128xi32, #tpu.memory_space<hbm>> -> memref<80x128xi32, #tpu.memory_space<hbm>>
      %dma_start3A_58 = arith.constant 0 : i32
      %dma_start3A_59 = tpu.memref_slice %arg4[%mul3A_28, %dma_start3A_58] : memref<2560x128xi32, #tpu.memory_space<hbm>> -> memref<80x128xi32, #tpu.memory_space<hbm>>
      tpu.enqueue_dma source(%dma_start3A_59 : memref<80x128xi32, #tpu.memory_space<hbm>>) target(%arg7 : memref<80x128xi32, #tpu.memory_space<vmem>>) target_semaphore(%run_scoped3A : memref<!tpu.dma_semaphore, #tpu.memory_space<semaphore_mem>>)
      %dma_wait3A = arith.constant 0 : i32
      %dma_wait3A_60 = tpu.memref_slice %arg4[%mul3A_28, %dma_wait3A] : memref<2560x128xi32, #tpu.memory_space<hbm>> -> memref<80x128xi32, #tpu.memory_space<hbm>>
      %dma_wait3A_61 = arith.constant 0 : i32
      %dma_wait3A_62 = tpu.memref_slice %arg4[%mul3A_28, %dma_wait3A_61] : memref<2560x128xi32, #tpu.memory_space<hbm>> -> memref<80x128xi32, #tpu.memory_space<hbm>>
      tpu.wait_dma2 semaphore(%run_scoped3A : memref<!tpu.dma_semaphore, #tpu.memory_space<semaphore_mem>>) src(%dma_wait3A_62 : memref<80x128xi32, #tpu.memory_space<hbm>>) dst(%arg7 : memref<80x128xi32, #tpu.memory_space<vmem>>)
      tpu.yield
    }) : () -> ()
    %barrier3A = arith.constant 0 : index
    tpu.barrier barrier_id(%barrier3A)
    %scan3A_29 = arith.constant 0 : i32
    %scan3A_30 = arith.constant 80 : i32
    %scan3A_31 = arith.addi %scan3A_29, %scan3A_30 : i32
    %scan3A_32 = arith.constant 1 : i32
    scf.for %scan3A_57 = %scan3A_29 to %scan3A_31 step %scan3A_32  : i32 {
      %mul3A_58 = arith.constant 1 : i32
      %mul3A_59 = arith.muli %scan3A_57, %mul3A_58 : i32
      %add3A_60 = arith.constant 0 : i32
      %add3A_61 = arith.addi %add3A_60, %mul3A_59 : i32
      %dma_start3A = arith.constant 0 : i32
      %dma_start3A_62 = tpu.memref_slice %arg6[%add3A_61, %dma_start3A] : memref<80x128xi32, #tpu.memory_space<vmem>> -> memref<1x128xi32, #tpu.memory_space<vmem>>
      %dma_start3A_63 = tpu.memref_squeeze %dma_start3A_62 : memref<1x128xi32, #tpu.memory_space<vmem>> -> memref<128xi32, #tpu.memory_space<vmem>>
      %dma_start3A_64 = arith.constant 0 : i32
      %dma_start3A_65 = arith.constant 0 : i32
      %dma_start3A_66 = tpu.memref_slice %arg2[%dma_start3A_64, %dma_start3A_65] : memref<10240x128xf32, #tpu.memory_space<hbm>> -> memref<10240x128xf32, #tpu.memory_space<hbm>>
      tpu.enqueue_indirect_dma source(%dma_start3A_66 : memref<10240x128xf32, #tpu.memory_space<hbm>>) target(%arg8 : memref<128x128xf32, #tpu.memory_space<vmem>>) offsets(%dma_start3A_63 : memref<128xi32, #tpu.memory_space<vmem>>) semaphore(%arg10 : memref<!tpu.dma_semaphore, #tpu.memory_space<semaphore_mem>>)
      %dma_wait3A = arith.constant 0 : i32
      %dma_wait3A_67 = tpu.memref_slice %arg6[%add3A_61, %dma_wait3A] : memref<80x128xi32, #tpu.memory_space<vmem>> -> memref<1x128xi32, #tpu.memory_space<vmem>>
      %dma_wait3A_68 = tpu.memref_squeeze %dma_wait3A_67 : memref<1x128xi32, #tpu.memory_space<vmem>> -> memref<128xi32, #tpu.memory_space<vmem>>
      %dma_wait3A_69 = arith.constant 0 : i32
      %dma_wait3A_70 = arith.constant 0 : i32
      %dma_wait3A_71 = tpu.memref_slice %arg2[%dma_wait3A_69, %dma_wait3A_70] : memref<10240x128xf32, #tpu.memory_space<hbm>> -> memref<10240x128xf32, #tpu.memory_space<hbm>>
      tpu.wait_indirect_dma semaphore(%arg10 : memref<!tpu.dma_semaphore, #tpu.memory_space<semaphore_mem>>) src(%dma_wait3A_71 : memref<10240x128xf32, #tpu.memory_space<hbm>>) dst(%arg8 : memref<128x128xf32, #tpu.memory_space<vmem>>)
      "tpu.region"() ({
        %run_scoped3A = tpu.sem_alloc : memref<!tpu.dma_semaphore, #tpu.memory_space<semaphore_mem>>
        %dma_start3A_72 = arith.constant 0 : i32
        %dma_start3A_73 = tpu.memref_slice %arg7[%add3A_61, %dma_start3A_72] : memref<80x128xi32, #tpu.memory_space<vmem>> -> memref<1x128xi32, #tpu.memory_space<vmem>>
        %dma_start3A_74 = tpu.memref_squeeze %dma_start3A_73 : memref<1x128xi32, #tpu.memory_space<vmem>> -> memref<128xi32, #tpu.memory_space<vmem>>
        %dma_start3A_75 = arith.constant 0 : i32
        %dma_start3A_76 = arith.constant 0 : i32
        %dma_start3A_77 = tpu.memref_slice %arg9[%dma_start3A_75, %dma_start3A_76] : memref<10240x128xf32, #tpu.memory_space<vmem_shared>> -> memref<10240x128xf32, #tpu.memory_space<vmem_shared>>
        tpu.enqueue_indirect_dma source(%arg8 : memref<128x128xf32, #tpu.memory_space<vmem>>) target(%dma_start3A_77 : memref<10240x128xf32, #tpu.memory_space<vmem_shared>>) offsets(%dma_start3A_74 : memref<128xi32, #tpu.memory_space<vmem>>) semaphore(%run_scoped3A : memref<!tpu.dma_semaphore, #tpu.memory_space<semaphore_mem>>) {add = true}
        %dma_wait3A_78 = arith.constant 0 : i32
        %dma_wait3A_79 = tpu.memref_slice %arg7[%add3A_61, %dma_wait3A_78] : memref<80x128xi32, #tpu.memory_space<vmem>> -> memref<1x128xi32, #tpu.memory_space<vmem>>
        %dma_wait3A_80 = tpu.memref_squeeze %dma_wait3A_79 : memref<1x128xi32, #tpu.memory_space<vmem>> -> memref<128xi32, #tpu.memory_space<vmem>>
        %dma_wait3A_81 = arith.constant 0 : i32
        %dma_wait3A_82 = arith.constant 0 : i32
        %dma_wait3A_83 = tpu.memref_slice %arg9[%dma_wait3A_81, %dma_wait3A_82] : memref<10240x128xf32, #tpu.memory_space<vmem_shared>> -> memref<10240x128xf32, #tpu.memory_space<vmem_shared>>
        tpu.wait_indirect_dma semaphore(%run_scoped3A : memref<!tpu.dma_semaphore, #tpu.memory_space<semaphore_mem>>) src(%arg8 : memref<128x128xf32, #tpu.memory_space<vmem>>) dst(%dma_wait3A_83 : memref<10240x128xf32, #tpu.memory_space<vmem_shared>>)
        tpu.yield
      }) : () -> ()
    }
    %scan3A_33 = arith.constant 80 : i32
    %barrier3A_34 = arith.constant 0 : index
    tpu.barrier barrier_id(%barrier3A_34)
    %mul3A_35 = arith.constant 640 : i32
    %mul3A_36 = arith.muli %arg1, %mul3A_35 : i32
    %add3A_37 = arith.constant 0 : i32
    %add3A_38 = arith.addi %mul3A_36, %add3A_37 : i32
    "tpu.region"() ({
      %run_scoped3A = tpu.sem_alloc : memref<!tpu.dma_semaphore, #tpu.memory_space<semaphore_mem>>
      %dma_start3A = arith.constant 0 : i32
      %dma_start3A_57 = tpu.memref_slice %arg9[%add3A_38, %dma_start3A] : memref<10240x128xf32, #tpu.memory_space<vmem_shared>> -> memref<128x128xf32, #tpu.memory_space<vmem_shared>>
      %dma_start3A_58 = arith.constant 0 : i32
      %dma_start3A_59 = tpu.memref_slice %arg9[%add3A_38, %dma_start3A_58] : memref<10240x128xf32, #tpu.memory_space<vmem_shared>> -> memref<128x128xf32, #tpu.memory_space<vmem_shared>>
      tpu.enqueue_dma source(%dma_start3A_59 : memref<128x128xf32, #tpu.memory_space<vmem_shared>>) target(%arg8 : memref<128x128xf32, #tpu.memory_space<vmem>>) target_semaphore(%run_scoped3A : memref<!tpu.dma_semaphore, #tpu.memory_space<semaphore_mem>>)
      %dma_wait3A = arith.constant 0 : i32
      %dma_wait3A_60 = tpu.memref_slice %arg9[%add3A_38, %dma_wait3A] : memref<10240x128xf32, #tpu.memory_space<vmem_shared>> -> memref<128x128xf32, #tpu.memory_space<vmem_shared>>
      %dma_wait3A_61 = arith.constant 0 : i32
      %dma_wait3A_62 = tpu.memref_slice %arg9[%add3A_38, %dma_wait3A_61] : memref<10240x128xf32, #tpu.memory_space<vmem_shared>> -> memref<128x128xf32, #tpu.memory_space<vmem_shared>>
      tpu.wait_dma2 semaphore(%run_scoped3A : memref<!tpu.dma_semaphore, #tpu.memory_space<semaphore_mem>>) src(%dma_wait3A_62 : memref<128x128xf32, #tpu.memory_space<vmem_shared>>) dst(%arg8 : memref<128x128xf32, #tpu.memory_space<vmem>>)
      tpu.yield
    }) : () -> ()
    %add3A_39 = arith.constant 0 : i32
    %add3A_40 = arith.addi %mul3A_36, %add3A_39 : i32
    "tpu.region"() ({
      %run_scoped3A = tpu.sem_alloc : memref<!tpu.dma_semaphore, #tpu.memory_space<semaphore_mem>>
      %dma_start3A = arith.constant 0 : i32
      %dma_start3A_57 = tpu.memref_slice %arg5[%arg0, %add3A_40, %dma_start3A] : memref<2x10240x128xf32, #tpu.memory_space<hbm>> -> memref<1x128x128xf32, #tpu.memory_space<hbm>>
      %dma_start3A_58 = tpu.memref_squeeze %dma_start3A_57 : memref<1x128x128xf32, #tpu.memory_space<hbm>> -> memref<128x128xf32, #tpu.memory_space<hbm>>
      %dma_start3A_59 = arith.constant 0 : i32
      %dma_start3A_60 = tpu.memref_slice %arg5[%arg0, %add3A_40, %dma_start3A_59] : memref<2x10240x128xf32, #tpu.memory_space<hbm>> -> memref<1x128x128xf32, #tpu.memory_space<hbm>>
      %dma_start3A_61 = tpu.memref_squeeze %dma_start3A_60 : memref<1x128x128xf32, #tpu.memory_space<hbm>> -> memref<128x128xf32, #tpu.memory_space<hbm>>
      tpu.enqueue_dma source(%arg8 : memref<128x128xf32, #tpu.memory_space<vmem>>) target(%dma_start3A_61 : memref<128x128xf32, #tpu.memory_space<hbm>>) target_semaphore(%run_scoped3A : memref<!tpu.dma_semaphore, #tpu.memory_space<semaphore_mem>>)
      %dma_wait3A = arith.constant 0 : i32
      %dma_wait3A_62 = tpu.memref_slice %arg5[%arg0, %add3A_40, %dma_wait3A] : memref<2x10240x128xf32, #tpu.memory_space<hbm>> -> memref<1x128x128xf32, #tpu.memory_space<hbm>>
      %dma_wait3A_63 = tpu.memref_squeeze %dma_wait3A_62 : memref<1x128x128xf32, #tpu.memory_space<hbm>> -> memref<128x128xf32, #tpu.memory_space<hbm>>
      %dma_wait3A_64 = arith.constant 0 : i32
      %dma_wait3A_65 = tpu.memref_slice %arg5[%arg0, %add3A_40, %dma_wait3A_64] : memref<2x10240x128xf32, #tpu.memory_space<hbm>> -> memref<1x128x128xf32, #tpu.memory_space<hbm>>
      %dma_wait3A_66 = tpu.memref_squeeze %dma_wait3A_65 : memref<1x128x128xf32, #tpu.memory_space<hbm>> -> memref<128x128xf32, #tpu.memory_space<hbm>>
      tpu.wait_dma2 semaphore(%run_scoped3A : memref<!tpu.dma_semaphore, #tpu.memory_space<semaphore_mem>>) src(%arg8 : memref<128x128xf32, #tpu.memory_space<vmem>>) dst(%dma_wait3A_66 : memref<128x128xf32, #tpu.memory_space<hbm>>)
      tpu.yield
    }) : () -> ()
    %add3A_41 = arith.constant 128 : i32
    %add3A_42 = arith.addi %mul3A_36, %add3A_41 : i32
    "tpu.region"() ({
      %run_scoped3A = tpu.sem_alloc : memref<!tpu.dma_semaphore, #tpu.memory_space<semaphore_mem>>
      %dma_start3A = arith.constant 0 : i32
      %dma_start3A_57 = tpu.memref_slice %arg9[%add3A_42, %dma_start3A] : memref<10240x128xf32, #tpu.memory_space<vmem_shared>> -> memref<128x128xf32, #tpu.memory_space<vmem_shared>>
      %dma_start3A_58 = arith.constant 0 : i32
      %dma_start3A_59 = tpu.memref_slice %arg9[%add3A_42, %dma_start3A_58] : memref<10240x128xf32, #tpu.memory_space<vmem_shared>> -> memref<128x128xf32, #tpu.memory_space<vmem_shared>>
      tpu.enqueue_dma source(%dma_start3A_59 : memref<128x128xf32, #tpu.memory_space<vmem_shared>>) target(%arg8 : memref<128x128xf32, #tpu.memory_space<vmem>>) target_semaphore(%run_scoped3A : memref<!tpu.dma_semaphore, #tpu.memory_space<semaphore_mem>>)
      %dma_wait3A = arith.constant 0 : i32
      %dma_wait3A_60 = tpu.memref_slice %arg9[%add3A_42, %dma_wait3A] : memref<10240x128xf32, #tpu.memory_space<vmem_shared>> -> memref<128x128xf32, #tpu.memory_space<vmem_shared>>
      %dma_wait3A_61 = arith.constant 0 : i32
      %dma_wait3A_62 = tpu.memref_slice %arg9[%add3A_42, %dma_wait3A_61] : memref<10240x128xf32, #tpu.memory_space<vmem_shared>> -> memref<128x128xf32, #tpu.memory_space<vmem_shared>>
      tpu.wait_dma2 semaphore(%run_scoped3A : memref<!tpu.dma_semaphore, #tpu.memory_space<semaphore_mem>>) src(%dma_wait3A_62 : memref<128x128xf32, #tpu.memory_space<vmem_shared>>) dst(%arg8 : memref<128x128xf32, #tpu.memory_space<vmem>>)
      tpu.yield
    }) : () -> ()
    %add3A_43 = arith.constant 128 : i32
    %add3A_44 = arith.addi %mul3A_36, %add3A_43 : i32
    "tpu.region"() ({
      %run_scoped3A = tpu.sem_alloc : memref<!tpu.dma_semaphore, #tpu.memory_space<semaphore_mem>>
      %dma_start3A = arith.constant 0 : i32
      %dma_start3A_57 = tpu.memref_slice %arg5[%arg0, %add3A_44, %dma_start3A] : memref<2x10240x128xf32, #tpu.memory_space<hbm>> -> memref<1x128x128xf32, #tpu.memory_space<hbm>>
      %dma_start3A_58 = tpu.memref_squeeze %dma_start3A_57 : memref<1x128x128xf32, #tpu.memory_space<hbm>> -> memref<128x128xf32, #tpu.memory_space<hbm>>
      %dma_start3A_59 = arith.constant 0 : i32
      %dma_start3A_60 = tpu.memref_slice %arg5[%arg0, %add3A_44, %dma_start3A_59] : memref<2x10240x128xf32, #tpu.memory_space<hbm>> -> memref<1x128x128xf32, #tpu.memory_space<hbm>>
      %dma_start3A_61 = tpu.memref_squeeze %dma_start3A_60 : memref<1x128x128xf32, #tpu.memory_space<hbm>> -> memref<128x128xf32, #tpu.memory_space<hbm>>
      tpu.enqueue_dma source(%arg8 : memref<128x128xf32, #tpu.memory_space<vmem>>) target(%dma_start3A_61 : memref<128x128xf32, #tpu.memory_space<hbm>>) target_semaphore(%run_scoped3A : memref<!tpu.dma_semaphore, #tpu.memory_space<semaphore_mem>>)
      %dma_wait3A = arith.constant 0 : i32
      %dma_wait3A_62 = tpu.memref_slice %arg5[%arg0, %add3A_44, %dma_wait3A] : memref<2x10240x128xf32, #tpu.memory_space<hbm>> -> memref<1x128x128xf32, #tpu.memory_space<hbm>>
      %dma_wait3A_63 = tpu.memref_squeeze %dma_wait3A_62 : memref<1x128x128xf32, #tpu.memory_space<hbm>> -> memref<128x128xf32, #tpu.memory_space<hbm>>
      %dma_wait3A_64 = arith.constant 0 : i32
      %dma_wait3A_65 = tpu.memref_slice %arg5[%arg0, %add3A_44, %dma_wait3A_64] : memref<2x10240x128xf32, #tpu.memory_space<hbm>> -> memref<1x128x128xf32, #tpu.memory_space<hbm>>
      %dma_wait3A_66 = tpu.memref_squeeze %dma_wait3A_65 : memref<1x128x128xf32, #tpu.memory_space<hbm>> -> memref<128x128xf32, #tpu.memory_space<hbm>>
      tpu.wait_dma2 semaphore(%run_scoped3A : memref<!tpu.dma_semaphore, #tpu.memory_space<semaphore_mem>>) src(%arg8 : memref<128x128xf32, #tpu.memory_space<vmem>>) dst(%dma_wait3A_66 : memref<128x128xf32, #tpu.memory_space<hbm>>)
      tpu.yield
    }) : () -> ()
    %add3A_45 = arith.constant 256 : i32
    %add3A_46 = arith.addi %mul3A_36, %add3A_45 : i32
    "tpu.region"() ({
      %run_scoped3A = tpu.sem_alloc : memref<!tpu.dma_semaphore, #tpu.memory_space<semaphore_mem>>
      %dma_start3A = arith.constant 0 : i32
      %dma_start3A_57 = tpu.memref_slice %arg9[%add3A_46, %dma_start3A] : memref<10240x128xf32, #tpu.memory_space<vmem_shared>> -> memref<128x128xf32, #tpu.memory_space<vmem_shared>>
      %dma_start3A_58 = arith.constant 0 : i32
      %dma_start3A_59 = tpu.memref_slice %arg9[%add3A_46, %dma_start3A_58] : memref<10240x128xf32, #tpu.memory_space<vmem_shared>> -> memref<128x128xf32, #tpu.memory_space<vmem_shared>>
      tpu.enqueue_dma source(%dma_start3A_59 : memref<128x128xf32, #tpu.memory_space<vmem_shared>>) target(%arg8 : memref<128x128xf32, #tpu.memory_space<vmem>>) target_semaphore(%run_scoped3A : memref<!tpu.dma_semaphore, #tpu.memory_space<semaphore_mem>>)
      %dma_wait3A = arith.constant 0 : i32
      %dma_wait3A_60 = tpu.memref_slice %arg9[%add3A_46, %dma_wait3A] : memref<10240x128xf32, #tpu.memory_space<vmem_shared>> -> memref<128x128xf32, #tpu.memory_space<vmem_shared>>
      %dma_wait3A_61 = arith.constant 0 : i32
      %dma_wait3A_62 = tpu.memref_slice %arg9[%add3A_46, %dma_wait3A_61] : memref<10240x128xf32, #tpu.memory_space<vmem_shared>> -> memref<128x128xf32, #tpu.memory_space<vmem_shared>>
      tpu.wait_dma2 semaphore(%run_scoped3A : memref<!tpu.dma_semaphore, #tpu.memory_space<semaphore_mem>>) src(%dma_wait3A_62 : memref<128x128xf32, #tpu.memory_space<vmem_shared>>) dst(%arg8 : memref<128x128xf32, #tpu.memory_space<vmem>>)
      tpu.yield
    }) : () -> ()
    %add3A_47 = arith.constant 256 : i32
    %add3A_48 = arith.addi %mul3A_36, %add3A_47 : i32
    "tpu.region"() ({
      %run_scoped3A = tpu.sem_alloc : memref<!tpu.dma_semaphore, #tpu.memory_space<semaphore_mem>>
      %dma_start3A = arith.constant 0 : i32
      %dma_start3A_57 = tpu.memref_slice %arg5[%arg0, %add3A_48, %dma_start3A] : memref<2x10240x128xf32, #tpu.memory_space<hbm>> -> memref<1x128x128xf32, #tpu.memory_space<hbm>>
      %dma_start3A_58 = tpu.memref_squeeze %dma_start3A_57 : memref<1x128x128xf32, #tpu.memory_space<hbm>> -> memref<128x128xf32, #tpu.memory_space<hbm>>
      %dma_start3A_59 = arith.constant 0 : i32
      %dma_start3A_60 = tpu.memref_slice %arg5[%arg0, %add3A_48, %dma_start3A_59] : memref<2x10240x128xf32, #tpu.memory_space<hbm>> -> memref<1x128x128xf32, #tpu.memory_space<hbm>>
      %dma_start3A_61 = tpu.memref_squeeze %dma_start3A_60 : memref<1x128x128xf32, #tpu.memory_space<hbm>> -> memref<128x128xf32, #tpu.memory_space<hbm>>
      tpu.enqueue_dma source(%arg8 : memref<128x128xf32, #tpu.memory_space<vmem>>) target(%dma_start3A_61 : memref<128x128xf32, #tpu.memory_space<hbm>>) target_semaphore(%run_scoped3A : memref<!tpu.dma_semaphore, #tpu.memory_space<semaphore_mem>>)
      %dma_wait3A = arith.constant 0 : i32
      %dma_wait3A_62 = tpu.memref_slice %arg5[%arg0, %add3A_48, %dma_wait3A] : memref<2x10240x128xf32, #tpu.memory_space<hbm>> -> memref<1x128x128xf32, #tpu.memory_space<hbm>>
      %dma_wait3A_63 = tpu.memref_squeeze %dma_wait3A_62 : memref<1x128x128xf32, #tpu.memory_space<hbm>> -> memref<128x128xf32, #tpu.memory_space<hbm>>
      %dma_wait3A_64 = arith.constant 0 : i32
      %dma_wait3A_65 = tpu.memref_slice %arg5[%arg0, %add3A_48, %dma_wait3A_64] : memref<2x10240x128xf32, #tpu.memory_space<hbm>> -> memref<1x128x128xf32, #tpu.memory_space<hbm>>
      %dma_wait3A_66 = tpu.memref_squeeze %dma_wait3A_65 : memref<1x128x128xf32, #tpu.memory_space<hbm>> -> memref<128x128xf32, #tpu.memory_space<hbm>>
      tpu.wait_dma2 semaphore(%run_scoped3A : memref<!tpu.dma_semaphore, #tpu.memory_space<semaphore_mem>>) src(%arg8 : memref<128x128xf32, #tpu.memory_space<vmem>>) dst(%dma_wait3A_66 : memref<128x128xf32, #tpu.memory_space<hbm>>)
      tpu.yield
    }) : () -> ()
    %add3A_49 = arith.constant 384 : i32
    %add3A_50 = arith.addi %mul3A_36, %add3A_49 : i32
    "tpu.region"() ({
      %run_scoped3A = tpu.sem_alloc : memref<!tpu.dma_semaphore, #tpu.memory_space<semaphore_mem>>
      %dma_start3A = arith.constant 0 : i32
      %dma_start3A_57 = tpu.memref_slice %arg9[%add3A_50, %dma_start3A] : memref<10240x128xf32, #tpu.memory_space<vmem_shared>> -> memref<128x128xf32, #tpu.memory_space<vmem_shared>>
      %dma_start3A_58 = arith.constant 0 : i32
      %dma_start3A_59 = tpu.memref_slice %arg9[%add3A_50, %dma_start3A_58] : memref<10240x128xf32, #tpu.memory_space<vmem_shared>> -> memref<128x128xf32, #tpu.memory_space<vmem_shared>>
      tpu.enqueue_dma source(%dma_start3A_59 : memref<128x128xf32, #tpu.memory_space<vmem_shared>>) target(%arg8 : memref<128x128xf32, #tpu.memory_space<vmem>>) target_semaphore(%run_scoped3A : memref<!tpu.dma_semaphore, #tpu.memory_space<semaphore_mem>>)
      %dma_wait3A = arith.constant 0 : i32
      %dma_wait3A_60 = tpu.memref_slice %arg9[%add3A_50, %dma_wait3A] : memref<10240x128xf32, #tpu.memory_space<vmem_shared>> -> memref<128x128xf32, #tpu.memory_space<vmem_shared>>
      %dma_wait3A_61 = arith.constant 0 : i32
      %dma_wait3A_62 = tpu.memref_slice %arg9[%add3A_50, %dma_wait3A_61] : memref<10240x128xf32, #tpu.memory_space<vmem_shared>> -> memref<128x128xf32, #tpu.memory_space<vmem_shared>>
      tpu.wait_dma2 semaphore(%run_scoped3A : memref<!tpu.dma_semaphore, #tpu.memory_space<semaphore_mem>>) src(%dma_wait3A_62 : memref<128x128xf32, #tpu.memory_space<vmem_shared>>) dst(%arg8 : memref<128x128xf32, #tpu.memory_space<vmem>>)
      tpu.yield
    }) : () -> ()
    %add3A_51 = arith.constant 384 : i32
    %add3A_52 = arith.addi %mul3A_36, %add3A_51 : i32
    "tpu.region"() ({
      %run_scoped3A = tpu.sem_alloc : memref<!tpu.dma_semaphore, #tpu.memory_space<semaphore_mem>>
      %dma_start3A = arith.constant 0 : i32
      %dma_start3A_57 = tpu.memref_slice %arg5[%arg0, %add3A_52, %dma_start3A] : memref<2x10240x128xf32, #tpu.memory_space<hbm>> -> memref<1x128x128xf32, #tpu.memory_space<hbm>>
      %dma_start3A_58 = tpu.memref_squeeze %dma_start3A_57 : memref<1x128x128xf32, #tpu.memory_space<hbm>> -> memref<128x128xf32, #tpu.memory_space<hbm>>
      %dma_start3A_59 = arith.constant 0 : i32
      %dma_start3A_60 = tpu.memref_slice %arg5[%arg0, %add3A_52, %dma_start3A_59] : memref<2x10240x128xf32, #tpu.memory_space<hbm>> -> memref<1x128x128xf32, #tpu.memory_space<hbm>>
      %dma_start3A_61 = tpu.memref_squeeze %dma_start3A_60 : memref<1x128x128xf32, #tpu.memory_space<hbm>> -> memref<128x128xf32, #tpu.memory_space<hbm>>
      tpu.enqueue_dma source(%arg8 : memref<128x128xf32, #tpu.memory_space<vmem>>) target(%dma_start3A_61 : memref<128x128xf32, #tpu.memory_space<hbm>>) target_semaphore(%run_scoped3A : memref<!tpu.dma_semaphore, #tpu.memory_space<semaphore_mem>>)
      %dma_wait3A = arith.constant 0 : i32
      %dma_wait3A_62 = tpu.memref_slice %arg5[%arg0, %add3A_52, %dma_wait3A] : memref<2x10240x128xf32, #tpu.memory_space<hbm>> -> memref<1x128x128xf32, #tpu.memory_space<hbm>>
      %dma_wait3A_63 = tpu.memref_squeeze %dma_wait3A_62 : memref<1x128x128xf32, #tpu.memory_space<hbm>> -> memref<128x128xf32, #tpu.memory_space<hbm>>
      %dma_wait3A_64 = arith.constant 0 : i32
      %dma_wait3A_65 = tpu.memref_slice %arg5[%arg0, %add3A_52, %dma_wait3A_64] : memref<2x10240x128xf32, #tpu.memory_space<hbm>> -> memref<1x128x128xf32, #tpu.memory_space<hbm>>
      %dma_wait3A_66 = tpu.memref_squeeze %dma_wait3A_65 : memref<1x128x128xf32, #tpu.memory_space<hbm>> -> memref<128x128xf32, #tpu.memory_space<hbm>>
      tpu.wait_dma2 semaphore(%run_scoped3A : memref<!tpu.dma_semaphore, #tpu.memory_space<semaphore_mem>>) src(%arg8 : memref<128x128xf32, #tpu.memory_space<vmem>>) dst(%dma_wait3A_66 : memref<128x128xf32, #tpu.memory_space<hbm>>)
      tpu.yield
    }) : () -> ()
    %add3A_53 = arith.constant 512 : i32
    %add3A_54 = arith.addi %mul3A_36, %add3A_53 : i32
    "tpu.region"() ({
      %run_scoped3A = tpu.sem_alloc : memref<!tpu.dma_semaphore, #tpu.memory_space<semaphore_mem>>
      %dma_start3A = arith.constant 0 : i32
      %dma_start3A_57 = tpu.memref_slice %arg9[%add3A_54, %dma_start3A] : memref<10240x128xf32, #tpu.memory_space<vmem_shared>> -> memref<128x128xf32, #tpu.memory_space<vmem_shared>>
      %dma_start3A_58 = arith.constant 0 : i32
      %dma_start3A_59 = tpu.memref_slice %arg9[%add3A_54, %dma_start3A_58] : memref<10240x128xf32, #tpu.memory_space<vmem_shared>> -> memref<128x128xf32, #tpu.memory_space<vmem_shared>>
      tpu.enqueue_dma source(%dma_start3A_59 : memref<128x128xf32, #tpu.memory_space<vmem_shared>>) target(%arg8 : memref<128x128xf32, #tpu.memory_space<vmem>>) target_semaphore(%run_scoped3A : memref<!tpu.dma_semaphore, #tpu.memory_space<semaphore_mem>>)
      %dma_wait3A = arith.constant 0 : i32
      %dma_wait3A_60 = tpu.memref_slice %arg9[%add3A_54, %dma_wait3A] : memref<10240x128xf32, #tpu.memory_space<vmem_shared>> -> memref<128x128xf32, #tpu.memory_space<vmem_shared>>
      %dma_wait3A_61 = arith.constant 0 : i32
      %dma_wait3A_62 = tpu.memref_slice %arg9[%add3A_54, %dma_wait3A_61] : memref<10240x128xf32, #tpu.memory_space<vmem_shared>> -> memref<128x128xf32, #tpu.memory_space<vmem_shared>>
      tpu.wait_dma2 semaphore(%run_scoped3A : memref<!tpu.dma_semaphore, #tpu.memory_space<semaphore_mem>>) src(%dma_wait3A_62 : memref<128x128xf32, #tpu.memory_space<vmem_shared>>) dst(%arg8 : memref<128x128xf32, #tpu.memory_space<vmem>>)
      tpu.yield
    }) : () -> ()
    %add3A_55 = arith.constant 512 : i32
    %add3A_56 = arith.addi %mul3A_36, %add3A_55 : i32
    "tpu.region"() ({
      %run_scoped3A = tpu.sem_alloc : memref<!tpu.dma_semaphore, #tpu.memory_space<semaphore_mem>>
      %dma_start3A = arith.constant 0 : i32
      %dma_start3A_57 = tpu.memref_slice %arg5[%arg0, %add3A_56, %dma_start3A] : memref<2x10240x128xf32, #tpu.memory_space<hbm>> -> memref<1x128x128xf32, #tpu.memory_space<hbm>>
      %dma_start3A_58 = tpu.memref_squeeze %dma_start3A_57 : memref<1x128x128xf32, #tpu.memory_space<hbm>> -> memref<128x128xf32, #tpu.memory_space<hbm>>
      %dma_start3A_59 = arith.constant 0 : i32
      %dma_start3A_60 = tpu.memref_slice %arg5[%arg0, %add3A_56, %dma_start3A_59] : memref<2x10240x128xf32, #tpu.memory_space<hbm>> -> memref<1x128x128xf32, #tpu.memory_space<hbm>>
      %dma_start3A_61 = tpu.memref_squeeze %dma_start3A_60 : memref<1x128x128xf32, #tpu.memory_space<hbm>> -> memref<128x128xf32, #tpu.memory_space<hbm>>
      tpu.enqueue_dma source(%arg8 : memref<128x128xf32, #tpu.memory_space<vmem>>) target(%dma_start3A_61 : memref<128x128xf32, #tpu.memory_space<hbm>>) target_semaphore(%run_scoped3A : memref<!tpu.dma_semaphore, #tpu.memory_space<semaphore_mem>>)
      %dma_wait3A = arith.constant 0 : i32
      %dma_wait3A_62 = tpu.memref_slice %arg5[%arg0, %add3A_56, %dma_wait3A] : memref<2x10240x128xf32, #tpu.memory_space<hbm>> -> memref<1x128x128xf32, #tpu.memory_space<hbm>>
      %dma_wait3A_63 = tpu.memref_squeeze %dma_wait3A_62 : memref<1x128x128xf32, #tpu.memory_space<hbm>> -> memref<128x128xf32, #tpu.memory_space<hbm>>
      %dma_wait3A_64 = arith.constant 0 : i32
      %dma_wait3A_65 = tpu.memref_slice %arg5[%arg0, %add3A_56, %dma_wait3A_64] : memref<2x10240x128xf32, #tpu.memory_space<hbm>> -> memref<1x128x128xf32, #tpu.memory_space<hbm>>
      %dma_wait3A_66 = tpu.memref_squeeze %dma_wait3A_65 : memref<1x128x128xf32, #tpu.memory_space<hbm>> -> memref<128x128xf32, #tpu.memory_space<hbm>>
      tpu.wait_dma2 semaphore(%run_scoped3A : memref<!tpu.dma_semaphore, #tpu.memory_space<semaphore_mem>>) src(%arg8 : memref<128x128xf32, #tpu.memory_space<vmem>>) dst(%dma_wait3A_66 : memref<128x128xf32, #tpu.memory_space<hbm>>)
      tpu.yield
    }) : () -> ()
    return
  }
}

#map = affine_map<(d0, d1) -> (0, 0)>
#map1 = affine_map<(d0, d1) -> (0, 0, 0)>
module attributes {stable_mosaic.version = 14 : i64} {
  func.func @_sc_degree(%arg0: i32, %arg1: i32, %arg2: memref<2560x128xi32, #tpu.memory_space<hbm>>, %arg3: memref<2x10240x16xf32, #tpu.memory_space<hbm>>, %arg4: memref<80x128xi32, #tpu.memory_space<vmem>>, %arg5: memref<128x16xf32, #tpu.memory_space<vmem>>, %arg6: memref<128x16xf32, #tpu.memory_space<vmem>>, %arg7: memref<10240x16xf32, #tpu.memory_space<vmem_shared>>, %arg8: memref<!tpu.dma_semaphore, #tpu.memory_space<semaphore_mem>>) attributes {dimension_semantics = [#tpu.dimension_semantics<core_parallel>, #tpu.dimension_semantics<subcore_parallel>], iteration_bounds = array<i64: 2, 16>, scalar_prefetch = 0 : i64, scratch_operands = 5 : i64, tpu.core_type = #tpu.core_type<sc_vector_subcore>, window_params = [{transform_indices = #map}, {transform_indices = #map1}]} {
    %mul3A = arith.constant 2 : i32
    %mul3A_0 = arith.muli %arg1, %mul3A : i32
    %add3A = arith.addi %mul3A_0, %arg0 : i32
    %scan3A = arith.constant 0 : i32
    %scan3A_1 = arith.constant 128 : i32
    %scan3A_2 = arith.addi %scan3A, %scan3A_1 : i32
    %scan3A_3 = arith.constant 1 : i32
    scf.for %scan3A_55 = %scan3A to %scan3A_2 step %scan3A_3  : i32 {
      %mul3A_56 = arith.constant 1 : i32
      %mul3A_57 = arith.muli %scan3A_55, %mul3A_56 : i32
      %add3A_58 = arith.constant 0 : i32
      %add3A_59 = arith.addi %add3A_58, %mul3A_57 : i32
      %broadcast_in_dim3A = arith.constant 1.000000e+00 : f32
      %broadcast_in_dim3A_60 = vector.broadcast %broadcast_in_dim3A : f32 to vector<16xf32>
      %swap3A = arith.index_cast %add3A_59 : i32 to index
      %swap3A_61 = arith.constant 0 : index
      %swap3A_62 = tpu.vector_load %arg5[%swap3A, %swap3A_61] {strides = array<i32>} : memref<128x16xf32, #tpu.memory_space<vmem>>, vector<1x16xf32>,
      %swap3A_63 = vector.shape_cast %swap3A_62 : vector<1x16xf32> to vector<16xf32>
      %swap3A_64 = vector.shape_cast %broadcast_in_dim3A_60 : vector<16xf32> to vector<1x16xf32>
      tpu.vector_store %arg5[%swap3A, %swap3A_61], %swap3A_64 {strides = array<i32>} : memref<128x16xf32, #tpu.memory_space<vmem>>, vector<1x16xf32>,
      %broadcast_in_dim3A_65 = arith.constant 0.000000e+00 : f32
      %broadcast_in_dim3A_66 = vector.broadcast %broadcast_in_dim3A_65 : f32 to vector<16xf32>
      %swap3A_67 = arith.index_cast %add3A_59 : i32 to index
      %swap3A_68 = arith.constant 0 : index
      %swap3A_69 = tpu.vector_load %arg6[%swap3A_67, %swap3A_68] {strides = array<i32>} : memref<128x16xf32, #tpu.memory_space<vmem>>, vector<1x16xf32>,
      %swap3A_70 = vector.shape_cast %swap3A_69 : vector<1x16xf32> to vector<16xf32>
      %swap3A_71 = vector.shape_cast %broadcast_in_dim3A_66 : vector<16xf32> to vector<1x16xf32>
      tpu.vector_store %arg6[%swap3A_67, %swap3A_68], %swap3A_71 {strides = array<i32>} : memref<128x16xf32, #tpu.memory_space<vmem>>, vector<1x16xf32>,
    }
    %scan3A_4 = arith.constant 128 : i32
    %mul3A_5 = arith.constant 640 : i32
    %mul3A_6 = arith.muli %arg1, %mul3A_5 : i32
    %add3A_7 = arith.constant 0 : i32
    %add3A_8 = arith.addi %mul3A_6, %add3A_7 : i32
    "tpu.region"() ({
      %run_scoped3A = tpu.sem_alloc : memref<!tpu.dma_semaphore, #tpu.memory_space<semaphore_mem>>
      %dma_start3A = arith.constant 0 : i32
      %dma_start3A_55 = tpu.memref_slice %arg7[%add3A_8, %dma_start3A] : memref<10240x16xf32, #tpu.memory_space<vmem_shared>> -> memref<128x16xf32, #tpu.memory_space<vmem_shared>>
      %dma_start3A_56 = arith.constant 0 : i32
      %dma_start3A_57 = tpu.memref_slice %arg7[%add3A_8, %dma_start3A_56] : memref<10240x16xf32, #tpu.memory_space<vmem_shared>> -> memref<128x16xf32, #tpu.memory_space<vmem_shared>>
      tpu.enqueue_dma source(%arg6 : memref<128x16xf32, #tpu.memory_space<vmem>>) target(%dma_start3A_57 : memref<128x16xf32, #tpu.memory_space<vmem_shared>>) target_semaphore(%run_scoped3A : memref<!tpu.dma_semaphore, #tpu.memory_space<semaphore_mem>>)
      %dma_wait3A = arith.constant 0 : i32
      %dma_wait3A_58 = tpu.memref_slice %arg7[%add3A_8, %dma_wait3A] : memref<10240x16xf32, #tpu.memory_space<vmem_shared>> -> memref<128x16xf32, #tpu.memory_space<vmem_shared>>
      %dma_wait3A_59 = arith.constant 0 : i32
      %dma_wait3A_60 = tpu.memref_slice %arg7[%add3A_8, %dma_wait3A_59] : memref<10240x16xf32, #tpu.memory_space<vmem_shared>> -> memref<128x16xf32, #tpu.memory_space<vmem_shared>>
      tpu.wait_dma2 semaphore(%run_scoped3A : memref<!tpu.dma_semaphore, #tpu.memory_space<semaphore_mem>>) src(%arg6 : memref<128x16xf32, #tpu.memory_space<vmem>>) dst(%dma_wait3A_60 : memref<128x16xf32, #tpu.memory_space<vmem_shared>>)
      tpu.yield
    }) : () -> ()
    %mul3A_9 = arith.constant 640 : i32
    %mul3A_10 = arith.muli %arg1, %mul3A_9 : i32
    %add3A_11 = arith.constant 128 : i32
    %add3A_12 = arith.addi %mul3A_10, %add3A_11 : i32
    "tpu.region"() ({
      %run_scoped3A = tpu.sem_alloc : memref<!tpu.dma_semaphore, #tpu.memory_space<semaphore_mem>>
      %dma_start3A = arith.constant 0 : i32
      %dma_start3A_55 = tpu.memref_slice %arg7[%add3A_12, %dma_start3A] : memref<10240x16xf32, #tpu.memory_space<vmem_shared>> -> memref<128x16xf32, #tpu.memory_space<vmem_shared>>
      %dma_start3A_56 = arith.constant 0 : i32
      %dma_start3A_57 = tpu.memref_slice %arg7[%add3A_12, %dma_start3A_56] : memref<10240x16xf32, #tpu.memory_space<vmem_shared>> -> memref<128x16xf32, #tpu.memory_space<vmem_shared>>
      tpu.enqueue_dma source(%arg6 : memref<128x16xf32, #tpu.memory_space<vmem>>) target(%dma_start3A_57 : memref<128x16xf32, #tpu.memory_space<vmem_shared>>) target_semaphore(%run_scoped3A : memref<!tpu.dma_semaphore, #tpu.memory_space<semaphore_mem>>)
      %dma_wait3A = arith.constant 0 : i32
      %dma_wait3A_58 = tpu.memref_slice %arg7[%add3A_12, %dma_wait3A] : memref<10240x16xf32, #tpu.memory_space<vmem_shared>> -> memref<128x16xf32, #tpu.memory_space<vmem_shared>>
      %dma_wait3A_59 = arith.constant 0 : i32
      %dma_wait3A_60 = tpu.memref_slice %arg7[%add3A_12, %dma_wait3A_59] : memref<10240x16xf32, #tpu.memory_space<vmem_shared>> -> memref<128x16xf32, #tpu.memory_space<vmem_shared>>
      tpu.wait_dma2 semaphore(%run_scoped3A : memref<!tpu.dma_semaphore, #tpu.memory_space<semaphore_mem>>) src(%arg6 : memref<128x16xf32, #tpu.memory_space<vmem>>) dst(%dma_wait3A_60 : memref<128x16xf32, #tpu.memory_space<vmem_shared>>)
      tpu.yield
    }) : () -> ()
    %mul3A_13 = arith.constant 640 : i32
    %mul3A_14 = arith.muli %arg1, %mul3A_13 : i32
    %add3A_15 = arith.constant 256 : i32
    %add3A_16 = arith.addi %mul3A_14, %add3A_15 : i32
    "tpu.region"() ({
      %run_scoped3A = tpu.sem_alloc : memref<!tpu.dma_semaphore, #tpu.memory_space<semaphore_mem>>
      %dma_start3A = arith.constant 0 : i32
      %dma_start3A_55 = tpu.memref_slice %arg7[%add3A_16, %dma_start3A] : memref<10240x16xf32, #tpu.memory_space<vmem_shared>> -> memref<128x16xf32, #tpu.memory_space<vmem_shared>>
      %dma_start3A_56 = arith.constant 0 : i32
      %dma_start3A_57 = tpu.memref_slice %arg7[%add3A_16, %dma_start3A_56] : memref<10240x16xf32, #tpu.memory_space<vmem_shared>> -> memref<128x16xf32, #tpu.memory_space<vmem_shared>>
      tpu.enqueue_dma source(%arg6 : memref<128x16xf32, #tpu.memory_space<vmem>>) target(%dma_start3A_57 : memref<128x16xf32, #tpu.memory_space<vmem_shared>>) target_semaphore(%run_scoped3A : memref<!tpu.dma_semaphore, #tpu.memory_space<semaphore_mem>>)
      %dma_wait3A = arith.constant 0 : i32
      %dma_wait3A_58 = tpu.memref_slice %arg7[%add3A_16, %dma_wait3A] : memref<10240x16xf32, #tpu.memory_space<vmem_shared>> -> memref<128x16xf32, #tpu.memory_space<vmem_shared>>
      %dma_wait3A_59 = arith.constant 0 : i32
      %dma_wait3A_60 = tpu.memref_slice %arg7[%add3A_16, %dma_wait3A_59] : memref<10240x16xf32, #tpu.memory_space<vmem_shared>> -> memref<128x16xf32, #tpu.memory_space<vmem_shared>>
      tpu.wait_dma2 semaphore(%run_scoped3A : memref<!tpu.dma_semaphore, #tpu.memory_space<semaphore_mem>>) src(%arg6 : memref<128x16xf32, #tpu.memory_space<vmem>>) dst(%dma_wait3A_60 : memref<128x16xf32, #tpu.memory_space<vmem_shared>>)
      tpu.yield
    }) : () -> ()
    %mul3A_17 = arith.constant 640 : i32
    %mul3A_18 = arith.muli %arg1, %mul3A_17 : i32
    %add3A_19 = arith.constant 384 : i32
    %add3A_20 = arith.addi %mul3A_18, %add3A_19 : i32
    "tpu.region"() ({
      %run_scoped3A = tpu.sem_alloc : memref<!tpu.dma_semaphore, #tpu.memory_space<semaphore_mem>>
      %dma_start3A = arith.constant 0 : i32
      %dma_start3A_55 = tpu.memref_slice %arg7[%add3A_20, %dma_start3A] : memref<10240x16xf32, #tpu.memory_space<vmem_shared>> -> memref<128x16xf32, #tpu.memory_space<vmem_shared>>
      %dma_start3A_56 = arith.constant 0 : i32
      %dma_start3A_57 = tpu.memref_slice %arg7[%add3A_20, %dma_start3A_56] : memref<10240x16xf32, #tpu.memory_space<vmem_shared>> -> memref<128x16xf32, #tpu.memory_space<vmem_shared>>
      tpu.enqueue_dma source(%arg6 : memref<128x16xf32, #tpu.memory_space<vmem>>) target(%dma_start3A_57 : memref<128x16xf32, #tpu.memory_space<vmem_shared>>) target_semaphore(%run_scoped3A : memref<!tpu.dma_semaphore, #tpu.memory_space<semaphore_mem>>)
      %dma_wait3A = arith.constant 0 : i32
      %dma_wait3A_58 = tpu.memref_slice %arg7[%add3A_20, %dma_wait3A] : memref<10240x16xf32, #tpu.memory_space<vmem_shared>> -> memref<128x16xf32, #tpu.memory_space<vmem_shared>>
      %dma_wait3A_59 = arith.constant 0 : i32
      %dma_wait3A_60 = tpu.memref_slice %arg7[%add3A_20, %dma_wait3A_59] : memref<10240x16xf32, #tpu.memory_space<vmem_shared>> -> memref<128x16xf32, #tpu.memory_space<vmem_shared>>
      tpu.wait_dma2 semaphore(%run_scoped3A : memref<!tpu.dma_semaphore, #tpu.memory_space<semaphore_mem>>) src(%arg6 : memref<128x16xf32, #tpu.memory_space<vmem>>) dst(%dma_wait3A_60 : memref<128x16xf32, #tpu.memory_space<vmem_shared>>)
      tpu.yield
    }) : () -> ()
    %mul3A_21 = arith.constant 640 : i32
    %mul3A_22 = arith.muli %arg1, %mul3A_21 : i32
    %add3A_23 = arith.constant 512 : i32
    %add3A_24 = arith.addi %mul3A_22, %add3A_23 : i32
    "tpu.region"() ({
      %run_scoped3A = tpu.sem_alloc : memref<!tpu.dma_semaphore, #tpu.memory_space<semaphore_mem>>
      %dma_start3A = arith.constant 0 : i32
      %dma_start3A_55 = tpu.memref_slice %arg7[%add3A_24, %dma_start3A] : memref<10240x16xf32, #tpu.memory_space<vmem_shared>> -> memref<128x16xf32, #tpu.memory_space<vmem_shared>>
      %dma_start3A_56 = arith.constant 0 : i32
      %dma_start3A_57 = tpu.memref_slice %arg7[%add3A_24, %dma_start3A_56] : memref<10240x16xf32, #tpu.memory_space<vmem_shared>> -> memref<128x16xf32, #tpu.memory_space<vmem_shared>>
      tpu.enqueue_dma source(%arg6 : memref<128x16xf32, #tpu.memory_space<vmem>>) target(%dma_start3A_57 : memref<128x16xf32, #tpu.memory_space<vmem_shared>>) target_semaphore(%run_scoped3A : memref<!tpu.dma_semaphore, #tpu.memory_space<semaphore_mem>>)
      %dma_wait3A = arith.constant 0 : i32
      %dma_wait3A_58 = tpu.memref_slice %arg7[%add3A_24, %dma_wait3A] : memref<10240x16xf32, #tpu.memory_space<vmem_shared>> -> memref<128x16xf32, #tpu.memory_space<vmem_shared>>
      %dma_wait3A_59 = arith.constant 0 : i32
      %dma_wait3A_60 = tpu.memref_slice %arg7[%add3A_24, %dma_wait3A_59] : memref<10240x16xf32, #tpu.memory_space<vmem_shared>> -> memref<128x16xf32, #tpu.memory_space<vmem_shared>>
      tpu.wait_dma2 semaphore(%run_scoped3A : memref<!tpu.dma_semaphore, #tpu.memory_space<semaphore_mem>>) src(%arg6 : memref<128x16xf32, #tpu.memory_space<vmem>>) dst(%dma_wait3A_60 : memref<128x16xf32, #tpu.memory_space<vmem_shared>>)
      tpu.yield
    }) : () -> ()
    %mul3A_25 = arith.constant 80 : i32
    %mul3A_26 = arith.muli %add3A, %mul3A_25 : i32
    "tpu.region"() ({
      %run_scoped3A = tpu.sem_alloc : memref<!tpu.dma_semaphore, #tpu.memory_space<semaphore_mem>>
      %dma_start3A = arith.constant 0 : i32
      %dma_start3A_55 = tpu.memref_slice %arg2[%mul3A_26, %dma_start3A] : memref<2560x128xi32, #tpu.memory_space<hbm>> -> memref<80x128xi32, #tpu.memory_space<hbm>>
      %dma_start3A_56 = arith.constant 0 : i32
      %dma_start3A_57 = tpu.memref_slice %arg2[%mul3A_26, %dma_start3A_56] : memref<2560x128xi32, #tpu.memory_space<hbm>> -> memref<80x128xi32, #tpu.memory_space<hbm>>
      tpu.enqueue_dma source(%dma_start3A_57 : memref<80x128xi32, #tpu.memory_space<hbm>>) target(%arg4 : memref<80x128xi32, #tpu.memory_space<vmem>>) target_semaphore(%run_scoped3A : memref<!tpu.dma_semaphore, #tpu.memory_space<semaphore_mem>>)
      %dma_wait3A = arith.constant 0 : i32
      %dma_wait3A_58 = tpu.memref_slice %arg2[%mul3A_26, %dma_wait3A] : memref<2560x128xi32, #tpu.memory_space<hbm>> -> memref<80x128xi32, #tpu.memory_space<hbm>>
      %dma_wait3A_59 = arith.constant 0 : i32
      %dma_wait3A_60 = tpu.memref_slice %arg2[%mul3A_26, %dma_wait3A_59] : memref<2560x128xi32, #tpu.memory_space<hbm>> -> memref<80x128xi32, #tpu.memory_space<hbm>>
      tpu.wait_dma2 semaphore(%run_scoped3A : memref<!tpu.dma_semaphore, #tpu.memory_space<semaphore_mem>>) src(%dma_wait3A_60 : memref<80x128xi32, #tpu.memory_space<hbm>>) dst(%arg4 : memref<80x128xi32, #tpu.memory_space<vmem>>)
      tpu.yield
    }) : () -> ()
    %barrier3A = arith.constant 0 : index
    tpu.barrier barrier_id(%barrier3A)
    %scan3A_27 = arith.constant 0 : i32
    %scan3A_28 = arith.constant 80 : i32
    %scan3A_29 = arith.addi %scan3A_27, %scan3A_28 : i32
    %scan3A_30 = arith.constant 1 : i32
    scf.for %scan3A_55 = %scan3A_27 to %scan3A_29 step %scan3A_30  : i32 {
      %mul3A_56 = arith.constant 1 : i32
      %mul3A_57 = arith.muli %scan3A_55, %mul3A_56 : i32
      %add3A_58 = arith.constant 0 : i32
      %add3A_59 = arith.addi %add3A_58, %mul3A_57 : i32
      "tpu.region"() ({
        %run_scoped3A = tpu.sem_alloc : memref<!tpu.dma_semaphore, #tpu.memory_space<semaphore_mem>>
        %dma_start3A = arith.constant 0 : i32
        %dma_start3A_60 = tpu.memref_slice %arg4[%add3A_59, %dma_start3A] : memref<80x128xi32, #tpu.memory_space<vmem>> -> memref<1x128xi32, #tpu.memory_space<vmem>>
        %dma_start3A_61 = tpu.memref_squeeze %dma_start3A_60 : memref<1x128xi32, #tpu.memory_space<vmem>> -> memref<128xi32, #tpu.memory_space<vmem>>
        %dma_start3A_62 = arith.constant 0 : i32
        %dma_start3A_63 = arith.constant 0 : i32
        %dma_start3A_64 = tpu.memref_slice %arg7[%dma_start3A_62, %dma_start3A_63] : memref<10240x16xf32, #tpu.memory_space<vmem_shared>> -> memref<10240x16xf32, #tpu.memory_space<vmem_shared>>
        tpu.enqueue_indirect_dma source(%arg5 : memref<128x16xf32, #tpu.memory_space<vmem>>) target(%dma_start3A_64 : memref<10240x16xf32, #tpu.memory_space<vmem_shared>>) offsets(%dma_start3A_61 : memref<128xi32, #tpu.memory_space<vmem>>) semaphore(%run_scoped3A : memref<!tpu.dma_semaphore, #tpu.memory_space<semaphore_mem>>) {add = true}
        %dma_wait3A = arith.constant 0 : i32
        %dma_wait3A_65 = tpu.memref_slice %arg4[%add3A_59, %dma_wait3A] : memref<80x128xi32, #tpu.memory_space<vmem>> -> memref<1x128xi32, #tpu.memory_space<vmem>>
        %dma_wait3A_66 = tpu.memref_squeeze %dma_wait3A_65 : memref<1x128xi32, #tpu.memory_space<vmem>> -> memref<128xi32, #tpu.memory_space<vmem>>
        %dma_wait3A_67 = arith.constant 0 : i32
        %dma_wait3A_68 = arith.constant 0 : i32
        %dma_wait3A_69 = tpu.memref_slice %arg7[%dma_wait3A_67, %dma_wait3A_68] : memref<10240x16xf32, #tpu.memory_space<vmem_shared>> -> memref<10240x16xf32, #tpu.memory_space<vmem_shared>>
        tpu.wait_indirect_dma semaphore(%run_scoped3A : memref<!tpu.dma_semaphore, #tpu.memory_space<semaphore_mem>>) src(%arg5 : memref<128x16xf32, #tpu.memory_space<vmem>>) dst(%dma_wait3A_69 : memref<10240x16xf32, #tpu.memory_space<vmem_shared>>)
        tpu.yield
      }) : () -> ()
    }
    %scan3A_31 = arith.constant 80 : i32
    %barrier3A_32 = arith.constant 0 : index
    tpu.barrier barrier_id(%barrier3A_32)
    %mul3A_33 = arith.constant 640 : i32
    %mul3A_34 = arith.muli %arg1, %mul3A_33 : i32
    %add3A_35 = arith.constant 0 : i32
    %add3A_36 = arith.addi %mul3A_34, %add3A_35 : i32
    "tpu.region"() ({
      %run_scoped3A = tpu.sem_alloc : memref<!tpu.dma_semaphore, #tpu.memory_space<semaphore_mem>>
      %dma_start3A = arith.constant 0 : i32
      %dma_start3A_55 = tpu.memref_slice %arg7[%add3A_36, %dma_start3A] : memref<10240x16xf32, #tpu.memory_space<vmem_shared>> -> memref<128x16xf32, #tpu.memory_space<vmem_shared>>
      %dma_start3A_56 = arith.constant 0 : i32
      %dma_start3A_57 = tpu.memref_slice %arg7[%add3A_36, %dma_start3A_56] : memref<10240x16xf32, #tpu.memory_space<vmem_shared>> -> memref<128x16xf32, #tpu.memory_space<vmem_shared>>
      tpu.enqueue_dma source(%dma_start3A_57 : memref<128x16xf32, #tpu.memory_space<vmem_shared>>) target(%arg6 : memref<128x16xf32, #tpu.memory_space<vmem>>) target_semaphore(%run_scoped3A : memref<!tpu.dma_semaphore, #tpu.memory_space<semaphore_mem>>)
      %dma_wait3A = arith.constant 0 : i32
      %dma_wait3A_58 = tpu.memref_slice %arg7[%add3A_36, %dma_wait3A] : memref<10240x16xf32, #tpu.memory_space<vmem_shared>> -> memref<128x16xf32, #tpu.memory_space<vmem_shared>>
      %dma_wait3A_59 = arith.constant 0 : i32
      %dma_wait3A_60 = tpu.memref_slice %arg7[%add3A_36, %dma_wait3A_59] : memref<10240x16xf32, #tpu.memory_space<vmem_shared>> -> memref<128x16xf32, #tpu.memory_space<vmem_shared>>
      tpu.wait_dma2 semaphore(%run_scoped3A : memref<!tpu.dma_semaphore, #tpu.memory_space<semaphore_mem>>) src(%dma_wait3A_60 : memref<128x16xf32, #tpu.memory_space<vmem_shared>>) dst(%arg6 : memref<128x16xf32, #tpu.memory_space<vmem>>)
      tpu.yield
    }) : () -> ()
    %add3A_37 = arith.constant 0 : i32
    %add3A_38 = arith.addi %mul3A_34, %add3A_37 : i32
    "tpu.region"() ({
      %run_scoped3A = tpu.sem_alloc : memref<!tpu.dma_semaphore, #tpu.memory_space<semaphore_mem>>
      %dma_start3A = arith.constant 0 : i32
      %dma_start3A_55 = tpu.memref_slice %arg3[%arg0, %add3A_38, %dma_start3A] : memref<2x10240x16xf32, #tpu.memory_space<hbm>> -> memref<1x128x16xf32, #tpu.memory_space<hbm>>
      %dma_start3A_56 = tpu.memref_squeeze %dma_start3A_55 : memref<1x128x16xf32, #tpu.memory_space<hbm>> -> memref<128x16xf32, #tpu.memory_space<hbm>>
      %dma_start3A_57 = arith.constant 0 : i32
      %dma_start3A_58 = tpu.memref_slice %arg3[%arg0, %add3A_38, %dma_start3A_57] : memref<2x10240x16xf32, #tpu.memory_space<hbm>> -> memref<1x128x16xf32, #tpu.memory_space<hbm>>
      %dma_start3A_59 = tpu.memref_squeeze %dma_start3A_58 : memref<1x128x16xf32, #tpu.memory_space<hbm>> -> memref<128x16xf32, #tpu.memory_space<hbm>>
      tpu.enqueue_dma source(%arg6 : memref<128x16xf32, #tpu.memory_space<vmem>>) target(%dma_start3A_59 : memref<128x16xf32, #tpu.memory_space<hbm>>) target_semaphore(%run_scoped3A : memref<!tpu.dma_semaphore, #tpu.memory_space<semaphore_mem>>)
      %dma_wait3A = arith.constant 0 : i32
      %dma_wait3A_60 = tpu.memref_slice %arg3[%arg0, %add3A_38, %dma_wait3A] : memref<2x10240x16xf32, #tpu.memory_space<hbm>> -> memref<1x128x16xf32, #tpu.memory_space<hbm>>
      %dma_wait3A_61 = tpu.memref_squeeze %dma_wait3A_60 : memref<1x128x16xf32, #tpu.memory_space<hbm>> -> memref<128x16xf32, #tpu.memory_space<hbm>>
      %dma_wait3A_62 = arith.constant 0 : i32
      %dma_wait3A_63 = tpu.memref_slice %arg3[%arg0, %add3A_38, %dma_wait3A_62] : memref<2x10240x16xf32, #tpu.memory_space<hbm>> -> memref<1x128x16xf32, #tpu.memory_space<hbm>>
      %dma_wait3A_64 = tpu.memref_squeeze %dma_wait3A_63 : memref<1x128x16xf32, #tpu.memory_space<hbm>> -> memref<128x16xf32, #tpu.memory_space<hbm>>
      tpu.wait_dma2 semaphore(%run_scoped3A : memref<!tpu.dma_semaphore, #tpu.memory_space<semaphore_mem>>) src(%arg6 : memref<128x16xf32, #tpu.memory_space<vmem>>) dst(%dma_wait3A_64 : memref<128x16xf32, #tpu.memory_space<hbm>>)
      tpu.yield
    }) : () -> ()
    %add3A_39 = arith.constant 128 : i32
    %add3A_40 = arith.addi %mul3A_34, %add3A_39 : i32
    "tpu.region"() ({
      %run_scoped3A = tpu.sem_alloc : memref<!tpu.dma_semaphore, #tpu.memory_space<semaphore_mem>>
      %dma_start3A = arith.constant 0 : i32
      %dma_start3A_55 = tpu.memref_slice %arg7[%add3A_40, %dma_start3A] : memref<10240x16xf32, #tpu.memory_space<vmem_shared>> -> memref<128x16xf32, #tpu.memory_space<vmem_shared>>
      %dma_start3A_56 = arith.constant 0 : i32
      %dma_start3A_57 = tpu.memref_slice %arg7[%add3A_40, %dma_start3A_56] : memref<10240x16xf32, #tpu.memory_space<vmem_shared>> -> memref<128x16xf32, #tpu.memory_space<vmem_shared>>
      tpu.enqueue_dma source(%dma_start3A_57 : memref<128x16xf32, #tpu.memory_space<vmem_shared>>) target(%arg6 : memref<128x16xf32, #tpu.memory_space<vmem>>) target_semaphore(%run_scoped3A : memref<!tpu.dma_semaphore, #tpu.memory_space<semaphore_mem>>)
      %dma_wait3A = arith.constant 0 : i32
      %dma_wait3A_58 = tpu.memref_slice %arg7[%add3A_40, %dma_wait3A] : memref<10240x16xf32, #tpu.memory_space<vmem_shared>> -> memref<128x16xf32, #tpu.memory_space<vmem_shared>>
      %dma_wait3A_59 = arith.constant 0 : i32
      %dma_wait3A_60 = tpu.memref_slice %arg7[%add3A_40, %dma_wait3A_59] : memref<10240x16xf32, #tpu.memory_space<vmem_shared>> -> memref<128x16xf32, #tpu.memory_space<vmem_shared>>
      tpu.wait_dma2 semaphore(%run_scoped3A : memref<!tpu.dma_semaphore, #tpu.memory_space<semaphore_mem>>) src(%dma_wait3A_60 : memref<128x16xf32, #tpu.memory_space<vmem_shared>>) dst(%arg6 : memref<128x16xf32, #tpu.memory_space<vmem>>)
      tpu.yield
    }) : () -> ()
    %add3A_41 = arith.constant 128 : i32
    %add3A_42 = arith.addi %mul3A_34, %add3A_41 : i32
    "tpu.region"() ({
      %run_scoped3A = tpu.sem_alloc : memref<!tpu.dma_semaphore, #tpu.memory_space<semaphore_mem>>
      %dma_start3A = arith.constant 0 : i32
      %dma_start3A_55 = tpu.memref_slice %arg3[%arg0, %add3A_42, %dma_start3A] : memref<2x10240x16xf32, #tpu.memory_space<hbm>> -> memref<1x128x16xf32, #tpu.memory_space<hbm>>
      %dma_start3A_56 = tpu.memref_squeeze %dma_start3A_55 : memref<1x128x16xf32, #tpu.memory_space<hbm>> -> memref<128x16xf32, #tpu.memory_space<hbm>>
      %dma_start3A_57 = arith.constant 0 : i32
      %dma_start3A_58 = tpu.memref_slice %arg3[%arg0, %add3A_42, %dma_start3A_57] : memref<2x10240x16xf32, #tpu.memory_space<hbm>> -> memref<1x128x16xf32, #tpu.memory_space<hbm>>
      %dma_start3A_59 = tpu.memref_squeeze %dma_start3A_58 : memref<1x128x16xf32, #tpu.memory_space<hbm>> -> memref<128x16xf32, #tpu.memory_space<hbm>>
      tpu.enqueue_dma source(%arg6 : memref<128x16xf32, #tpu.memory_space<vmem>>) target(%dma_start3A_59 : memref<128x16xf32, #tpu.memory_space<hbm>>) target_semaphore(%run_scoped3A : memref<!tpu.dma_semaphore, #tpu.memory_space<semaphore_mem>>)
      %dma_wait3A = arith.constant 0 : i32
      %dma_wait3A_60 = tpu.memref_slice %arg3[%arg0, %add3A_42, %dma_wait3A] : memref<2x10240x16xf32, #tpu.memory_space<hbm>> -> memref<1x128x16xf32, #tpu.memory_space<hbm>>
      %dma_wait3A_61 = tpu.memref_squeeze %dma_wait3A_60 : memref<1x128x16xf32, #tpu.memory_space<hbm>> -> memref<128x16xf32, #tpu.memory_space<hbm>>
      %dma_wait3A_62 = arith.constant 0 : i32
      %dma_wait3A_63 = tpu.memref_slice %arg3[%arg0, %add3A_42, %dma_wait3A_62] : memref<2x10240x16xf32, #tpu.memory_space<hbm>> -> memref<1x128x16xf32, #tpu.memory_space<hbm>>
      %dma_wait3A_64 = tpu.memref_squeeze %dma_wait3A_63 : memref<1x128x16xf32, #tpu.memory_space<hbm>> -> memref<128x16xf32, #tpu.memory_space<hbm>>
      tpu.wait_dma2 semaphore(%run_scoped3A : memref<!tpu.dma_semaphore, #tpu.memory_space<semaphore_mem>>) src(%arg6 : memref<128x16xf32, #tpu.memory_space<vmem>>) dst(%dma_wait3A_64 : memref<128x16xf32, #tpu.memory_space<hbm>>)
      tpu.yield
    }) : () -> ()
    %add3A_43 = arith.constant 256 : i32
    %add3A_44 = arith.addi %mul3A_34, %add3A_43 : i32
    "tpu.region"() ({
      %run_scoped3A = tpu.sem_alloc : memref<!tpu.dma_semaphore, #tpu.memory_space<semaphore_mem>>
      %dma_start3A = arith.constant 0 : i32
      %dma_start3A_55 = tpu.memref_slice %arg7[%add3A_44, %dma_start3A] : memref<10240x16xf32, #tpu.memory_space<vmem_shared>> -> memref<128x16xf32, #tpu.memory_space<vmem_shared>>
      %dma_start3A_56 = arith.constant 0 : i32
      %dma_start3A_57 = tpu.memref_slice %arg7[%add3A_44, %dma_start3A_56] : memref<10240x16xf32, #tpu.memory_space<vmem_shared>> -> memref<128x16xf32, #tpu.memory_space<vmem_shared>>
      tpu.enqueue_dma source(%dma_start3A_57 : memref<128x16xf32, #tpu.memory_space<vmem_shared>>) target(%arg6 : memref<128x16xf32, #tpu.memory_space<vmem>>) target_semaphore(%run_scoped3A : memref<!tpu.dma_semaphore, #tpu.memory_space<semaphore_mem>>)
      %dma_wait3A = arith.constant 0 : i32
      %dma_wait3A_58 = tpu.memref_slice %arg7[%add3A_44, %dma_wait3A] : memref<10240x16xf32, #tpu.memory_space<vmem_shared>> -> memref<128x16xf32, #tpu.memory_space<vmem_shared>>
      %dma_wait3A_59 = arith.constant 0 : i32
      %dma_wait3A_60 = tpu.memref_slice %arg7[%add3A_44, %dma_wait3A_59] : memref<10240x16xf32, #tpu.memory_space<vmem_shared>> -> memref<128x16xf32, #tpu.memory_space<vmem_shared>>
      tpu.wait_dma2 semaphore(%run_scoped3A : memref<!tpu.dma_semaphore, #tpu.memory_space<semaphore_mem>>) src(%dma_wait3A_60 : memref<128x16xf32, #tpu.memory_space<vmem_shared>>) dst(%arg6 : memref<128x16xf32, #tpu.memory_space<vmem>>)
      tpu.yield
    }) : () -> ()
    %add3A_45 = arith.constant 256 : i32
    %add3A_46 = arith.addi %mul3A_34, %add3A_45 : i32
    "tpu.region"() ({
      %run_scoped3A = tpu.sem_alloc : memref<!tpu.dma_semaphore, #tpu.memory_space<semaphore_mem>>
      %dma_start3A = arith.constant 0 : i32
      %dma_start3A_55 = tpu.memref_slice %arg3[%arg0, %add3A_46, %dma_start3A] : memref<2x10240x16xf32, #tpu.memory_space<hbm>> -> memref<1x128x16xf32, #tpu.memory_space<hbm>>
      %dma_start3A_56 = tpu.memref_squeeze %dma_start3A_55 : memref<1x128x16xf32, #tpu.memory_space<hbm>> -> memref<128x16xf32, #tpu.memory_space<hbm>>
      %dma_start3A_57 = arith.constant 0 : i32
      %dma_start3A_58 = tpu.memref_slice %arg3[%arg0, %add3A_46, %dma_start3A_57] : memref<2x10240x16xf32, #tpu.memory_space<hbm>> -> memref<1x128x16xf32, #tpu.memory_space<hbm>>
      %dma_start3A_59 = tpu.memref_squeeze %dma_start3A_58 : memref<1x128x16xf32, #tpu.memory_space<hbm>> -> memref<128x16xf32, #tpu.memory_space<hbm>>
      tpu.enqueue_dma source(%arg6 : memref<128x16xf32, #tpu.memory_space<vmem>>) target(%dma_start3A_59 : memref<128x16xf32, #tpu.memory_space<hbm>>) target_semaphore(%run_scoped3A : memref<!tpu.dma_semaphore, #tpu.memory_space<semaphore_mem>>)
      %dma_wait3A = arith.constant 0 : i32
      %dma_wait3A_60 = tpu.memref_slice %arg3[%arg0, %add3A_46, %dma_wait3A] : memref<2x10240x16xf32, #tpu.memory_space<hbm>> -> memref<1x128x16xf32, #tpu.memory_space<hbm>>
      %dma_wait3A_61 = tpu.memref_squeeze %dma_wait3A_60 : memref<1x128x16xf32, #tpu.memory_space<hbm>> -> memref<128x16xf32, #tpu.memory_space<hbm>>
      %dma_wait3A_62 = arith.constant 0 : i32
      %dma_wait3A_63 = tpu.memref_slice %arg3[%arg0, %add3A_46, %dma_wait3A_62] : memref<2x10240x16xf32, #tpu.memory_space<hbm>> -> memref<1x128x16xf32, #tpu.memory_space<hbm>>
      %dma_wait3A_64 = tpu.memref_squeeze %dma_wait3A_63 : memref<1x128x16xf32, #tpu.memory_space<hbm>> -> memref<128x16xf32, #tpu.memory_space<hbm>>
      tpu.wait_dma2 semaphore(%run_scoped3A : memref<!tpu.dma_semaphore, #tpu.memory_space<semaphore_mem>>) src(%arg6 : memref<128x16xf32, #tpu.memory_space<vmem>>) dst(%dma_wait3A_64 : memref<128x16xf32, #tpu.memory_space<hbm>>)
      tpu.yield
    }) : () -> ()
    %add3A_47 = arith.constant 384 : i32
    %add3A_48 = arith.addi %mul3A_34, %add3A_47 : i32
    "tpu.region"() ({
      %run_scoped3A = tpu.sem_alloc : memref<!tpu.dma_semaphore, #tpu.memory_space<semaphore_mem>>
      %dma_start3A = arith.constant 0 : i32
      %dma_start3A_55 = tpu.memref_slice %arg7[%add3A_48, %dma_start3A] : memref<10240x16xf32, #tpu.memory_space<vmem_shared>> -> memref<128x16xf32, #tpu.memory_space<vmem_shared>>
      %dma_start3A_56 = arith.constant 0 : i32
      %dma_start3A_57 = tpu.memref_slice %arg7[%add3A_48, %dma_start3A_56] : memref<10240x16xf32, #tpu.memory_space<vmem_shared>> -> memref<128x16xf32, #tpu.memory_space<vmem_shared>>
      tpu.enqueue_dma source(%dma_start3A_57 : memref<128x16xf32, #tpu.memory_space<vmem_shared>>) target(%arg6 : memref<128x16xf32, #tpu.memory_space<vmem>>) target_semaphore(%run_scoped3A : memref<!tpu.dma_semaphore, #tpu.memory_space<semaphore_mem>>)
      %dma_wait3A = arith.constant 0 : i32
      %dma_wait3A_58 = tpu.memref_slice %arg7[%add3A_48, %dma_wait3A] : memref<10240x16xf32, #tpu.memory_space<vmem_shared>> -> memref<128x16xf32, #tpu.memory_space<vmem_shared>>
      %dma_wait3A_59 = arith.constant 0 : i32
      %dma_wait3A_60 = tpu.memref_slice %arg7[%add3A_48, %dma_wait3A_59] : memref<10240x16xf32, #tpu.memory_space<vmem_shared>> -> memref<128x16xf32, #tpu.memory_space<vmem_shared>>
      tpu.wait_dma2 semaphore(%run_scoped3A : memref<!tpu.dma_semaphore, #tpu.memory_space<semaphore_mem>>) src(%dma_wait3A_60 : memref<128x16xf32, #tpu.memory_space<vmem_shared>>) dst(%arg6 : memref<128x16xf32, #tpu.memory_space<vmem>>)
      tpu.yield
    }) : () -> ()
    %add3A_49 = arith.constant 384 : i32
    %add3A_50 = arith.addi %mul3A_34, %add3A_49 : i32
    "tpu.region"() ({
      %run_scoped3A = tpu.sem_alloc : memref<!tpu.dma_semaphore, #tpu.memory_space<semaphore_mem>>
      %dma_start3A = arith.constant 0 : i32
      %dma_start3A_55 = tpu.memref_slice %arg3[%arg0, %add3A_50, %dma_start3A] : memref<2x10240x16xf32, #tpu.memory_space<hbm>> -> memref<1x128x16xf32, #tpu.memory_space<hbm>>
      %dma_start3A_56 = tpu.memref_squeeze %dma_start3A_55 : memref<1x128x16xf32, #tpu.memory_space<hbm>> -> memref<128x16xf32, #tpu.memory_space<hbm>>
      %dma_start3A_57 = arith.constant 0 : i32
      %dma_start3A_58 = tpu.memref_slice %arg3[%arg0, %add3A_50, %dma_start3A_57] : memref<2x10240x16xf32, #tpu.memory_space<hbm>> -> memref<1x128x16xf32, #tpu.memory_space<hbm>>
      %dma_start3A_59 = tpu.memref_squeeze %dma_start3A_58 : memref<1x128x16xf32, #tpu.memory_space<hbm>> -> memref<128x16xf32, #tpu.memory_space<hbm>>
      tpu.enqueue_dma source(%arg6 : memref<128x16xf32, #tpu.memory_space<vmem>>) target(%dma_start3A_59 : memref<128x16xf32, #tpu.memory_space<hbm>>) target_semaphore(%run_scoped3A : memref<!tpu.dma_semaphore, #tpu.memory_space<semaphore_mem>>)
      %dma_wait3A = arith.constant 0 : i32
      %dma_wait3A_60 = tpu.memref_slice %arg3[%arg0, %add3A_50, %dma_wait3A] : memref<2x10240x16xf32, #tpu.memory_space<hbm>> -> memref<1x128x16xf32, #tpu.memory_space<hbm>>
      %dma_wait3A_61 = tpu.memref_squeeze %dma_wait3A_60 : memref<1x128x16xf32, #tpu.memory_space<hbm>> -> memref<128x16xf32, #tpu.memory_space<hbm>>
      %dma_wait3A_62 = arith.constant 0 : i32
      %dma_wait3A_63 = tpu.memref_slice %arg3[%arg0, %add3A_50, %dma_wait3A_62] : memref<2x10240x16xf32, #tpu.memory_space<hbm>> -> memref<1x128x16xf32, #tpu.memory_space<hbm>>
      %dma_wait3A_64 = tpu.memref_squeeze %dma_wait3A_63 : memref<1x128x16xf32, #tpu.memory_space<hbm>> -> memref<128x16xf32, #tpu.memory_space<hbm>>
      tpu.wait_dma2 semaphore(%run_scoped3A : memref<!tpu.dma_semaphore, #tpu.memory_space<semaphore_mem>>) src(%arg6 : memref<128x16xf32, #tpu.memory_space<vmem>>) dst(%dma_wait3A_64 : memref<128x16xf32, #tpu.memory_space<hbm>>)
      tpu.yield
    }) : () -> ()
    %add3A_51 = arith.constant 512 : i32
    %add3A_52 = arith.addi %mul3A_34, %add3A_51 : i32
    "tpu.region"() ({
      %run_scoped3A = tpu.sem_alloc : memref<!tpu.dma_semaphore, #tpu.memory_space<semaphore_mem>>
      %dma_start3A = arith.constant 0 : i32
      %dma_start3A_55 = tpu.memref_slice %arg7[%add3A_52, %dma_start3A] : memref<10240x16xf32, #tpu.memory_space<vmem_shared>> -> memref<128x16xf32, #tpu.memory_space<vmem_shared>>
      %dma_start3A_56 = arith.constant 0 : i32
      %dma_start3A_57 = tpu.memref_slice %arg7[%add3A_52, %dma_start3A_56] : memref<10240x16xf32, #tpu.memory_space<vmem_shared>> -> memref<128x16xf32, #tpu.memory_space<vmem_shared>>
      tpu.enqueue_dma source(%dma_start3A_57 : memref<128x16xf32, #tpu.memory_space<vmem_shared>>) target(%arg6 : memref<128x16xf32, #tpu.memory_space<vmem>>) target_semaphore(%run_scoped3A : memref<!tpu.dma_semaphore, #tpu.memory_space<semaphore_mem>>)
      %dma_wait3A = arith.constant 0 : i32
      %dma_wait3A_58 = tpu.memref_slice %arg7[%add3A_52, %dma_wait3A] : memref<10240x16xf32, #tpu.memory_space<vmem_shared>> -> memref<128x16xf32, #tpu.memory_space<vmem_shared>>
      %dma_wait3A_59 = arith.constant 0 : i32
      %dma_wait3A_60 = tpu.memref_slice %arg7[%add3A_52, %dma_wait3A_59] : memref<10240x16xf32, #tpu.memory_space<vmem_shared>> -> memref<128x16xf32, #tpu.memory_space<vmem_shared>>
      tpu.wait_dma2 semaphore(%run_scoped3A : memref<!tpu.dma_semaphore, #tpu.memory_space<semaphore_mem>>) src(%dma_wait3A_60 : memref<128x16xf32, #tpu.memory_space<vmem_shared>>) dst(%arg6 : memref<128x16xf32, #tpu.memory_space<vmem>>)
      tpu.yield
    }) : () -> ()
    %add3A_53 = arith.constant 512 : i32
    %add3A_54 = arith.addi %mul3A_34, %add3A_53 : i32
    "tpu.region"() ({
      %run_scoped3A = tpu.sem_alloc : memref<!tpu.dma_semaphore, #tpu.memory_space<semaphore_mem>>
      %dma_start3A = arith.constant 0 : i32
      %dma_start3A_55 = tpu.memref_slice %arg3[%arg0, %add3A_54, %dma_start3A] : memref<2x10240x16xf32, #tpu.memory_space<hbm>> -> memref<1x128x16xf32, #tpu.memory_space<hbm>>
      %dma_start3A_56 = tpu.memref_squeeze %dma_start3A_55 : memref<1x128x16xf32, #tpu.memory_space<hbm>> -> memref<128x16xf32, #tpu.memory_space<hbm>>
      %dma_start3A_57 = arith.constant 0 : i32
      %dma_start3A_58 = tpu.memref_slice %arg3[%arg0, %add3A_54, %dma_start3A_57] : memref<2x10240x16xf32, #tpu.memory_space<hbm>> -> memref<1x128x16xf32, #tpu.memory_space<hbm>>
      %dma_start3A_59 = tpu.memref_squeeze %dma_start3A_58 : memref<1x128x16xf32, #tpu.memory_space<hbm>> -> memref<128x16xf32, #tpu.memory_space<hbm>>
      tpu.enqueue_dma source(%arg6 : memref<128x16xf32, #tpu.memory_space<vmem>>) target(%dma_start3A_59 : memref<128x16xf32, #tpu.memory_space<hbm>>) target_semaphore(%run_scoped3A : memref<!tpu.dma_semaphore, #tpu.memory_space<semaphore_mem>>)
      %dma_wait3A = arith.constant 0 : i32
      %dma_wait3A_60 = tpu.memref_slice %arg3[%arg0, %add3A_54, %dma_wait3A] : memref<2x10240x16xf32, #tpu.memory_space<hbm>> -> memref<1x128x16xf32, #tpu.memory_space<hbm>>
      %dma_wait3A_61 = tpu.memref_squeeze %dma_wait3A_60 : memref<1x128x16xf32, #tpu.memory_space<hbm>> -> memref<128x16xf32, #tpu.memory_space<hbm>>
      %dma_wait3A_62 = arith.constant 0 : i32
      %dma_wait3A_63 = tpu.memref_slice %arg3[%arg0, %add3A_54, %dma_wait3A_62] : memref<2x10240x16xf32, #tpu.memory_space<hbm>> -> memref<1x128x16xf32, #tpu.memory_space<hbm>>
      %dma_wait3A_64 = tpu.memref_squeeze %dma_wait3A_63 : memref<1x128x16xf32, #tpu.memory_space<hbm>> -> memref<128x16xf32, #tpu.memory_space<hbm>>
      tpu.wait_dma2 semaphore(%run_scoped3A : memref<!tpu.dma_semaphore, #tpu.memory_space<semaphore_mem>>) src(%arg6 : memref<128x16xf32, #tpu.memory_space<vmem>>) dst(%dma_wait3A_64 : memref<128x16xf32, #tpu.memory_space<hbm>>)
      tpu.yield
    }) : () -> ()
    return
  }
}

module attributes {stable_mosaic.version = 14 : i64} {
  func.func @_tc_g1_body(%arg0: i32, %arg1: memref<1024x128xf32, #tpu.memory_space<vmem>>, %arg2: memref<128x128xf32, #tpu.memory_space<vmem>>, %arg3: memref<2x1024x16xf32, #tpu.memory_space<vmem>>, %arg4: memref<1024x128xf32, #tpu.memory_space<vmem>>) attributes {dimension_semantics = [#tpu.dimension_semantics<arbitrary>], iteration_bounds = array<i64: 10>, scalar_prefetch = 0 : i64, scratch_operands = 0 : i64, tpu.core_type = #tpu.core_type<tc>, window_params = [{transform_indices = @transform_0, window_bounds = array<i64: 1024, 128>}, {pipeline_mode = #tpu.pipeline_mode<synchronous>, transform_indices = @transform_1, window_bounds = array<i64: 128, 128>}, {transform_indices = @transform_2, window_bounds = array<i64: 2, 1024, 16>}, {transform_indices = @transform_3, window_bounds = array<i64: 1024, 128>}]} {
    %get3A = arith.constant 0 : index
    %get3A_0 = arith.constant 0 : index
    %get3A_1 = vector.load %arg1[%get3A, %get3A_0] : memref<1024x128xf32, #tpu.memory_space<vmem>>, vector<1024x128xf32>
    %get3A_2 = arith.constant 0 : index
    %get3A_3 = arith.constant 0 : index
    %get3A_4 = vector.load %arg2[%get3A_2, %get3A_3] : memref<128x128xf32, #tpu.memory_space<vmem>>, vector<128x128xf32>
    %dot_general3A = arith.constant dense<0.000000e+00> : vector<1024x128xf32>
    %dot_general3A_5 = tpu.matmul %get3A_1, %get3A_4, %dot_general3A {dimension_numbers = #tpu.dot_dimension_numbers<[1], [0], [0], [1], [0, 0, 1, 1], [], []>, precision = #tpu.contract_precision<fp32>, transpose_lhs_hint = false} : vector<1024x128xf32>, vector<128x128xf32>, vector<1024x128xf32> -> vector<1024x128xf32>
    %get3A_6 = arith.constant 0 : index
    %get3A_7 = arith.constant 0 : index
    %get3A_8 = arith.constant 0 : index
    %get3A_9 = vector.load %arg3[%get3A_6, %get3A_7, %get3A_8] : memref<2x1024x16xf32, #tpu.memory_space<vmem>>, vector<1x1024x1xf32>
    %get3A_10 = vector.shape_cast %get3A_9 : vector<1x1024x1xf32> to vector<1024x1xf32>
    %get3A_11 = arith.constant 1 : index
    %get3A_12 = arith.constant 0 : index
    %get3A_13 = arith.constant 0 : index
    %get3A_14 = vector.load %arg3[%get3A_11, %get3A_12, %get3A_13] : memref<2x1024x16xf32, #tpu.memory_space<vmem>>, vector<1x1024x1xf32>
    %get3A_15 = vector.shape_cast %get3A_14 : vector<1x1024x1xf32> to vector<1024x1xf32>
    %add3A = arith.addf %get3A_10, %get3A_15 : vector<1024x1xf32>
    %add3A_16 = arith.constant 1.000000e+00 : f32
    %add3A_17 = vector.broadcast %add3A_16 : f32 to vector<1024x1xf32>
    %add3A_18 = arith.addf %add3A, %add3A_17 : vector<1024x1xf32>
    %rsqrt3A = math.rsqrt %add3A_18 : vector<1024x1xf32>
    %mul3A = vector.broadcast %rsqrt3A : vector<1024x1xf32> to vector<1024x128xf32>
    %mul3A_19 = arith.mulf %dot_general3A_5, %mul3A : vector<1024x128xf32>
    %swap3A = arith.constant 0 : index
    %swap3A_20 = arith.constant 0 : index
    %swap3A_21 = vector.load %arg4[%swap3A, %swap3A_20] : memref<1024x128xf32, #tpu.memory_space<vmem>>, vector<1024x128xf32>
    tpu.vector_store %arg4[%swap3A, %swap3A_20], %mul3A_19 {strides = array<i32>} : memref<1024x128xf32, #tpu.memory_space<vmem>>, vector<1024x128xf32>,
    return
  }
  func.func @transform_0(%arg0: i32) -> (i32, i32) {
    %c0_i32 = arith.constant 0 : i32
    %c0_i32_0 = arith.constant 0 : i32
    return %arg0, %c0_i32 : i32, i32
  }
  func.func @transform_1(%arg0: i32) -> (i32, i32) {
    %c0_i32 = arith.constant 0 : i32
    %c0_i32_0 = arith.constant 0 : i32
    %c0_i32_1 = arith.constant 0 : i32
    return %c0_i32, %c0_i32_0 : i32, i32
  }
  func.func @transform_2(%arg0: i32) -> (i32, i32, i32) {
    %c0_i32 = arith.constant 0 : i32
    %c0_i32_0 = arith.constant 0 : i32
    %c0_i32_1 = arith.constant 0 : i32
    return %c0_i32, %arg0, %c0_i32_0 : i32, i32, i32
  }
  func.func @transform_3(%arg0: i32) -> (i32, i32) {
    %c0_i32 = arith.constant 0 : i32
    %c0_i32_0 = arith.constant 0 : i32
    return %arg0, %c0_i32 : i32, i32
  }
}

module attributes {stable_mosaic.version = 14 : i64} {
  func.func @_tc_mid_body(%arg0: i32, %arg1: memref<2x1024x128xf32, #tpu.memory_space<vmem>>, %arg2: memref<1024x128xf32, #tpu.memory_space<vmem>>, %arg3: memref<2x1024x16xf32, #tpu.memory_space<vmem>>, %arg4: memref<1x128xf32, #tpu.memory_space<vmem>>, %arg5: memref<128x128xf32, #tpu.memory_space<vmem>>, %arg6: memref<1024x128xf32, #tpu.memory_space<vmem>>) attributes {dimension_semantics = [#tpu.dimension_semantics<arbitrary>], iteration_bounds = array<i64: 10>, scalar_prefetch = 0 : i64, scratch_operands = 0 : i64, tpu.core_type = #tpu.core_type<tc>, window_params = [{transform_indices = @transform_0, window_bounds = array<i64: 2, 1024, 128>}, {transform_indices = @transform_1, window_bounds = array<i64: 1024, 128>}, {transform_indices = @transform_2, window_bounds = array<i64: 2, 1024, 16>}, {pipeline_mode = #tpu.pipeline_mode<synchronous>, transform_indices = @transform_3, window_bounds = array<i64: 1, 128>}, {pipeline_mode = #tpu.pipeline_mode<synchronous>, transform_indices = @transform_4, window_bounds = array<i64: 128, 128>}, {transform_indices = @transform_5, window_bounds = array<i64: 1024, 128>}]} {
    %get3A = arith.constant 0 : index
    %get3A_0 = arith.constant 0 : index
    %get3A_1 = arith.constant 0 : index
    %get3A_2 = vector.load %arg3[%get3A, %get3A_0, %get3A_1] : memref<2x1024x16xf32, #tpu.memory_space<vmem>>, vector<1x1024x1xf32>
    %get3A_3 = vector.shape_cast %get3A_2 : vector<1x1024x1xf32> to vector<1024x1xf32>
    %get3A_4 = arith.constant 1 : index
    %get3A_5 = arith.constant 0 : index
    %get3A_6 = arith.constant 0 : index
    %get3A_7 = vector.load %arg3[%get3A_4, %get3A_5, %get3A_6] : memref<2x1024x16xf32, #tpu.memory_space<vmem>>, vector<1x1024x1xf32>
    %get3A_8 = vector.shape_cast %get3A_7 : vector<1x1024x1xf32> to vector<1024x1xf32>
    %add3A = arith.addf %get3A_3, %get3A_8 : vector<1024x1xf32>
    %add3A_9 = arith.constant 1.000000e+00 : f32
    %add3A_10 = vector.broadcast %add3A_9 : f32 to vector<1024x1xf32>
    %add3A_11 = arith.addf %add3A, %add3A_10 : vector<1024x1xf32>
    %rsqrt3A = math.rsqrt %add3A_11 : vector<1024x1xf32>
    %get3A_12 = arith.constant 0 : index
    %get3A_13 = arith.constant 0 : index
    %get3A_14 = arith.constant 0 : index
    %get3A_15 = vector.load %arg1[%get3A_12, %get3A_13, %get3A_14] : memref<2x1024x128xf32, #tpu.memory_space<vmem>>, vector<1x1024x128xf32>
    %get3A_16 = vector.shape_cast %get3A_15 : vector<1x1024x128xf32> to vector<1024x128xf32>
    %get3A_17 = arith.constant 1 : index
    %get3A_18 = arith.constant 0 : index
    %get3A_19 = arith.constant 0 : index
    %get3A_20 = vector.load %arg1[%get3A_17, %get3A_18, %get3A_19] : memref<2x1024x128xf32, #tpu.memory_space<vmem>>, vector<1x1024x128xf32>
    %get3A_21 = vector.shape_cast %get3A_20 : vector<1x1024x128xf32> to vector<1024x128xf32>
    %add3A_22 = arith.addf %get3A_16, %get3A_21 : vector<1024x128xf32>
    %get3A_23 = arith.constant 0 : index
    %get3A_24 = arith.constant 0 : index
    %get3A_25 = vector.load %arg2[%get3A_23, %get3A_24] : memref<1024x128xf32, #tpu.memory_space<vmem>>, vector<1024x128xf32>
    %add3A_26 = arith.addf %add3A_22, %get3A_25 : vector<1024x128xf32>
    %mul3A = vector.broadcast %rsqrt3A : vector<1024x1xf32> to vector<1024x128xf32>
    %mul3A_27 = arith.mulf %mul3A, %add3A_26 : vector<1024x128xf32>
    %get3A_28 = arith.constant 0 : index
    %get3A_29 = arith.constant 0 : index
    %get3A_30 = vector.load %arg4[%get3A_28, %get3A_29] : memref<1x128xf32, #tpu.memory_space<vmem>>, vector<1x128xf32>
    %add3A_31 = vector.broadcast %get3A_30 : vector<1x128xf32> to vector<1024x128xf32>
    %add3A_32 = arith.addf %mul3A_27, %add3A_31 : vector<1024x128xf32>
    %max3A = arith.constant 0.000000e+00 : f32
    %max3A_33 = vector.broadcast %max3A : f32 to vector<1024x128xf32>
    %max3A_34 = arith.maximumf %add3A_32, %max3A_33 : vector<1024x128xf32>
    %get3A_35 = arith.constant 0 : index
    %get3A_36 = arith.constant 0 : index
    %get3A_37 = vector.load %arg5[%get3A_35, %get3A_36] : memref<128x128xf32, #tpu.memory_space<vmem>>, vector<128x128xf32>
    %dot_general3A = arith.constant dense<0.000000e+00> : vector<1024x128xf32>
    %dot_general3A_38 = tpu.matmul %max3A_34, %get3A_37, %dot_general3A {dimension_numbers = #tpu.dot_dimension_numbers<[1], [0], [0], [1], [0, 0, 1, 1], [], []>, precision = #tpu.contract_precision<fp32>, transpose_lhs_hint = false} : vector<1024x128xf32>, vector<128x128xf32>, vector<1024x128xf32> -> vector<1024x128xf32>
    %mul3A_39 = vector.broadcast %rsqrt3A : vector<1024x1xf32> to vector<1024x128xf32>
    %mul3A_40 = arith.mulf %dot_general3A_38, %mul3A_39 : vector<1024x128xf32>
    %swap3A = arith.constant 0 : index
    %swap3A_41 = arith.constant 0 : index
    %swap3A_42 = vector.load %arg6[%swap3A, %swap3A_41] : memref<1024x128xf32, #tpu.memory_space<vmem>>, vector<1024x128xf32>
    tpu.vector_store %arg6[%swap3A, %swap3A_41], %mul3A_40 {strides = array<i32>} : memref<1024x128xf32, #tpu.memory_space<vmem>>, vector<1024x128xf32>,
    return
  }
  func.func @transform_0(%arg0: i32) -> (i32, i32, i32) {
    %c0_i32 = arith.constant 0 : i32
    %c0_i32_0 = arith.constant 0 : i32
    %c0_i32_1 = arith.constant 0 : i32
    return %c0_i32, %arg0, %c0_i32_0 : i32, i32, i32
  }
  func.func @transform_1(%arg0: i32) -> (i32, i32) {
    %c0_i32 = arith.constant 0 : i32
    %c0_i32_0 = arith.constant 0 : i32
    return %arg0, %c0_i32 : i32, i32
  }
  func.func @transform_2(%arg0: i32) -> (i32, i32, i32) {
    %c0_i32 = arith.constant 0 : i32
    %c0_i32_0 = arith.constant 0 : i32
    %c0_i32_1 = arith.constant 0 : i32
    return %c0_i32, %arg0, %c0_i32_0 : i32, i32, i32
  }
  func.func @transform_3(%arg0: i32) -> (i32, i32) {
    %c0_i32 = arith.constant 0 : i32
    %c0_i32_0 = arith.constant 0 : i32
    %c0_i32_1 = arith.constant 0 : i32
    return %c0_i32, %c0_i32_0 : i32, i32
  }
  func.func @transform_4(%arg0: i32) -> (i32, i32) {
    %c0_i32 = arith.constant 0 : i32
    %c0_i32_0 = arith.constant 0 : i32
    %c0_i32_1 = arith.constant 0 : i32
    return %c0_i32, %c0_i32_0 : i32, i32
  }
  func.func @transform_5(%arg0: i32) -> (i32, i32) {
    %c0_i32 = arith.constant 0 : i32
    %c0_i32_0 = arith.constant 0 : i32
    return %arg0, %c0_i32 : i32, i32
  }
}

module attributes {stable_mosaic.version = 14 : i64} {
  func.func @_tc_final_body(%arg0: i32, %arg1: memref<2x1024x128xf32, #tpu.memory_space<vmem>>, %arg2: memref<1024x128xf32, #tpu.memory_space<vmem>>, %arg3: memref<2x1024x16xf32, #tpu.memory_space<vmem>>, %arg4: memref<1x128xf32, #tpu.memory_space<vmem>>, %arg5: memref<128x128xf32, #tpu.memory_space<vmem>>, %arg6: memref<1x128xf32, #tpu.memory_space<vmem>>, %arg7: memref<1024x128xf32, #tpu.memory_space<vmem>>) attributes {dimension_semantics = [#tpu.dimension_semantics<arbitrary>], iteration_bounds = array<i64: 10>, scalar_prefetch = 0 : i64, scratch_operands = 0 : i64, tpu.core_type = #tpu.core_type<tc>, window_params = [{transform_indices = @transform_0, window_bounds = array<i64: 2, 1024, 128>}, {transform_indices = @transform_1, window_bounds = array<i64: 1024, 128>}, {transform_indices = @transform_2, window_bounds = array<i64: 2, 1024, 16>}, {pipeline_mode = #tpu.pipeline_mode<synchronous>, transform_indices = @transform_3, window_bounds = array<i64: 1, 128>}, {pipeline_mode = #tpu.pipeline_mode<synchronous>, transform_indices = @transform_4, window_bounds = array<i64: 128, 128>}, {pipeline_mode = #tpu.pipeline_mode<synchronous>, transform_indices = @transform_5, window_bounds = array<i64: 1, 128>}, {transform_indices = @transform_6, window_bounds = array<i64: 1024, 128>}]} {
    %get3A = arith.constant 0 : index
    %get3A_0 = arith.constant 0 : index
    %get3A_1 = arith.constant 0 : index
    %get3A_2 = vector.load %arg3[%get3A, %get3A_0, %get3A_1] : memref<2x1024x16xf32, #tpu.memory_space<vmem>>, vector<1x1024x1xf32>
    %get3A_3 = vector.shape_cast %get3A_2 : vector<1x1024x1xf32> to vector<1024x1xf32>
    %get3A_4 = arith.constant 1 : index
    %get3A_5 = arith.constant 0 : index
    %get3A_6 = arith.constant 0 : index
    %get3A_7 = vector.load %arg3[%get3A_4, %get3A_5, %get3A_6] : memref<2x1024x16xf32, #tpu.memory_space<vmem>>, vector<1x1024x1xf32>
    %get3A_8 = vector.shape_cast %get3A_7 : vector<1x1024x1xf32> to vector<1024x1xf32>
    %add3A = arith.addf %get3A_3, %get3A_8 : vector<1024x1xf32>
    %add3A_9 = arith.constant 1.000000e+00 : f32
    %add3A_10 = vector.broadcast %add3A_9 : f32 to vector<1024x1xf32>
    %add3A_11 = arith.addf %add3A, %add3A_10 : vector<1024x1xf32>
    %rsqrt3A = math.rsqrt %add3A_11 : vector<1024x1xf32>
    %get3A_12 = arith.constant 0 : index
    %get3A_13 = arith.constant 0 : index
    %get3A_14 = arith.constant 0 : index
    %get3A_15 = vector.load %arg1[%get3A_12, %get3A_13, %get3A_14] : memref<2x1024x128xf32, #tpu.memory_space<vmem>>, vector<1x1024x128xf32>
    %get3A_16 = vector.shape_cast %get3A_15 : vector<1x1024x128xf32> to vector<1024x128xf32>
    %get3A_17 = arith.constant 1 : index
    %get3A_18 = arith.constant 0 : index
    %get3A_19 = arith.constant 0 : index
    %get3A_20 = vector.load %arg1[%get3A_17, %get3A_18, %get3A_19] : memref<2x1024x128xf32, #tpu.memory_space<vmem>>, vector<1x1024x128xf32>
    %get3A_21 = vector.shape_cast %get3A_20 : vector<1x1024x128xf32> to vector<1024x128xf32>
    %add3A_22 = arith.addf %get3A_16, %get3A_21 : vector<1024x128xf32>
    %get3A_23 = arith.constant 0 : index
    %get3A_24 = arith.constant 0 : index
    %get3A_25 = vector.load %arg2[%get3A_23, %get3A_24] : memref<1024x128xf32, #tpu.memory_space<vmem>>, vector<1024x128xf32>
    %add3A_26 = arith.addf %add3A_22, %get3A_25 : vector<1024x128xf32>
    %mul3A = vector.broadcast %rsqrt3A : vector<1024x1xf32> to vector<1024x128xf32>
    %mul3A_27 = arith.mulf %mul3A, %add3A_26 : vector<1024x128xf32>
    %get3A_28 = arith.constant 0 : index
    %get3A_29 = arith.constant 0 : index
    %get3A_30 = vector.load %arg4[%get3A_28, %get3A_29] : memref<1x128xf32, #tpu.memory_space<vmem>>, vector<1x128xf32>
    %add3A_31 = vector.broadcast %get3A_30 : vector<1x128xf32> to vector<1024x128xf32>
    %add3A_32 = arith.addf %mul3A_27, %add3A_31 : vector<1024x128xf32>
    %get3A_33 = arith.constant 0 : index
    %get3A_34 = arith.constant 0 : index
    %get3A_35 = vector.load %arg5[%get3A_33, %get3A_34] : memref<128x128xf32, #tpu.memory_space<vmem>>, vector<128x128xf32>
    %dot_general3A = arith.constant dense<0.000000e+00> : vector<1024x128xf32>
    %dot_general3A_36 = tpu.matmul %add3A_32, %get3A_35, %dot_general3A {dimension_numbers = #tpu.dot_dimension_numbers<[1], [0], [0], [1], [0, 0, 1, 1], [], []>, precision = #tpu.contract_precision<fp32>, transpose_lhs_hint = false} : vector<1024x128xf32>, vector<128x128xf32>, vector<1024x128xf32> -> vector<1024x128xf32>
    %get3A_37 = arith.constant 0 : index
    %get3A_38 = arith.constant 0 : index
    %get3A_39 = vector.load %arg6[%get3A_37, %get3A_38] : memref<1x128xf32, #tpu.memory_space<vmem>>, vector<1x128xf32>
    %add3A_40 = vector.broadcast %get3A_39 : vector<1x128xf32> to vector<1024x128xf32>
    %add3A_41 = arith.addf %dot_general3A_36, %add3A_40 : vector<1024x128xf32>
    %swap3A = arith.constant 0 : index
    %swap3A_42 = arith.constant 0 : index
    %swap3A_43 = vector.load %arg7[%swap3A, %swap3A_42] : memref<1024x128xf32, #tpu.memory_space<vmem>>, vector<1024x128xf32>
    tpu.vector_store %arg7[%swap3A, %swap3A_42], %add3A_41 {strides = array<i32>} : memref<1024x128xf32, #tpu.memory_space<vmem>>, vector<1024x128xf32>,
    return
  }
  func.func @transform_0(%arg0: i32) -> (i32, i32, i32) {
    %c0_i32 = arith.constant 0 : i32
    %c0_i32_0 = arith.constant 0 : i32
    %c0_i32_1 = arith.constant 0 : i32
    return %c0_i32, %arg0, %c0_i32_0 : i32, i32, i32
  }
  func.func @transform_1(%arg0: i32) -> (i32, i32) {
    %c0_i32 = arith.constant 0 : i32
    %c0_i32_0 = arith.constant 0 : i32
    return %arg0, %c0_i32 : i32, i32
  }
  func.func @transform_2(%arg0: i32) -> (i32, i32, i32) {
    %c0_i32 = arith.constant 0 : i32
    %c0_i32_0 = arith.constant 0 : i32
    %c0_i32_1 = arith.constant 0 : i32
    return %c0_i32, %arg0, %c0_i32_0 : i32, i32, i32
  }
  func.func @transform_3(%arg0: i32) -> (i32, i32) {
    %c0_i32 = arith.constant 0 : i32
    %c0_i32_0 = arith.constant 0 : i32
    %c0_i32_1 = arith.constant 0 : i32
    return %c0_i32, %c0_i32_0 : i32, i32
  }
  func.func @transform_4(%arg0: i32) -> (i32, i32) {
    %c0_i32 = arith.constant 0 : i32
    %c0_i32_0 = arith.constant 0 : i32
    %c0_i32_1 = arith.constant 0 : i32
    return %c0_i32, %c0_i32_0 : i32, i32
  }
  func.func @transform_5(%arg0: i32) -> (i32, i32) {
    %c0_i32 = arith.constant 0 : i32
    %c0_i32_0 = arith.constant 0 : i32
    %c0_i32_1 = arith.constant 0 : i32
    return %c0_i32, %c0_i32_0 : i32, i32
  }
  func.func @transform_6(%arg0: i32) -> (i32, i32) {
    %c0_i32 = arith.constant 0 : i32
    %c0_i32_0 = arith.constant 0 : i32
    return %arg0, %c0_i32 : i32, i32
  }
}

</mosaic_0001>

<sc_bundles>
// kernel: kernel.11.cloned.1.call-start
scs
__scs_entry_jumppad:
0x0: {  	(pc) =	sbr.rel $0x88, $3  }
0x1: {  	(tag) =	ssettag $0x0;
	lr =	simm.s32 $0x1  }
0x2: {  	[smem:$0x3F99] =	sst lr;
	_ =	strace $0xD0000000  }
0x3: {  	_ = 	snop  }
0x4: {  	_ = 	snop  }
0x5: {  	_ = 	snop  }
0x6: {  	_ = 	snop  }
0x7: {  	_ = 	snop  }
__scs_overlays_trampoline_lowered:
0x8: {  	[smem:$0x3FA8] =	sst s0  }
0x9: {  	[smem:$0x3FA9] =	sst s1  }
0xa: {  	[smem:$0x3FAA] =	sst s2  }
0xb: {  	[smem:$0x3FAB] =	sst s3  }
0xc: {  	[smem:$0x3FAC] =	sst s4  }
0xd: {  	[smem:$0x3FAD] =	sst s5  }
0xe: {  	[smem:$0x3FAE] =	sst s6  }
0xf: {  	[smem:$0x3FAF] =	sst s7  }
0x10: {  	[smem:$0x3FB0] =	sst s8  }
0x11: {  	[smem:$0x3FB1] =	sst s9;
	s0 =	simm.s32 @!p0 $0x0  }
0x12: {  	s1 =	sld [smem:$0x3F97];
	s0 =	simm.s32 @p0 $0x1  }
0x13: {  	[smem:$0x3FB2] =	sst s0;
	s0 =	simm.s32 @!p1 $0x0  }
0x14: {  	s2 =	sld [smem:$0x3F96];
	s0 =	simm.s32 @p1 $0x1  }
0x15: {  	[smem:$0x3FB3] =	sst s0;
	s0 =	simm.s32 @!p2 $0x0  }
0x16: {  	s3 =	sld [smem:$0x3FDB];
	s0 =	simm.s32 @p2 $0x1  }
0x17: {  	s4 =	simm.s32 $0x1BF5;
	[smem:$0x3FB5] =	sst s0  }
0x18: {  	s0 =	sld [smem:$0x3F98];
	_ =	swait.ge [sflag:s4], $0x0  }
0x19: {  	s7 =	sld [smem:$0x3F99]  }
0x1a: {  	s8 =	sadd.s32 $0xFFFFE003, lr  }
0x1b: {  	s9 =	sadd.s32 $0xFFFFFEF7, lr;
	s5 =	simm.s32 $0xFFFFFFFF;
	p2 =	slt.u32 s8, $0xFFFFF086  }
0x1c: {  	p1 =	slt.u32 s9, $0xF7A;
	s5 =	simm.s32 @!p2 $0x0  }
0x1d: {  	s5 =	simm.s32 @p1 $0x1;
	p0 =	seq.s32 s7, s2  }
0x1e: {  	s7 =	smul.u32 @!p0 $0xF7A, s2;
	p2 =	seq.s32 @!p0 s5, $0x0  }
0x1f: {  	s9 =	smul.u32 $0xF7A, s1;
	s8 =	simm.s32 @!p0 $0x1BF5;
	p2 =	por !p2, p0  }
0x20: {  	[sflag:s8] =	ssyncset.s32 @!p0 $0xFFFFF086;
	s6 =	sadd.s32 @!p0 s3, s7;
	s7 =	simm.s32 @!p0 $0x108  }
0x21: {  	s3 =	sadd.s32 s3, s9;
	s6 =	sadd.s32 @!p0 $0x88, s6;
	s7 =	simm.s32 @p2 $0x1082  }
0x22: {  	[simem:s7], [sflag:s8] =	dma.local @!p0 [hbm:s6], $0xF7A  }
0x23: {  	s9 =	sor.u32 $0xD0000000, s2;
	s6 =	simm.s32 $0x108;
	_ =	swait.ge @!p0 [sflag:s8], $0x0  }
0x24: {  	s3 =	sadd.s32 $0x88, s3;
	s6 =	simm.s32 @!p1 $0x1082;
	[sflag:s4] =	ssyncset.s32 $0xFFFFF086  }
0x25: {  	[simem:s6], [sflag:s4] =	dma.local [hbm:s3], $0xF7A  }
0x26: {  	[smem:$0x3F99] =	sst s1;
	(tag) =	ssettag s2;
	_ =	strace s9  }
0x27: {  	s1 =	sld [smem:$0x3FA9]  }
0x28: {  	s2 =	sld [smem:$0x3FAA]  }
0x29: {  	s4 =	sld [smem:$0x3FAC]  }
0x2a: {  	p0 =	seq.s32 s5, $0x0;
	s5 =	sld [smem:$0x3FAD]  }
0x2b: {  	s6 =	sld [smem:$0x3FAE]  }
0x2c: {  	s7 =	sld [smem:$0x3FAF]  }
0x2d: {  	s3 =	simm.s32 $0x108;
	s8 =	sld [smem:$0x3FB0]  }
0x2e: {  	s3 =	simm.s32 @!p0 $0x1082;
	s9 =	sld [smem:$0x3FB1]  }
0x2f: {  	lr =	sadd.s32 s0, s3;
	s0 =	sld [smem:$0x3FA8]  }
0x30: {  	s3 =	sld [smem:$0x3FAB]  }
0x31: {  	[smem:$0x3FB4] =	sst s10  }
0x32: {  	s10 =	sld [smem:$0x3FB2];
	_ =	sdelay $0x3  }
0x33: {  	p0 =	seq.s32 s10, $0x1;
	s10 =	sld [smem:$0x3FB4];
	_ =	sdelay $0x3  }
0x34: {  	[smem:$0x3FB4] =	sst s10  }
0x35: {  	s10 =	sld [smem:$0x3FB3];
	_ =	sdelay $0x3  }
0x36: {  	p1 =	seq.s32 s10, $0x1;
	s10 =	sld [smem:$0x3FB4];
	_ =	sdelay $0x3  }
0x37: {  	[smem:$0x3FB4] =	sst s10  }
0x38: {  	s10 =	sld [smem:$0x3FB5]  }
0x39: {  	_ = 	snop;
	(pc) =	sbr.ind lr, $3  }
0x3a: {  	_ = 	snop  }
0x3b: {  	_ = 	snop  }
0x3c: {  	p2 =	seq.s32 s10, $0x1;
	s10 =	sld [smem:$0x3FB4]  }
0x3d: {  	_ =	shalt  }
0x3e: {  	_ =	shalt  }
0x3f: {  	_ =	shalt  }
0x40: {  	_ =	shalt  }
0x41: {  	_ =	shalt  }
0x42: {  	_ =	shalt  }
0x43: {  	_ =	shalt  }
0x44: {  	_ =	shalt  }
0x45: {  	_ =	shalt  }
0x46: {  	_ =	shalt  }
0x47: {  	_ =	shalt  }
0x48: {  	_ =	shalt  }
0x49: {  	_ =	shalt  }
0x4a: {  	_ =	shalt  }
0x4b: {  	_ =	shalt  }
0x4c: {  	_ =	shalt  }
0x4d: {  	_ =	shalt  }
0x4e: {  	_ =	shalt  }
0x4f: {  	_ =	shalt  }
0x50: {  	_ =	shalt  }
0x51: {  	_ =	shalt  }
0x52: {  	_ =	shalt  }
0x53: {  	_ =	shalt  }
0x54: {  	_ =	shalt  }
0x55: {  	_ =	shalt  }
0x56: {  	_ =	shalt  }
0x57: {  	_ =	shalt  }
0x58: {  	_ =	shalt  }
0x59: {  	_ =	shalt  }
0x5a: {  	_ =	shalt  }
0x5b: {  	_ =	shalt  }
0x5c: {  	_ =	shalt  }
0x5d: {  	_ =	shalt  }
0x5e: {  	_ =	shalt  }
0x5f: {  	_ =	shalt  }
0x60: {  	_ =	shalt  }
0x61: {  	_ =	shalt  }
0x62: {  	_ =	shalt  }
0x63: {  	_ =	shalt  }
0x64: {  	_ =	shalt  }
0x65: {  	_ =	shalt  }
0x66: {  	_ =	shalt  }
0x67: {  	_ =	shalt  }
0x68: {  	_ =	shalt  }
0x69: {  	_ =	shalt  }
0x6a: {  	_ =	shalt  }
0x6b: {  	_ =	shalt  }
0x6c: {  	_ =	shalt  }
0x6d: {  	_ =	shalt  }
0x6e: {  	_ =	shalt  }
0x6f: {  	_ =	shalt  }
0x70: {  	_ =	shalt  }
0x71: {  	_ =	shalt  }
0x72: {  	_ =	shalt  }
0x73: {  	_ =	shalt  }
0x74: {  	_ =	shalt  }
0x75: {  	_ =	shalt  }
0x76: {  	_ =	shalt  }
0x77: {  	_ =	shalt  }
0x78: {  	_ =	shalt  }
0x79: {  	_ =	shalt  }
0x7a: {  	_ =	shalt  }
0x7b: {  	_ =	shalt  }
0x7c: {  	_ =	shalt  }
0x7d: {  	_ =	shalt  }
0x7e: {  	_ =	shalt  }
0x7f: {  	_ =	shalt  }
0x80: {  	_ =	shalt  }
0x81: {  	_ =	shalt  }
0x82: {  	_ =	shalt  }
0x83: {  	_ =	shalt  }
0x84: {  	_ =	shalt  }
0x85: {  	_ =	shalt  }
0x86: {  	_ =	shalt  }
0x87: {  	_ =	shalt  }
.Lfunc_end0:
.L_simem_size_0:
called_computation.1_lowered:
.L_overlay_start_0:
0x88: {  	s2 =	sld [smem:$0x3FD9]  }
0x89: {  	s3 =	sld [smem:$0x3FFE];
	_ =	sdelay $0x1  }
0x8a: {  	s1 =	srdreg.scid  }
0x8b: {  	s0 =	sand.u32 $0x1, s1  }
0x8c: {  	s17 =	sshll.u32 s0, $0xA;
	s2 =	sadd.s32 s3, s2  }
0x8d: {  	s2 =	sadd.s32 s2, s17  }
0x8e: {  	[smem:$0x3FC0] =	sst s2  }
0x8f: {  	_ = 	snop  }
0x90: {  	s2 =	sld [smem:$0x3FD0];
	(tm) =	ssettm $0x1  }
0x91: {  	s18 =	sld [smem:$0x3FFB];
	_ =	sdelay $0x3  }
0x92: {  	_ =	strace s18  }
0x93: {  	s3 =	sld [smem:$0x3FFC];
	_ =	sdelay $0x3  }
0x94: {  	_ =	strace s3  }
0x95: {  	s3 =	sld [smem:$0x3FFD];
	_ =	sdelay $0x3  }
0x96: {  	_ =	strace s3  }
0x97: {  	_ =	strace $0x8FFFFFFF  }
0x98: {  	s19 =	sld [smem:$0x3FDB];
	_ =	sdelay $0x1  }
0x99: {  	s4 =	simm.s32 $_scs_section_size  }
0x9a: {  	s5 =	simm.s32 $_size__tile_overlayer_lowered;
	s6 =	simm.s32 $_tile_overlayer_lowered  }
0x9b: {  	s22 =	simm.s32 $0x1BFF;
	s21 =	sshll.u32 s6, $0x1;
	s3 =	sadd.s32 s4, s19  }
0x9c: {  	s7 =	simm.s32 $0x0;
	s20 =	sshll.u32 s5, $0x1;
	s5 =	sadd.s32 s21, s3  }
0x9d: {  	[timem:s7], [sflag:s22] =	dma.local [hbm:s5], s20  }
0x9e: {  	_ =	swait.ge [sflag:s22], s20  }
0x9f: {  	s4 =	ssub.s32 $0x0, s20;
	[sflag:s22] =	ssyncset.done $0x0  }
0xa0: {  	[sflag:s22] =	ssyncadd.s32 s4;
	_ =	sdelay $0x1  }
0xa1: {  	s23 =	simm.s32 $0x1B8B  }
0xa2: {  	_ =	swait.ge [sflag:s23], $0x1  }
0xa3: {  	[sflag:s23] =	ssyncset.done $0x0  }
0xa4: {  	s25 =	simm.s32 $0x1B8E;
	s24 =	sld [smem:$0x3FFE];
	[sflag:s23] =	ssyncadd.s32 $0xFFFFFFFF  }
0xa5: {  	s26 =	simm.s32 $execute0_lowered;
	[smem:$0x3FD2] =	sst s25  }
0xa6: {  	s5 =	sshll.u32 s26, $0x1;
	_ =	strace $0x80000049;
	[dreg:$0x1] =	wrdreg $0xFFFFFFFF  }
0xa7: {  	s28 =	simm.s32 $_size_execute0_lowered;
	s3 =	sadd.s32 s3, s5;
	[dreg:$0x0] =	wrdreg $0x0  }
0xa8: {  	s5 =	sshll.u32 s28, $0x1;
	[dreg:$0x2] =	wrdreg s3  }
0xa9: {  	[dreg:$0x3] =	wrdreg s5  }
0xaa: {  	[dreg:$0x4] =	wrdreg $0xC0  }
0xab: {  	_ =	task [dreg:s7], $0x5FFFF  }
0xac: {  	[dreg:$0x1] =	wrdreg $0xFFFFFFFF  }
0xad: {  	[dreg:$0x0] =	wrdreg $0x60  }
0xae: {  	[dreg:$0x2] =	wrdreg s24  }
0xaf: {  	[dreg:$0x3] =	wrdreg s2  }
0xb0: {  	[dreg:$0x4] =	wrdreg $0x90000  }
0xb1: {  	[dreg:$0x5] =	wrdreg $0x9  }
0xb2: {  	_ =	task.clear_ibuf [dreg:s7], $0x6FFFF;
	_ =	strace $0x90000049  }
0xb3: {  	s29 =	simm.s32 $0x9;
	_ =	strace $0x8000004B  }
0xb4: {  	_ =	swait.ge [sflag:s29], $0x1  }
0xb5: {  	[sflag:s29] =	ssyncadd.s32 $0xFFFFFFFF  }
0xb6: {  	_ =	strace $0x9000004B  }
0xb7: {  	_ =	sfence  }
0xb8: {  	s30 =	sld [smem:$0x0];
	_ =	sdelay $0x2  }
0xb9: {  	s31 =	sshll.u32 s1, $0xD;
	s1 =	sshrl.u32 s1, $0x2  }
0xba: {  	s3 =	sand.u32 $0x4000, s31;
	s1 =	sadd.s32 s1, s30  }
0xbb: {  	s0 =	sor.u32 s3, s0;
	s1 =	sshll.u32 s1, $0x11  }
0xbc: {  	s0 =	sor.u32 s1, s0  }
0xbd: {  	s0 =	sadd.s32 $0x8F2B, s0  }
0xbe: {  	[sflag:s0] =	ssyncadd.remote.s32 $0x1  }
0xbf: {  	_ =	sfence.sel $0xFFFF  }
0xc0: {  	[dreg:$0x0] =	wrdreg $0xFFFFFFFF;
	(pc) =	sbr.abs _section_cstart, $3  }
0xc1: {  	[dreg:$0x1] =	wrdreg $0xFFFFFFFF  }
0xc2: {  	_ =	task.clear_ibuf [dreg:s7], $0x2FFFF;
	_ =	strace $0x9FFFFFFF  }
0xc3: {  	(tm) =	ssettm $0x7FFFFFFF  }
tec
execute0_lowered:
.L_overlay_start_1:
0x0: {  	(tag) =	ssettag $0x1  }
0x1: {  	s5 =	rddreg [dreg:$0x0]  }
0x2: {  	s10 =	rddreg [dreg:$0x1];
	s1 =	srdreg.scid  }
0x3: {  	s0 =	stileid.u32;
	s2 =	rddreg [dreg:$0x2]  }
0x4: {  	s3 =	simm.s32 $0x0;
	s21 =	simm.s32 $0x80;
	s22 =	simm.s32 $0x1  }
0x5: {  	s23 =	simm.s32 $0x0;
	s7 =	sand.u32 $0x1, s1;
	s1 =	rddreg [dreg:$0x3]  }
0x6: {  	s4 =	sshll.u32 s0, $0x1;
	[smem:$0x7FF] =	sst s3;
	s6 =	smul.u32 $0x50000, s0  }
0x7: {  	s12 =	smul.u32 $0x14000, s0;
	s16 =	sadd.s32 $0x84E00, s5;
	s4 =	sor.u32 s7, s4  }
0x8: {  	_ =	strace $0x8000004A;
	s8 =	ssub.s32 $0x2, s7;
	s20 =	smul.u32 $0x140000, s7  }
0x9: {  	s11 =	smul.u32 $0x500, s4;
	s4 =	sadd.s32 $0x5CE00, s5;
	s25 =	sshrl.u32 s8, $0x1  }
0xa: {  	s26 =	sshrl.u32 s6, $0x2;
	s14 =	sadd.s32 $0x4000, s12;
	s15 =	sadd.s32 $0x8000, s12  }
0xb: {  	s18 =	sadd.s32 $0xC000, s12;
	s19 =	sadd.s32 $0x10000, s12;
	s17 =	ssub.s32 s8, s25  }
0xc: {  	s6 =	sadd.s32 s14, s2;
	s7 =	sadd.s32 s15, s2;
	s8 =	sadd.s32 s18, s2  }
0xd: {  	s9 =	sadd.s32 s19, s2;
	s12 =	sadd.s32 s12, s20;
	s14 =	sadd.s32 s20, s14  }
0xe: {  	s29 =	sadd.s32 s20, s15;
	s30 =	sadd.s32 s20, s18;
	s31 =	sadd.s32 s20, s19  }
0xf: {  	s19 =	simm.s32 $0x2;
	s20 =	simm.s32 $0x2800;
	s13 =	sadd.s32 s11, s5  }
0x10: {  	s5 =	sadd.s32 s26, s2;
	s10 =	sadd.s32 s10, s11;
	s12 =	sshrl.u32 s12, $0x3  }
0x11: {  	s28 =	sshrl.u32 s14, $0x3;
	s14 =	sshrl.u32 s29, $0x3;
	s15 =	sshrl.u32 s30, $0x3  }
0x12: {  	s18 =	sshrl.u32 s31, $0x3;
	s17 =	smax.u32 s17, $0x1;
	s11 =	sadd.s32 $0x2E00, s13  }
0x13: {  	s12 =	sadd.s32 s16, s12;
	s13 =	sadd.s32 s16, s28;
	s14 =	sadd.s32 s16, s14  }
0x14: {  	v0 =	vimm.f32 $0.0e+00;
	s15 =	sadd.s32 s16, s15;
	s16 =	sadd.s32 s16, s18;
	s18 =	simm.s32 $0x5000  }
.LBB2_1:
0x15: {  	s24 =	simm.s32 $0x0;
	s25 =	simm.s32 $0x200  }
.LBB2_2:
0x16: {  	p0 =	sne.s32 s25, $0xFE00;
	[tilespmem:s24+$0x5070] =	vst v0  }
0x17: {  	[tilespmem:s24+$0x5000] =	vst v0  }
0x18: {  	[tilespmem:s24+$0x5010] =	vst v0  }
.Ltmp0:
0x19: {  	[tilespmem:s24+$0x5020] =	vst v0;
	(pc) =	sbr.rel @p0 .LBB2_2-.Ltmp0, $4  }
0x1a: {  	[tilespmem:s24+$0x5030] =	vst v0  }
0x1b: {  	[tilespmem:s24+$0x5040] =	vst v0  }
0x1c: {  	[tilespmem:s24+$0x5050] =	vst v0  }
0x1d: {  	[tilespmem:s24+$0x5060] =	vst v0;
	s24 =	sshra.s32 s25, $0x2;
	s25 =	sadd.s32 $0x200, s25  }
0x1e: {  	[tilespmem:s24+$0x5070] =	vst v0  }
0x1f: {  	[tilespmem:s24+$0x5000] =	vst v0  }
0x20: {  	[tilespmem:s24+$0x5010] =	vst v0  }
0x21: {  	[tilespmem:s24+$0x5020] =	vst v0  }
0x22: {  	[tilespmem:s24+$0x5030] =	vst v0  }
0x23: {  	[tilespmem:s24+$0x5040] =	vst v0  }
0x24: {  	[tilespmem:s24+$0x5050] =	vst v0  }
0x25: {  	[tilespmem:s24+$0x5060] =	vst v0  }
0x26: {  	[spmem:s5] =	stream.linear.scatter [tilespmem:s18], [sflag:$0x2], $0x4000, $0x38;
	[tilespmem:$0x1D000] =	vst v63  }
0x27: {  	_ =	swait.ge [sflag:s19], $0x4000  }
0x28: {  	[sflag:s19] =	ssyncset.done $0x0  }
0x29: {  	[sflag:s19] =	ssyncadd.s32 $0xFFFFC000  }
0x2a: {  	[spmem:s6] =	stream.linear.scatter [tilespmem:s18], [sflag:$0x2], $0x4000, $0x38;
	[tilespmem:$0x1D000] =	vst v63  }
0x2b: {  	_ =	swait.ge [sflag:s19], $0x4000  }
0x2c: {  	[sflag:s19] =	ssyncset.done $0x0  }
0x2d: {  	[sflag:s19] =	ssyncadd.s32 $0xFFFFC000  }
0x2e: {  	[spmem:s7] =	stream.linear.scatter [tilespmem:s18], [sflag:$0x2], $0x4000, $0x38;
	[tilespmem:$0x1D000] =	vst v63  }
0x2f: {  	_ =	swait.ge [sflag:s19], $0x4000  }
0x30: {  	[sflag:s19] =	ssyncset.done $0x0  }
0x31: {  	[sflag:s19] =	ssyncadd.s32 $0xFFFFC000  }
0x32: {  	[spmem:s8] =	stream.linear.scatter [tilespmem:s18], [sflag:$0x2], $0x4000, $0x38;
	[tilespmem:$0x1D000] =	vst v63  }
0x33: {  	_ =	swait.ge [sflag:s19], $0x4000  }
0x34: {  	[sflag:s19] =	ssyncset.done $0x0  }
0x35: {  	[sflag:s19] =	ssyncadd.s32 $0xFFFFC000  }
0x36: {  	[spmem:s9] =	stream.linear.scatter [tilespmem:s18], [sflag:$0x2], $0x4000, $0x38;
	[tilespmem:$0x1D000] =	vst v63  }
0x37: {  	_ =	swait.ge [sflag:s19], $0x4000  }
0x38: {  	[sflag:s19] =	ssyncset.done $0x0  }
0x39: {  	s29 =	simm.s32 $0x0;
	[sflag:s19] =	ssyncadd.s32 $0xFFFFC000  }
0x3a: {  	[tilespmem:s29], [sflag:$0x2] =	stream.linear.gather [hbm4b:s10+s29], $0x2800, $0x38;
	[tilespmem:$0x1D000] =	vst v63  }
0x3b: {  	_ =	swait.ge [sflag:s19], $0x2800  }
0x3c: {  	[sflag:s19] =	ssyncset.done $0x0  }
0x3d: {  	[sflag:s19] =	ssyncadd.s32 $0xFFFFD800  }
0x3e: {  	[tilespmem:s20], [sflag:$0x2] =	stream.linear.gather [hbm4b:s11+s29], $0x2800, $0x38;
	[tilespmem:$0x1D000] =	vst v63  }
0x3f: {  	_ =	swait.ge [sflag:s19], $0x2800  }
0x40: {  	[sflag:s19] =	ssyncset.done $0x0  }
0x41: {  	[sflag:s19] =	ssyncadd.s32 $0xFFFFD800  }
0x42: {  	s30 =	simm.s32 $0x0;
	[bflag:$0x0] =	sbarrier.arrive $0xFFFF  }
0x43: {  	[tilespmem:s18], [sflag:$0x1] =	stream.indirect.gather [hbm4b:s4+s21], $0x80, s30, s21, $0xb8;
	[tilespmem:$0x1D000] =	vst v63  }
0x44: {  	_ =	swait.ge [sflag:s22], $0x4000  }
0x45: {  	[sflag:s22] =	ssyncset.done $0x0  }
0x46: {  	s31 =	simm.s32 $0x2800;
	[sflag:s22] =	ssyncadd.s32 $0xFFFFC000  }
0x47: {  	[spmem:s2] =	stream.indirect.scatter.add.f32 [tilespmem:s18], [sflag:$0x2], $0x80, s31, s21, $0xb8;
	[tilespmem:$0x1D000] =	vst v63  }
0x48: {  	_ =	swait.ge [sflag:s19], $0x4000  }
0x49: {  	s24 =	simm.s32 $0x200;
	s25 =	simm.s32 $0x400;
	[sflag:s19] =	ssyncset.done $0x0  }
.LBB2_4:
0x4a: {  	s26 =	sshra.s32 s24, $0x2  }
0x4b: {  	[sflag:s19] =	ssyncadd.s32 $0xFFFFC000;
	s24 =	smov.u32 s25;
	s28 =	sadd.s32 $0x200, s25  }
0x4c: {  	[tilespmem:s18], [sflag:$0x1] =	stream.indirect.gather [hbm4b:s4+s21], $0x80, s26, s21, $0xb8;
	[tilespmem:$0x1D000] =	vst v63  }
0x4d: {  	p0 =	sne.s32 s25, $0x9E00;
	_ =	swait.ge [sflag:s22], $0x4000  }
.Ltmp1:
0x4e: {  	[sflag:s22] =	ssyncset.done $0x0;
	(pc) =	sbr.rel @p0 .LBB2_4-.Ltmp1, $4  }
0x4f: {  	s25 =	sadd.s32 $0x2800, s26;
	[sflag:s22] =	ssyncadd.s32 $0xFFFFC000  }
0x50: {  	[spmem:s2] =	stream.indirect.scatter.add.f32 [tilespmem:s18], [sflag:$0x2], $0x80, s25, s21, $0xb8;
	[tilespmem:$0x1D000] =	vst v63  }
0x51: {  	_ =	swait.ge [sflag:s19], $0x4000  }
0x52: {  	s25 =	smov.u32 s28;
	[sflag:s19] =	ssyncset.done $0x0  }
0x53: {  	s24 =	sshra.s32 s24, $0x2;
	[sflag:s19] =	ssyncadd.s32 $0xFFFFC000  }
0x54: {  	[tilespmem:s18], [sflag:$0x1] =	stream.indirect.gather [hbm4b:s4+s21], $0x80, s24, s21, $0xb8;
	[tilespmem:$0x1D000] =	vst v63  }
0x55: {  	_ =	swait.ge [sflag:s22], $0x4000  }
0x56: {  	[sflag:s22] =	ssyncset.done $0x0  }
0x57: {  	s24 =	sadd.s32 $0x2800, s24;
	[sflag:s22] =	ssyncadd.s32 $0xFFFFC000  }
0x58: {  	[spmem:s2] =	stream.indirect.scatter.add.f32 [tilespmem:s18], [sflag:$0x2], $0x80, s24, s21, $0xb8;
	[tilespmem:$0x1D000] =	vst v63  }
0x59: {  	_ =	swait.ge [sflag:s19], $0x4000  }
0x5a: {  	[sflag:s19] =	ssyncset.done $0x0  }
0x5b: {  	[sflag:s19] =	ssyncadd.s32 $0xFFFFC000  }
0x5c: {  	[bflag:$0x0] =	sbarrier.arrive $0xFFFF  }
0x5d: {  	[tilespmem:s18], [sflag:$0x2] =	stream.linear.gather [spmem:s5], $0x4000, $0x38;
	[tilespmem:$0x1D000] =	vst v63  }
0x5e: {  	_ =	swait.ge [sflag:s19], $0x4000  }
0x5f: {  	[sflag:s19] =	ssyncset.done $0x0  }
0x60: {  	[sflag:s19] =	ssyncadd.s32 $0xFFFFC000  }
0x61: {  	[hbm4b:s12+s3] =	stream.linear.scatter [tilespmem:s18], [sflag:$0x2], $0x4000, $0x38;
	[tilespmem:$0x1D000] =	vst v63  }
0x62: {  	_ =	swait.ge [sflag:s19], $0x4000  }
0x63: {  	[sflag:s19] =	ssyncset.done $0x0  }
0x64: {  	[sflag:s19] =	ssyncadd.s32 $0xFFFFC000  }
0x65: {  	[tilespmem:s18], [sflag:$0x2] =	stream.linear.gather [spmem:s6], $0x4000, $0x38;
	[tilespmem:$0x1D000] =	vst v63  }
0x66: {  	_ =	swait.ge [sflag:s19], $0x4000  }
0x67: {  	[sflag:s19] =	ssyncset.done $0x0  }
0x68: {  	[sflag:s19] =	ssyncadd.s32 $0xFFFFC000  }
0x69: {  	[hbm4b:s13+s3] =	stream.linear.scatter [tilespmem:s18], [sflag:$0x2], $0x4000, $0x38;
	[tilespmem:$0x1D000] =	vst v63  }
0x6a: {  	_ =	swait.ge [sflag:s19], $0x4000  }
0x6b: {  	[sflag:s19] =	ssyncset.done $0x0  }
0x6c: {  	[sflag:s19] =	ssyncadd.s32 $0xFFFFC000  }
0x6d: {  	[tilespmem:s18], [sflag:$0x2] =	stream.linear.gather [spmem:s7], $0x4000, $0x38;
	[tilespmem:$0x1D000] =	vst v63  }
0x6e: {  	_ =	swait.ge [sflag:s19], $0x4000  }
0x6f: {  	[sflag:s19] =	ssyncset.done $0x0  }
0x70: {  	[sflag:s19] =	ssyncadd.s32 $0xFFFFC000  }
0x71: {  	[hbm4b:s14+s3] =	stream.linear.scatter [tilespmem:s18], [sflag:$0x2], $0x4000, $0x38;
	[tilespmem:$0x1D000] =	vst v63  }
0x72: {  	_ =	swait.ge [sflag:s19], $0x4000  }
0x73: {  	[sflag:s19] =	ssyncset.done $0x0  }
0x74: {  	[sflag:s19] =	ssyncadd.s32 $0xFFFFC000  }
0x75: {  	[tilespmem:s18], [sflag:$0x2] =	stream.linear.gather [spmem:s8], $0x4000, $0x38;
	[tilespmem:$0x1D000] =	vst v63  }
0x76: {  	_ =	swait.ge [sflag:s19], $0x4000  }
0x77: {  	[sflag:s19] =	ssyncset.done $0x0  }
0x78: {  	[sflag:s19] =	ssyncadd.s32 $0xFFFFC000  }
0x79: {  	[hbm4b:s15+s3] =	stream.linear.scatter [tilespmem:s18], [sflag:$0x2], $0x4000, $0x38;
	[tilespmem:$0x1D000] =	vst v63  }
0x7a: {  	_ =	swait.ge [sflag:s19], $0x4000  }
0x7b: {  	[sflag:s19] =	ssyncset.done $0x0  }
0x7c: {  	[sflag:s19] =	ssyncadd.s32 $0xFFFFC000  }
0x7d: {  	[tilespmem:s18], [sflag:$0x2] =	stream.linear.gather [spmem:s9], $0x4000, $0x38;
	[tilespmem:$0x1D000] =	vst v63  }
0x7e: {  	s23 =	sadd.s32 $0x1, s23;
	_ =	swait.ge [sflag:s19], $0x4000  }
0x7f: {  	p0 =	sne.s32 s23, s17;
	[sflag:s19] =	ssyncset.done $0x0  }
.Ltmp2:
0x80: {  	[sflag:s19] =	ssyncadd.s32 $0xFFFFC000;
	(pc) =	sbr.rel @p0 .LBB2_1-.Ltmp2, $4  }
0x81: {  	[hbm4b:s16+s3] =	stream.linear.scatter [tilespmem:s18], [sflag:$0x2], $0x4000, $0x38;
	[tilespmem:$0x1D000] =	vst v63  }
0x82: {  	_ =	swait.ge [sflag:s19], $0x4000  }
0x83: {  	[sflag:s19] =	ssyncset.done $0x0  }
0x84: {  	[sflag:s19] =	ssyncadd.s32 $0xFFFFC000  }
0x85: {  	_ =	sfence.sel $0x180000  }
0x86: {  	[bflag:$0x0] =	sbarrier.arrive $0xFFFF  }
0x87: {  	p0 =	sne.s32 s0, $0x0;
	_ =	strace $0x9000004A  }
0x88: {  	s0 =	sadd.s32 @!p0 $0x100000, s1;
	[bflag:$0x2] =	sbarrier.arrive $0xFFFF  }
0x89: {  	[sflag:s0] =	ssyncadd.tile.s32 @!p0 $0x1;
	_ =	shalt  }
.Lfunc_end2:
_tile_overlayer_lowered:
.L_overlay_start_2:
0x8a: {  	(tag) =	ssettag $0x2  }
0x8b: {  	s0 =	rddreg [dreg:$0x0];
	s2 =	stileid.u32  }
0x8c: {  	s1 =	rddreg [dreg:$0x1];
	p0 =	sne.s32 s2, $0x0  }
0x8d: {  	s3 =	rddreg [dreg:$0x2];
	[bflag:$0x3] =	sbarrier.arrive $0xFFFF;
	s2 =	simm.s32 @!p0 $0x1C02  }
0x8e: {  	[timem:s3], [sflag:s2] =	dma.local @!p0 [hbm:s0], s1  }
0x8f: {  	s0 =	simm.s32 @!p0 $0x2  }
0x90: {  	_ =	swait.ge @!p0 [sflag:s0], s1  }
0x91: {  	s1 =	ssub.s32 @!p0 $0x0, s1;
	[sflag:s0] =	ssyncset.done @!p0 $0x0  }
0x92: {  	[sflag:s0] =	ssyncadd.s32 @!p0 s1  }
0x93: {  	[bflag:$0x3] =	sbarrier.arrive $0xFFFF  }
0x94: {  	_ =	shalt  }

// kernel: kernel.14.cloned.1.call-start
scs
__scs_entry_jumppad:
0x0: {  	(pc) =	sbr.rel $0x88, $3  }
0x1: {  	(tag) =	ssettag $0x0;
	lr =	simm.s32 $0x1  }
0x2: {  	[smem:$0x3F99] =	sst lr;
	_ =	strace $0xD0000000  }
0x3: {  	_ = 	snop  }
0x4: {  	_ = 	snop  }
0x5: {  	_ = 	snop  }
0x6: {  	_ = 	snop  }
0x7: {  	_ = 	snop  }
__scs_overlays_trampoline_lowered:
0x8: {  	[smem:$0x3FA8] =	sst s0  }
0x9: {  	[smem:$0x3FA9] =	sst s1  }
0xa: {  	[smem:$0x3FAA] =	sst s2  }
0xb: {  	[smem:$0x3FAB] =	sst s3  }
0xc: {  	[smem:$0x3FAC] =	sst s4  }
0xd: {  	[smem:$0x3FAD] =	sst s5  }
0xe: {  	[smem:$0x3FAE] =	sst s6  }
0xf: {  	[smem:$0x3FAF] =	sst s7  }
0x10: {  	[smem:$0x3FB0] =	sst s8  }
0x11: {  	[smem:$0x3FB1] =	sst s9;
	s0 =	simm.s32 @!p0 $0x0  }
0x12: {  	s1 =	sld [smem:$0x3F97];
	s0 =	simm.s32 @p0 $0x1  }
0x13: {  	[smem:$0x3FB2] =	sst s0;
	s0 =	simm.s32 @!p1 $0x0  }
0x14: {  	s2 =	sld [smem:$0x3F96];
	s0 =	simm.s32 @p1 $0x1  }
0x15: {  	[smem:$0x3FB3] =	sst s0;
	s0 =	simm.s32 @!p2 $0x0  }
0x16: {  	s3 =	sld [smem:$0x3FDB];
	s0 =	simm.s32 @p2 $0x1  }
0x17: {  	s4 =	simm.s32 $0x1BF5;
	[smem:$0x3FB5] =	sst s0  }
0x18: {  	s0 =	sld [smem:$0x3F98];
	_ =	swait.ge [sflag:s4], $0x0  }
0x19: {  	s7 =	sld [smem:$0x3F99]  }
0x1a: {  	s8 =	sadd.s32 $0xFFFFE003, lr  }
0x1b: {  	s9 =	sadd.s32 $0xFFFFFEF7, lr;
	s5 =	simm.s32 $0xFFFFFFFF;
	p2 =	slt.u32 s8, $0xFFFFF086  }
0x1c: {  	p1 =	slt.u32 s9, $0xF7A;
	s5 =	simm.s32 @!p2 $0x0  }
0x1d: {  	s5 =	simm.s32 @p1 $0x1;
	p0 =	seq.s32 s7, s2  }
0x1e: {  	s7 =	smul.u32 @!p0 $0xF7A, s2;
	p2 =	seq.s32 @!p0 s5, $0x0  }
0x1f: {  	s9 =	smul.u32 $0xF7A, s1;
	s8 =	simm.s32 @!p0 $0x1BF5;
	p2 =	por !p2, p0  }
0x20: {  	[sflag:s8] =	ssyncset.s32 @!p0 $0xFFFFF086;
	s6 =	sadd.s32 @!p0 s3, s7;
	s7 =	simm.s32 @!p0 $0x108  }
0x21: {  	s3 =	sadd.s32 s3, s9;
	s6 =	sadd.s32 @!p0 $0x88, s6;
	s7 =	simm.s32 @p2 $0x1082  }
0x22: {  	[simem:s7], [sflag:s8] =	dma.local @!p0 [hbm:s6], $0xF7A  }
0x23: {  	s9 =	sor.u32 $0xD0000000, s2;
	s6 =	simm.s32 $0x108;
	_ =	swait.ge @!p0 [sflag:s8], $0x0  }
0x24: {  	s3 =	sadd.s32 $0x88, s3;
	s6 =	simm.s32 @!p1 $0x1082;
	[sflag:s4] =	ssyncset.s32 $0xFFFFF086  }
0x25: {  	[simem:s6], [sflag:s4] =	dma.local [hbm:s3], $0xF7A  }
0x26: {  	[smem:$0x3F99] =	sst s1;
	(tag) =	ssettag s2;
	_ =	strace s9  }
0x27: {  	s1 =	sld [smem:$0x3FA9]  }
0x28: {  	s2 =	sld [smem:$0x3FAA]  }
0x29: {  	s4 =	sld [smem:$0x3FAC]  }
0x2a: {  	p0 =	seq.s32 s5, $0x0;
	s5 =	sld [smem:$0x3FAD]  }
0x2b: {  	s6 =	sld [smem:$0x3FAE]  }
0x2c: {  	s7 =	sld [smem:$0x3FAF]  }
0x2d: {  	s3 =	simm.s32 $0x108;
	s8 =	sld [smem:$0x3FB0]  }
0x2e: {  	s3 =	simm.s32 @!p0 $0x1082;
	s9 =	sld [smem:$0x3FB1]  }
0x2f: {  	lr =	sadd.s32 s0, s3;
	s0 =	sld [smem:$0x3FA8]  }
0x30: {  	s3 =	sld [smem:$0x3FAB]  }
0x31: {  	[smem:$0x3FB4] =	sst s10  }
0x32: {  	s10 =	sld [smem:$0x3FB2];
	_ =	sdelay $0x3  }
0x33: {  	p0 =	seq.s32 s10, $0x1;
	s10 =	sld [smem:$0x3FB4];
	_ =	sdelay $0x3  }
0x34: {  	[smem:$0x3FB4] =	sst s10  }
0x35: {  	s10 =	sld [smem:$0x3FB3];
	_ =	sdelay $0x3  }
0x36: {  	p1 =	seq.s32 s10, $0x1;
	s10 =	sld [smem:$0x3FB4];
	_ =	sdelay $0x3  }
0x37: {  	[smem:$0x3FB4] =	sst s10  }
0x38: {  	s10 =	sld [smem:$0x3FB5]  }
0x39: {  	_ = 	snop;
	(pc) =	sbr.ind lr, $3  }
0x3a: {  	_ = 	snop  }
0x3b: {  	_ = 	snop  }
0x3c: {  	p2 =	seq.s32 s10, $0x1;
	s10 =	sld [smem:$0x3FB4]  }
0x3d: {  	_ =	shalt  }
0x3e: {  	_ =	shalt  }
0x3f: {  	_ =	shalt  }
0x40: {  	_ =	shalt  }
0x41: {  	_ =	shalt  }
0x42: {  	_ =	shalt  }
0x43: {  	_ =	shalt  }
0x44: {  	_ =	shalt  }
0x45: {  	_ =	shalt  }
0x46: {  	_ =	shalt  }
0x47: {  	_ =	shalt  }
0x48: {  	_ =	shalt  }
0x49: {  	_ =	shalt  }
0x4a: {  	_ =	shalt  }
0x4b: {  	_ =	shalt  }
0x4c: {  	_ =	shalt  }
0x4d: {  	_ =	shalt  }
0x4e: {  	_ =	shalt  }
0x4f: {  	_ =	shalt  }
0x50: {  	_ =	shalt  }
0x51: {  	_ =	shalt  }
0x52: {  	_ =	shalt  }
0x53: {  	_ =	shalt  }
0x54: {  	_ =	shalt  }
0x55: {  	_ =	shalt  }
0x56: {  	_ =	shalt  }
0x57: {  	_ =	shalt  }
0x58: {  	_ =	shalt  }
0x59: {  	_ =	shalt  }
0x5a: {  	_ =	shalt  }
0x5b: {  	_ =	shalt  }
0x5c: {  	_ =	shalt  }
0x5d: {  	_ =	shalt  }
0x5e: {  	_ =	shalt  }
0x5f: {  	_ =	shalt  }
0x60: {  	_ =	shalt  }
0x61: {  	_ =	shalt  }
0x62: {  	_ =	shalt  }
0x63: {  	_ =	shalt  }
0x64: {  	_ =	shalt  }
0x65: {  	_ =	shalt  }
0x66: {  	_ =	shalt  }
0x67: {  	_ =	shalt  }
0x68: {  	_ =	shalt  }
0x69: {  	_ =	shalt  }
0x6a: {  	_ =	shalt  }
0x6b: {  	_ =	shalt  }
0x6c: {  	_ =	shalt  }
0x6d: {  	_ =	shalt  }
0x6e: {  	_ =	shalt  }
0x6f: {  	_ =	shalt  }
0x70: {  	_ =	shalt  }
0x71: {  	_ =	shalt  }
0x72: {  	_ =	shalt  }
0x73: {  	_ =	shalt  }
0x74: {  	_ =	shalt  }
0x75: {  	_ =	shalt  }
0x76: {  	_ =	shalt  }
0x77: {  	_ =	shalt  }
0x78: {  	_ =	shalt  }
0x79: {  	_ =	shalt  }
0x7a: {  	_ =	shalt  }
0x7b: {  	_ =	shalt  }
0x7c: {  	_ =	shalt  }
0x7d: {  	_ =	shalt  }
0x7e: {  	_ =	shalt  }
0x7f: {  	_ =	shalt  }
0x80: {  	_ =	shalt  }
0x81: {  	_ =	shalt  }
0x82: {  	_ =	shalt  }
0x83: {  	_ =	shalt  }
0x84: {  	_ =	shalt  }
0x85: {  	_ =	shalt  }
0x86: {  	_ =	shalt  }
0x87: {  	_ =	shalt  }
.Lfunc_end0:
.L_simem_size_0:
called_computation.2_lowered:
.L_overlay_start_0:
0x88: {  	s2 =	sld [smem:$0x3FD9]  }
0x89: {  	s3 =	sld [smem:$0x3FFE];
	_ =	sdelay $0x1  }
0x8a: {  	s1 =	srdreg.scid  }
0x8b: {  	s0 =	sand.u32 $0x1, s1  }
0x8c: {  	s17 =	sshll.u32 s0, $0xA;
	s2 =	sadd.s32 s3, s2  }
0x8d: {  	s2 =	sadd.s32 s2, s17  }
0x8e: {  	[smem:$0x3FC0] =	sst s2  }
0x8f: {  	_ = 	snop  }
0x90: {  	s2 =	sld [smem:$0x3FD0];
	(tm) =	ssettm $0x1  }
0x91: {  	s18 =	sld [smem:$0x3FFB];
	_ =	sdelay $0x3  }
0x92: {  	_ =	strace s18  }
0x93: {  	s3 =	sld [smem:$0x3FFC];
	_ =	sdelay $0x3  }
0x94: {  	_ =	strace s3  }
0x95: {  	s3 =	sld [smem:$0x3FFD];
	_ =	sdelay $0x3  }
0x96: {  	_ =	strace s3  }
0x97: {  	_ =	strace $0x8FFFFFFF  }
0x98: {  	s19 =	sld [smem:$0x3FDB];
	_ =	sdelay $0x1  }
0x99: {  	s4 =	simm.s32 $_scs_section_size  }
0x9a: {  	s5 =	simm.s32 $_size__tile_overlayer_lowered;
	s6 =	simm.s32 $_tile_overlayer_lowered  }
0x9b: {  	s22 =	simm.s32 $0x1BFF;
	s21 =	sshll.u32 s6, $0x1;
	s3 =	sadd.s32 s4, s19  }
0x9c: {  	s7 =	simm.s32 $0x0;
	s20 =	sshll.u32 s5, $0x1;
	s5 =	sadd.s32 s21, s3  }
0x9d: {  	[timem:s7], [sflag:s22] =	dma.local [hbm:s5], s20  }
0x9e: {  	_ =	swait.ge [sflag:s22], s20  }
0x9f: {  	s4 =	ssub.s32 $0x0, s20;
	[sflag:s22] =	ssyncset.done $0x0  }
0xa0: {  	[sflag:s22] =	ssyncadd.s32 s4;
	_ =	sdelay $0x1  }
0xa1: {  	s23 =	simm.s32 $0x1B8B  }
0xa2: {  	_ =	swait.ge [sflag:s23], $0x1  }
0xa3: {  	[sflag:s23] =	ssyncset.done $0x0  }
0xa4: {  	s25 =	simm.s32 $0x1B8E;
	s24 =	sld [smem:$0x3FFE];
	[sflag:s23] =	ssyncadd.s32 $0xFFFFFFFF  }
0xa5: {  	s26 =	simm.s32 $execute0_lowered;
	[smem:$0x3FD2] =	sst s25  }
0xa6: {  	s5 =	sshll.u32 s26, $0x1;
	_ =	strace $0x8000004C;
	[dreg:$0x1] =	wrdreg $0xFFFFFFFF  }
0xa7: {  	s28 =	simm.s32 $_size_execute0_lowered;
	s3 =	sadd.s32 s3, s5;
	[dreg:$0x0] =	wrdreg $0x0  }
0xa8: {  	s5 =	sshll.u32 s28, $0x1;
	[dreg:$0x2] =	wrdreg s3  }
0xa9: {  	[dreg:$0x3] =	wrdreg s5  }
0xaa: {  	[dreg:$0x4] =	wrdreg $0xC0  }
0xab: {  	_ =	task [dreg:s7], $0x5FFFF  }
0xac: {  	[dreg:$0x1] =	wrdreg $0xFFFFFFFF  }
0xad: {  	[dreg:$0x0] =	wrdreg $0x60  }
0xae: {  	[dreg:$0x2] =	wrdreg s24  }
0xaf: {  	[dreg:$0x3] =	wrdreg s2  }
0xb0: {  	[dreg:$0x4] =	wrdreg $0x90000  }
0xb1: {  	[dreg:$0x5] =	wrdreg $0x9  }
0xb2: {  	_ =	task.clear_ibuf [dreg:s7], $0x6FFFF;
	_ =	strace $0x9000004C  }
0xb3: {  	s29 =	simm.s32 $0x9;
	_ =	strace $0x8000004E  }
0xb4: {  	_ =	swait.ge [sflag:s29], $0x1  }
0xb5: {  	[sflag:s29] =	ssyncadd.s32 $0xFFFFFFFF  }
0xb6: {  	_ =	strace $0x9000004E  }
0xb7: {  	_ =	sfence  }
0xb8: {  	s30 =	sld [smem:$0x0];
	_ =	sdelay $0x2  }
0xb9: {  	s31 =	sshll.u32 s1, $0xD;
	s1 =	sshrl.u32 s1, $0x2  }
0xba: {  	s3 =	sand.u32 $0x4000, s31;
	s1 =	sadd.s32 s1, s30  }
0xbb: {  	s0 =	sor.u32 s3, s0;
	s1 =	sshll.u32 s1, $0x11  }
0xbc: {  	s0 =	sor.u32 s1, s0  }
0xbd: {  	s0 =	sadd.s32 $0x8F2B, s0  }
0xbe: {  	[sflag:s0] =	ssyncadd.remote.s32 $0x1  }
0xbf: {  	_ =	sfence.sel $0xFFFF  }
0xc0: {  	[dreg:$0x0] =	wrdreg $0xFFFFFFFF;
	(pc) =	sbr.abs _section_cstart, $3  }
0xc1: {  	[dreg:$0x1] =	wrdreg $0xFFFFFFFF  }
0xc2: {  	_ =	task.clear_ibuf [dreg:s7], $0x2FFFF;
	_ =	strace $0x9FFFFFFF  }
0xc3: {  	(tm) =	ssettm $0x7FFFFFFF  }
tec
execute0_lowered:
.L_overlay_start_1:
0x0: {  	(tag) =	ssettag $0x1  }
0x1: {  	s5 =	rddreg [dreg:$0x0]  }
0x2: {  	s10 =	rddreg [dreg:$0x1];
	s1 =	srdreg.scid  }
0x3: {  	s0 =	stileid.u32;
	s2 =	rddreg [dreg:$0x2]  }
0x4: {  	s3 =	simm.s32 $0x0;
	s21 =	simm.s32 $0x80;
	s22 =	simm.s32 $0x1  }
0x5: {  	s23 =	simm.s32 $0x0;
	s7 =	sand.u32 $0x1, s1;
	s1 =	rddreg [dreg:$0x3]  }
0x6: {  	s4 =	sshll.u32 s0, $0x1;
	[smem:$0x7FF] =	sst s3;
	s6 =	smul.u32 $0x50000, s0  }
0x7: {  	s12 =	smul.u32 $0x14000, s0;
	s16 =	sadd.s32 $0x84E00, s5;
	s4 =	sor.u32 s7, s4  }
0x8: {  	_ =	strace $0x8000004D;
	s8 =	ssub.s32 $0x2, s7;
	s20 =	smul.u32 $0x140000, s7  }
0x9: {  	s11 =	smul.u32 $0x500, s4;
	s4 =	sadd.s32 $0x5CE00, s5;
	s25 =	sshrl.u32 s8, $0x1  }
0xa: {  	s26 =	sshrl.u32 s6, $0x2;
	s14 =	sadd.s32 $0x4000, s12;
	s15 =	sadd.s32 $0x8000, s12  }
0xb: {  	s18 =	sadd.s32 $0xC000, s12;
	s19 =	sadd.s32 $0x10000, s12;
	s17 =	ssub.s32 s8, s25  }
0xc: {  	s6 =	sadd.s32 s14, s2;
	s7 =	sadd.s32 s15, s2;
	s8 =	sadd.s32 s18, s2  }
0xd: {  	s9 =	sadd.s32 s19, s2;
	s12 =	sadd.s32 s12, s20;
	s14 =	sadd.s32 s20, s14  }
0xe: {  	s29 =	sadd.s32 s20, s15;
	s30 =	sadd.s32 s20, s18;
	s31 =	sadd.s32 s20, s19  }
0xf: {  	s19 =	simm.s32 $0x2;
	s20 =	simm.s32 $0x2800;
	s13 =	sadd.s32 s11, s5  }
0x10: {  	s5 =	sadd.s32 s26, s2;
	s10 =	sadd.s32 s10, s11;
	s12 =	sshrl.u32 s12, $0x3  }
0x11: {  	s28 =	sshrl.u32 s14, $0x3;
	s14 =	sshrl.u32 s29, $0x3;
	s15 =	sshrl.u32 s30, $0x3  }
0x12: {  	s18 =	sshrl.u32 s31, $0x3;
	s17 =	smax.u32 s17, $0x1;
	s11 =	sadd.s32 $0x2E00, s13  }
0x13: {  	s12 =	sadd.s32 s16, s12;
	s13 =	sadd.s32 s16, s28;
	s14 =	sadd.s32 s16, s14  }
0x14: {  	v0 =	vimm.f32 $0.0e+00;
	s15 =	sadd.s32 s16, s15;
	s16 =	sadd.s32 s16, s18;
	s18 =	simm.s32 $0x5000  }
.LBB2_1:
0x15: {  	s24 =	simm.s32 $0x0;
	s25 =	simm.s32 $0x200  }
.LBB2_2:
0x16: {  	p0 =	sne.s32 s25, $0xFE00;
	[tilespmem:s24+$0x5070] =	vst v0  }
0x17: {  	[tilespmem:s24+$0x5000] =	vst v0  }
0x18: {  	[tilespmem:s24+$0x5010] =	vst v0  }
.Ltmp0:
0x19: {  	[tilespmem:s24+$0x5020] =	vst v0;
	(pc) =	sbr.rel @p0 .LBB2_2-.Ltmp0, $4  }
0x1a: {  	[tilespmem:s24+$0x5030] =	vst v0  }
0x1b: {  	[tilespmem:s24+$0x5040] =	vst v0  }
0x1c: {  	[tilespmem:s24+$0x5050] =	vst v0  }
0x1d: {  	[tilespmem:s24+$0x5060] =	vst v0;
	s24 =	sshra.s32 s25, $0x2;
	s25 =	sadd.s32 $0x200, s25  }
0x1e: {  	[tilespmem:s24+$0x5070] =	vst v0  }
0x1f: {  	[tilespmem:s24+$0x5000] =	vst v0  }
0x20: {  	[tilespmem:s24+$0x5010] =	vst v0  }
0x21: {  	[tilespmem:s24+$0x5020] =	vst v0  }
0x22: {  	[tilespmem:s24+$0x5030] =	vst v0  }
0x23: {  	[tilespmem:s24+$0x5040] =	vst v0  }
0x24: {  	[tilespmem:s24+$0x5050] =	vst v0  }
0x25: {  	[tilespmem:s24+$0x5060] =	vst v0  }
0x26: {  	[spmem:s5] =	stream.linear.scatter [tilespmem:s18], [sflag:$0x2], $0x4000, $0x38;
	[tilespmem:$0x1D000] =	vst v63  }
0x27: {  	_ =	swait.ge [sflag:s19], $0x4000  }
0x28: {  	[sflag:s19] =	ssyncset.done $0x0  }
0x29: {  	[sflag:s19] =	ssyncadd.s32 $0xFFFFC000  }
0x2a: {  	[spmem:s6] =	stream.linear.scatter [tilespmem:s18], [sflag:$0x2], $0x4000, $0x38;
	[tilespmem:$0x1D000] =	vst v63  }
0x2b: {  	_ =	swait.ge [sflag:s19], $0x4000  }
0x2c: {  	[sflag:s19] =	ssyncset.done $0x0  }
0x2d: {  	[sflag:s19] =	ssyncadd.s32 $0xFFFFC000  }
0x2e: {  	[spmem:s7] =	stream.linear.scatter [tilespmem:s18], [sflag:$0x2], $0x4000, $0x38;
	[tilespmem:$0x1D000] =	vst v63  }
0x2f: {  	_ =	swait.ge [sflag:s19], $0x4000  }
0x30: {  	[sflag:s19] =	ssyncset.done $0x0  }
0x31: {  	[sflag:s19] =	ssyncadd.s32 $0xFFFFC000  }
0x32: {  	[spmem:s8] =	stream.linear.scatter [tilespmem:s18], [sflag:$0x2], $0x4000, $0x38;
	[tilespmem:$0x1D000] =	vst v63  }
0x33: {  	_ =	swait.ge [sflag:s19], $0x4000  }
0x34: {  	[sflag:s19] =	ssyncset.done $0x0  }
0x35: {  	[sflag:s19] =	ssyncadd.s32 $0xFFFFC000  }
0x36: {  	[spmem:s9] =	stream.linear.scatter [tilespmem:s18], [sflag:$0x2], $0x4000, $0x38;
	[tilespmem:$0x1D000] =	vst v63  }
0x37: {  	_ =	swait.ge [sflag:s19], $0x4000  }
0x38: {  	[sflag:s19] =	ssyncset.done $0x0  }
0x39: {  	s29 =	simm.s32 $0x0;
	[sflag:s19] =	ssyncadd.s32 $0xFFFFC000  }
0x3a: {  	[tilespmem:s29], [sflag:$0x2] =	stream.linear.gather [hbm4b:s10+s29], $0x2800, $0x38;
	[tilespmem:$0x1D000] =	vst v63  }
0x3b: {  	_ =	swait.ge [sflag:s19], $0x2800  }
0x3c: {  	[sflag:s19] =	ssyncset.done $0x0  }
0x3d: {  	[sflag:s19] =	ssyncadd.s32 $0xFFFFD800  }
0x3e: {  	[tilespmem:s20], [sflag:$0x2] =	stream.linear.gather [hbm4b:s11+s29], $0x2800, $0x38;
	[tilespmem:$0x1D000] =	vst v63  }
0x3f: {  	_ =	swait.ge [sflag:s19], $0x2800  }
0x40: {  	[sflag:s19] =	ssyncset.done $0x0  }
0x41: {  	[sflag:s19] =	ssyncadd.s32 $0xFFFFD800  }
0x42: {  	s30 =	simm.s32 $0x0;
	[bflag:$0x0] =	sbarrier.arrive $0xFFFF  }
0x43: {  	[tilespmem:s18], [sflag:$0x1] =	stream.indirect.gather [hbm4b:s4+s21], $0x80, s30, s21, $0xb8;
	[tilespmem:$0x1D000] =	vst v63  }
0x44: {  	_ =	swait.ge [sflag:s22], $0x4000  }
0x45: {  	[sflag:s22] =	ssyncset.done $0x0  }
0x46: {  	s31 =	simm.s32 $0x2800;
	[sflag:s22] =	ssyncadd.s32 $0xFFFFC000  }
0x47: {  	[spmem:s2] =	stream.indirect.scatter.add.f32 [tilespmem:s18], [sflag:$0x2], $0x80, s31, s21, $0xb8;
	[tilespmem:$0x1D000] =	vst v63  }
0x48: {  	_ =	swait.ge [sflag:s19], $0x4000  }
0x49: {  	s24 =	simm.s32 $0x200;
	s25 =	simm.s32 $0x400;
	[sflag:s19] =	ssyncset.done $0x0  }
.LBB2_4:
0x4a: {  	s26 =	sshra.s32 s24, $0x2  }
0x4b: {  	[sflag:s19] =	ssyncadd.s32 $0xFFFFC000;
	s24 =	smov.u32 s25;
	s28 =	sadd.s32 $0x200, s25  }
0x4c: {  	[tilespmem:s18], [sflag:$0x1] =	stream.indirect.gather [hbm4b:s4+s21], $0x80, s26, s21, $0xb8;
	[tilespmem:$0x1D000] =	vst v63  }
0x4d: {  	p0 =	sne.s32 s25, $0x9E00;
	_ =	swait.ge [sflag:s22], $0x4000  }
.Ltmp1:
0x4e: {  	[sflag:s22] =	ssyncset.done $0x0;
	(pc) =	sbr.rel @p0 .LBB2_4-.Ltmp1, $4  }
0x4f: {  	s25 =	sadd.s32 $0x2800, s26;
	[sflag:s22] =	ssyncadd.s32 $0xFFFFC000  }
0x50: {  	[spmem:s2] =	stream.indirect.scatter.add.f32 [tilespmem:s18], [sflag:$0x2], $0x80, s25, s21, $0xb8;
	[tilespmem:$0x1D000] =	vst v63  }
0x51: {  	_ =	swait.ge [sflag:s19], $0x4000  }
0x52: {  	s25 =	smov.u32 s28;
	[sflag:s19] =	ssyncset.done $0x0  }
0x53: {  	s24 =	sshra.s32 s24, $0x2;
	[sflag:s19] =	ssyncadd.s32 $0xFFFFC000  }
0x54: {  	[tilespmem:s18], [sflag:$0x1] =	stream.indirect.gather [hbm4b:s4+s21], $0x80, s24, s21, $0xb8;
	[tilespmem:$0x1D000] =	vst v63  }
0x55: {  	_ =	swait.ge [sflag:s22], $0x4000  }
0x56: {  	[sflag:s22] =	ssyncset.done $0x0  }
0x57: {  	s24 =	sadd.s32 $0x2800, s24;
	[sflag:s22] =	ssyncadd.s32 $0xFFFFC000  }
0x58: {  	[spmem:s2] =	stream.indirect.scatter.add.f32 [tilespmem:s18], [sflag:$0x2], $0x80, s24, s21, $0xb8;
	[tilespmem:$0x1D000] =	vst v63  }
0x59: {  	_ =	swait.ge [sflag:s19], $0x4000  }
0x5a: {  	[sflag:s19] =	ssyncset.done $0x0  }
0x5b: {  	[sflag:s19] =	ssyncadd.s32 $0xFFFFC000  }
0x5c: {  	[bflag:$0x0] =	sbarrier.arrive $0xFFFF  }
0x5d: {  	[tilespmem:s18], [sflag:$0x2] =	stream.linear.gather [spmem:s5], $0x4000, $0x38;
	[tilespmem:$0x1D000] =	vst v63  }
0x5e: {  	_ =	swait.ge [sflag:s19], $0x4000  }
0x5f: {  	[sflag:s19] =	ssyncset.done $0x0  }
0x60: {  	[sflag:s19] =	ssyncadd.s32 $0xFFFFC000  }
0x61: {  	[hbm4b:s12+s3] =	stream.linear.scatter [tilespmem:s18], [sflag:$0x2], $0x4000, $0x38;
	[tilespmem:$0x1D000] =	vst v63  }
0x62: {  	_ =	swait.ge [sflag:s19], $0x4000  }
0x63: {  	[sflag:s19] =	ssyncset.done $0x0  }
0x64: {  	[sflag:s19] =	ssyncadd.s32 $0xFFFFC000  }
0x65: {  	[tilespmem:s18], [sflag:$0x2] =	stream.linear.gather [spmem:s6], $0x4000, $0x38;
	[tilespmem:$0x1D000] =	vst v63  }
0x66: {  	_ =	swait.ge [sflag:s19], $0x4000  }
0x67: {  	[sflag:s19] =	ssyncset.done $0x0  }
0x68: {  	[sflag:s19] =	ssyncadd.s32 $0xFFFFC000  }
0x69: {  	[hbm4b:s13+s3] =	stream.linear.scatter [tilespmem:s18], [sflag:$0x2], $0x4000, $0x38;
	[tilespmem:$0x1D000] =	vst v63  }
0x6a: {  	_ =	swait.ge [sflag:s19], $0x4000  }
0x6b: {  	[sflag:s19] =	ssyncset.done $0x0  }
0x6c: {  	[sflag:s19] =	ssyncadd.s32 $0xFFFFC000  }
0x6d: {  	[tilespmem:s18], [sflag:$0x2] =	stream.linear.gather [spmem:s7], $0x4000, $0x38;
	[tilespmem:$0x1D000] =	vst v63  }
0x6e: {  	_ =	swait.ge [sflag:s19], $0x4000  }
0x6f: {  	[sflag:s19] =	ssyncset.done $0x0  }
0x70: {  	[sflag:s19] =	ssyncadd.s32 $0xFFFFC000  }
0x71: {  	[hbm4b:s14+s3] =	stream.linear.scatter [tilespmem:s18], [sflag:$0x2], $0x4000, $0x38;
	[tilespmem:$0x1D000] =	vst v63  }
0x72: {  	_ =	swait.ge [sflag:s19], $0x4000  }
0x73: {  	[sflag:s19] =	ssyncset.done $0x0  }
0x74: {  	[sflag:s19] =	ssyncadd.s32 $0xFFFFC000  }
0x75: {  	[tilespmem:s18], [sflag:$0x2] =	stream.linear.gather [spmem:s8], $0x4000, $0x38;
	[tilespmem:$0x1D000] =	vst v63  }
0x76: {  	_ =	swait.ge [sflag:s19], $0x4000  }
0x77: {  	[sflag:s19] =	ssyncset.done $0x0  }
0x78: {  	[sflag:s19] =	ssyncadd.s32 $0xFFFFC000  }
0x79: {  	[hbm4b:s15+s3] =	stream.linear.scatter [tilespmem:s18], [sflag:$0x2], $0x4000, $0x38;
	[tilespmem:$0x1D000] =	vst v63  }
0x7a: {  	_ =	swait.ge [sflag:s19], $0x4000  }
0x7b: {  	[sflag:s19] =	ssyncset.done $0x0  }
0x7c: {  	[sflag:s19] =	ssyncadd.s32 $0xFFFFC000  }
0x7d: {  	[tilespmem:s18], [sflag:$0x2] =	stream.linear.gather [spmem:s9], $0x4000, $0x38;
	[tilespmem:$0x1D000] =	vst v63  }
0x7e: {  	s23 =	sadd.s32 $0x1, s23;
	_ =	swait.ge [sflag:s19], $0x4000  }
0x7f: {  	p0 =	sne.s32 s23, s17;
	[sflag:s19] =	ssyncset.done $0x0  }
.Ltmp2:
0x80: {  	[sflag:s19] =	ssyncadd.s32 $0xFFFFC000;
	(pc) =	sbr.rel @p0 .LBB2_1-.Ltmp2, $4  }
0x81: {  	[hbm4b:s16+s3] =	stream.linear.scatter [tilespmem:s18], [sflag:$0x2], $0x4000, $0x38;
	[tilespmem:$0x1D000] =	vst v63  }
0x82: {  	_ =	swait.ge [sflag:s19], $0x4000  }
0x83: {  	[sflag:s19] =	ssyncset.done $0x0  }
0x84: {  	[sflag:s19] =	ssyncadd.s32 $0xFFFFC000  }
0x85: {  	_ =	sfence.sel $0x180000  }
0x86: {  	[bflag:$0x0] =	sbarrier.arrive $0xFFFF  }
0x87: {  	p0 =	sne.s32 s0, $0x0;
	_ =	strace $0x9000004D  }
0x88: {  	s0 =	sadd.s32 @!p0 $0x100000, s1;
	[bflag:$0x2] =	sbarrier.arrive $0xFFFF  }
0x89: {  	[sflag:s0] =	ssyncadd.tile.s32 @!p0 $0x1;
	_ =	shalt  }
.Lfunc_end2:
_tile_overlayer_lowered:
.L_overlay_start_2:
0x8a: {  	(tag) =	ssettag $0x2  }
0x8b: {  	s0 =	rddreg [dreg:$0x0];
	s2 =	stileid.u32  }
0x8c: {  	s1 =	rddreg [dreg:$0x1];
	p0 =	sne.s32 s2, $0x0  }
0x8d: {  	s3 =	rddreg [dreg:$0x2];
	[bflag:$0x3] =	sbarrier.arrive $0xFFFF;
	s2 =	simm.s32 @!p0 $0x1C02  }
0x8e: {  	[timem:s3], [sflag:s2] =	dma.local @!p0 [hbm:s0], s1  }
0x8f: {  	s0 =	simm.s32 @!p0 $0x2  }
0x90: {  	_ =	swait.ge @!p0 [sflag:s0], s1  }
0x91: {  	s1 =	ssub.s32 @!p0 $0x0, s1;
	[sflag:s0] =	ssyncset.done @!p0 $0x0  }
0x92: {  	[sflag:s0] =	ssyncadd.s32 @!p0 s1  }
0x93: {  	[bflag:$0x3] =	sbarrier.arrive $0xFFFF  }
0x94: {  	_ =	shalt  }

// kernel: kernel.8.cloned.1.call-start
scs
__scs_entry_jumppad:
0x0: {  	(pc) =	sbr.rel $0x88, $3  }
0x1: {  	(tag) =	ssettag $0x0;
	lr =	simm.s32 $0x1  }
0x2: {  	[smem:$0x3F99] =	sst lr;
	_ =	strace $0xD0000000  }
0x3: {  	_ = 	snop  }
0x4: {  	_ = 	snop  }
0x5: {  	_ = 	snop  }
0x6: {  	_ = 	snop  }
0x7: {  	_ = 	snop  }
__scs_overlays_trampoline_lowered:
0x8: {  	[smem:$0x3FA8] =	sst s0  }
0x9: {  	[smem:$0x3FA9] =	sst s1  }
0xa: {  	[smem:$0x3FAA] =	sst s2  }
0xb: {  	[smem:$0x3FAB] =	sst s3  }
0xc: {  	[smem:$0x3FAC] =	sst s4  }
0xd: {  	[smem:$0x3FAD] =	sst s5  }
0xe: {  	[smem:$0x3FAE] =	sst s6  }
0xf: {  	[smem:$0x3FAF] =	sst s7  }
0x10: {  	[smem:$0x3FB0] =	sst s8  }
0x11: {  	[smem:$0x3FB1] =	sst s9;
	s0 =	simm.s32 @!p0 $0x0  }
0x12: {  	s1 =	sld [smem:$0x3F97];
	s0 =	simm.s32 @p0 $0x1  }
0x13: {  	[smem:$0x3FB2] =	sst s0;
	s0 =	simm.s32 @!p1 $0x0  }
0x14: {  	s2 =	sld [smem:$0x3F96];
	s0 =	simm.s32 @p1 $0x1  }
0x15: {  	[smem:$0x3FB3] =	sst s0;
	s0 =	simm.s32 @!p2 $0x0  }
0x16: {  	s3 =	sld [smem:$0x3FDB];
	s0 =	simm.s32 @p2 $0x1  }
0x17: {  	s4 =	simm.s32 $0x1BF5;
	[smem:$0x3FB5] =	sst s0  }
0x18: {  	s0 =	sld [smem:$0x3F98];
	_ =	swait.ge [sflag:s4], $0x0  }
0x19: {  	s7 =	sld [smem:$0x3F99]  }
0x1a: {  	s8 =	sadd.s32 $0xFFFFE003, lr  }
0x1b: {  	s9 =	sadd.s32 $0xFFFFFEF7, lr;
	s5 =	simm.s32 $0xFFFFFFFF;
	p2 =	slt.u32 s8, $0xFFFFF086  }
0x1c: {  	p1 =	slt.u32 s9, $0xF7A;
	s5 =	simm.s32 @!p2 $0x0  }
0x1d: {  	s5 =	simm.s32 @p1 $0x1;
	p0 =	seq.s32 s7, s2  }
0x1e: {  	s7 =	smul.u32 @!p0 $0xF7A, s2;
	p2 =	seq.s32 @!p0 s5, $0x0  }
0x1f: {  	s9 =	smul.u32 $0xF7A, s1;
	s8 =	simm.s32 @!p0 $0x1BF5;
	p2 =	por !p2, p0  }
0x20: {  	[sflag:s8] =	ssyncset.s32 @!p0 $0xFFFFF086;
	s6 =	sadd.s32 @!p0 s3, s7;
	s7 =	simm.s32 @!p0 $0x108  }
0x21: {  	s3 =	sadd.s32 s3, s9;
	s6 =	sadd.s32 @!p0 $0x88, s6;
	s7 =	simm.s32 @p2 $0x1082  }
0x22: {  	[simem:s7], [sflag:s8] =	dma.local @!p0 [hbm:s6], $0xF7A  }
0x23: {  	s9 =	sor.u32 $0xD0000000, s2;
	s6 =	simm.s32 $0x108;
	_ =	swait.ge @!p0 [sflag:s8], $0x0  }
0x24: {  	s3 =	sadd.s32 $0x88, s3;
	s6 =	simm.s32 @!p1 $0x1082;
	[sflag:s4] =	ssyncset.s32 $0xFFFFF086  }
0x25: {  	[simem:s6], [sflag:s4] =	dma.local [hbm:s3], $0xF7A  }
0x26: {  	[smem:$0x3F99] =	sst s1;
	(tag) =	ssettag s2;
	_ =	strace s9  }
0x27: {  	s1 =	sld [smem:$0x3FA9]  }
0x28: {  	s2 =	sld [smem:$0x3FAA]  }
0x29: {  	s4 =	sld [smem:$0x3FAC]  }
0x2a: {  	p0 =	seq.s32 s5, $0x0;
	s5 =	sld [smem:$0x3FAD]  }
0x2b: {  	s6 =	sld [smem:$0x3FAE]  }
0x2c: {  	s7 =	sld [smem:$0x3FAF]  }
0x2d: {  	s3 =	simm.s32 $0x108;
	s8 =	sld [smem:$0x3FB0]  }
0x2e: {  	s3 =	simm.s32 @!p0 $0x1082;
	s9 =	sld [smem:$0x3FB1]  }
0x2f: {  	lr =	sadd.s32 s0, s3;
	s0 =	sld [smem:$0x3FA8]  }
0x30: {  	s3 =	sld [smem:$0x3FAB]  }
0x31: {  	[smem:$0x3FB4] =	sst s10  }
0x32: {  	s10 =	sld [smem:$0x3FB2];
	_ =	sdelay $0x3  }
0x33: {  	p0 =	seq.s32 s10, $0x1;
	s10 =	sld [smem:$0x3FB4];
	_ =	sdelay $0x3  }
0x34: {  	[smem:$0x3FB4] =	sst s10  }
0x35: {  	s10 =	sld [smem:$0x3FB3];
	_ =	sdelay $0x3  }
0x36: {  	p1 =	seq.s32 s10, $0x1;
	s10 =	sld [smem:$0x3FB4];
	_ =	sdelay $0x3  }
0x37: {  	[smem:$0x3FB4] =	sst s10  }
0x38: {  	s10 =	sld [smem:$0x3FB5]  }
0x39: {  	_ = 	snop;
	(pc) =	sbr.ind lr, $3  }
0x3a: {  	_ = 	snop  }
0x3b: {  	_ = 	snop  }
0x3c: {  	p2 =	seq.s32 s10, $0x1;
	s10 =	sld [smem:$0x3FB4]  }
0x3d: {  	_ =	shalt  }
0x3e: {  	_ =	shalt  }
0x3f: {  	_ =	shalt  }
0x40: {  	_ =	shalt  }
0x41: {  	_ =	shalt  }
0x42: {  	_ =	shalt  }
0x43: {  	_ =	shalt  }
0x44: {  	_ =	shalt  }
0x45: {  	_ =	shalt  }
0x46: {  	_ =	shalt  }
0x47: {  	_ =	shalt  }
0x48: {  	_ =	shalt  }
0x49: {  	_ =	shalt  }
0x4a: {  	_ =	shalt  }
0x4b: {  	_ =	shalt  }
0x4c: {  	_ =	shalt  }
0x4d: {  	_ =	shalt  }
0x4e: {  	_ =	shalt  }
0x4f: {  	_ =	shalt  }
0x50: {  	_ =	shalt  }
0x51: {  	_ =	shalt  }
0x52: {  	_ =	shalt  }
0x53: {  	_ =	shalt  }
0x54: {  	_ =	shalt  }
0x55: {  	_ =	shalt  }
0x56: {  	_ =	shalt  }
0x57: {  	_ =	shalt  }
0x58: {  	_ =	shalt  }
0x59: {  	_ =	shalt  }
0x5a: {  	_ =	shalt  }
0x5b: {  	_ =	shalt  }
0x5c: {  	_ =	shalt  }
0x5d: {  	_ =	shalt  }
0x5e: {  	_ =	shalt  }
0x5f: {  	_ =	shalt  }
0x60: {  	_ =	shalt  }
0x61: {  	_ =	shalt  }
0x62: {  	_ =	shalt  }
0x63: {  	_ =	shalt  }
0x64: {  	_ =	shalt  }
0x65: {  	_ =	shalt  }
0x66: {  	_ =	shalt  }
0x67: {  	_ =	shalt  }
0x68: {  	_ =	shalt  }
0x69: {  	_ =	shalt  }
0x6a: {  	_ =	shalt  }
0x6b: {  	_ =	shalt  }
0x6c: {  	_ =	shalt  }
0x6d: {  	_ =	shalt  }
0x6e: {  	_ =	shalt  }
0x6f: {  	_ =	shalt  }
0x70: {  	_ =	shalt  }
0x71: {  	_ =	shalt  }
0x72: {  	_ =	shalt  }
0x73: {  	_ =	shalt  }
0x74: {  	_ =	shalt  }
0x75: {  	_ =	shalt  }
0x76: {  	_ =	shalt  }
0x77: {  	_ =	shalt  }
0x78: {  	_ =	shalt  }
0x79: {  	_ =	shalt  }
0x7a: {  	_ =	shalt  }
0x7b: {  	_ =	shalt  }
0x7c: {  	_ =	shalt  }
0x7d: {  	_ =	shalt  }
0x7e: {  	_ =	shalt  }
0x7f: {  	_ =	shalt  }
0x80: {  	_ =	shalt  }
0x81: {  	_ =	shalt  }
0x82: {  	_ =	shalt  }
0x83: {  	_ =	shalt  }
0x84: {  	_ =	shalt  }
0x85: {  	_ =	shalt  }
0x86: {  	_ =	shalt  }
0x87: {  	_ =	shalt  }
.Lfunc_end0:
.L_simem_size_0:
called_computation_lowered:
.L_overlay_start_0:
0x88: {  	s2 =	sld [smem:$0x3FD9]  }
0x89: {  	s3 =	sld [smem:$0x3FFE];
	_ =	sdelay $0x1  }
0x8a: {  	s1 =	srdreg.scid  }
0x8b: {  	s0 =	sand.u32 $0x1, s1  }
0x8c: {  	s16 =	sshll.u32 s0, $0xA;
	s2 =	sadd.s32 s3, s2  }
0x8d: {  	s2 =	sadd.s32 s2, s16  }
0x8e: {  	[smem:$0x3FC0] =	sst s2  }
0x8f: {  	_ = 	snop  }
0x90: {  	(tm) =	ssettm $0x1  }
0x91: {  	s17 =	sld [smem:$0x3FFB];
	_ =	sdelay $0x3  }
0x92: {  	_ =	strace s17  }
0x93: {  	s2 =	sld [smem:$0x3FFC];
	_ =	sdelay $0x3  }
0x94: {  	_ =	strace s2  }
0x95: {  	s2 =	sld [smem:$0x3FFD];
	_ =	sdelay $0x3  }
0x96: {  	_ =	strace s2  }
0x97: {  	_ =	strace $0x8FFFFFFF  }
0x98: {  	s18 =	sld [smem:$0x3FDB];
	_ =	sdelay $0x1  }
0x99: {  	s19 =	simm.s32 $_scs_section_size  }
0x9a: {  	s4 =	simm.s32 $_size__tile_overlayer_lowered;
	s5 =	simm.s32 $_tile_overlayer_lowered  }
0x9b: {  	s22 =	simm.s32 $0x1BFF;
	s21 =	sshll.u32 s5, $0x1;
	s2 =	sadd.s32 s19, s18  }
0x9c: {  	s6 =	simm.s32 $0x0;
	s20 =	sshll.u32 s4, $0x1;
	s4 =	sadd.s32 s21, s2  }
0x9d: {  	[timem:s6], [sflag:s22] =	dma.local [hbm:s4], s20  }
0x9e: {  	_ =	swait.ge [sflag:s22], s20  }
0x9f: {  	s3 =	ssub.s32 $0x0, s20;
	[sflag:s22] =	ssyncset.done $0x0  }
0xa0: {  	[sflag:s22] =	ssyncadd.s32 s3;
	_ =	sdelay $0x1  }
0xa1: {  	s23 =	simm.s32 $0x1B8B  }
0xa2: {  	_ =	swait.ge [sflag:s23], $0x1  }
0xa3: {  	[sflag:s23] =	ssyncset.done $0x0  }
0xa4: {  	s25 =	simm.s32 $0x1B8E;
	s24 =	sld [smem:$0x3FFE];
	[sflag:s23] =	ssyncadd.s32 $0xFFFFFFFF  }
0xa5: {  	s26 =	simm.s32 $execute0_lowered;
	[smem:$0x3FD2] =	sst s25  }
0xa6: {  	s4 =	sshll.u32 s26, $0x1;
	_ =	strace $0x80000046;
	[dreg:$0x1] =	wrdreg $0xFFFFFFFF  }
0xa7: {  	s28 =	simm.s32 $_size_execute0_lowered;
	s2 =	sadd.s32 s2, s4;
	[dreg:$0x0] =	wrdreg $0x0  }
0xa8: {  	s4 =	sshll.u32 s28, $0x1;
	[dreg:$0x2] =	wrdreg s2  }
0xa9: {  	[dreg:$0x3] =	wrdreg s4  }
0xaa: {  	[dreg:$0x4] =	wrdreg $0xC0  }
0xab: {  	_ =	task [dreg:s6], $0x5FFFF  }
0xac: {  	[dreg:$0x1] =	wrdreg $0xFFFFFFFF  }
0xad: {  	[dreg:$0x0] =	wrdreg $0x60  }
0xae: {  	[dreg:$0x2] =	wrdreg s24  }
0xaf: {  	[dreg:$0x3] =	wrdreg $0xA8000  }
0xb0: {  	[dreg:$0x4] =	wrdreg $0x9  }
0xb1: {  	_ =	task.clear_ibuf [dreg:s6], $0x5FFFF;
	_ =	strace $0x90000046  }
0xb2: {  	s29 =	simm.s32 $0x9;
	_ =	strace $0x80000048  }
0xb3: {  	_ =	swait.ge [sflag:s29], $0x1  }
0xb4: {  	[sflag:s29] =	ssyncadd.s32 $0xFFFFFFFF  }
0xb5: {  	_ =	strace $0x90000048  }
0xb6: {  	_ =	sfence  }
0xb7: {  	s30 =	sld [smem:$0x0];
	_ =	sdelay $0x2  }
0xb8: {  	s31 =	sshll.u32 s1, $0xD;
	s1 =	sshrl.u32 s1, $0x2  }
0xb9: {  	s3 =	sand.u32 $0x4000, s31;
	s1 =	sadd.s32 s1, s30  }
0xba: {  	s0 =	sor.u32 s3, s0;
	s1 =	sshll.u32 s1, $0x11  }
0xbb: {  	s0 =	sor.u32 s1, s0  }
0xbc: {  	s0 =	sadd.s32 $0x8F2B, s0  }
0xbd: {  	[sflag:s0] =	ssyncadd.remote.s32 $0x1  }
0xbe: {  	_ =	sfence.sel $0xFFFF  }
0xbf: {  	[dreg:$0x0] =	wrdreg $0xFFFFFFFF;
	(pc) =	sbr.abs _section_cstart, $3  }
0xc0: {  	[dreg:$0x1] =	wrdreg $0xFFFFFFFF  }
0xc1: {  	_ =	task.clear_ibuf [dreg:s6], $0x2FFFF;
	_ =	strace $0x9FFFFFFF  }
0xc2: {  	(tm) =	ssettm $0x7FFFFFFF  }
0xc3: {  	_ =	shalt  }
tec
execute0_lowered:
.L_overlay_start_1:
0x0: {  	(tag) =	ssettag $0x1  }
0x1: {  	s4 =	rddreg [dreg:$0x0];
	s1 =	srdreg.scid  }
0x2: {  	s0 =	stileid.u32;
	s2 =	rddreg [dreg:$0x1]  }
0x3: {  	s3 =	simm.s32 $0x0;
	s19 =	simm.s32 $0x2800;
	s20 =	simm.s32 $0x0  }
0x4: {  	s5 =	sand.u32 $0x1, s1;
	s1 =	rddreg [dreg:$0x2];
	s7 =	smul.u32 $0x50000, s0  }
0x5: {  	s6 =	sshll.u32 s0, $0x1;
	[smem:$0x7FF] =	sst s3;
	s8 =	smul.u32 $0x14000, s0  }
0x6: {  	s14 =	sadd.s32 $0xCE00, s4;
	s6 =	sor.u32 s5, s6;
	s16 =	smul.u32 $0x140000, s5  }
0x7: {  	_ =	strace $0x80000047;
	s30 =	ssub.s32 $0x2, s5;
	s6 =	smul.u32 $0x500, s6  }
0x8: {  	s31 =	sshrl.u32 s30, $0x1;
	s7 =	sshrl.u32 s7, $0x2;
	s10 =	sadd.s32 $0x4000, s8  }
0x9: {  	s12 =	sadd.s32 $0x8000, s8;
	s13 =	sadd.s32 $0xC000, s8;
	s17 =	sadd.s32 $0x10000, s8  }
0xa: {  	s15 =	ssub.s32 s30, s31;
	s5 =	sadd.s32 s10, s2;
	s11 =	sadd.s32 s8, s16  }
0xb: {  	s10 =	sadd.s32 s16, s10;
	s8 =	sadd.s32 s17, s2;
	s9 =	sadd.s32 s6, s4  }
0xc: {  	s4 =	sadd.s32 s7, s2;
	s6 =	sadd.s32 s12, s2;
	s7 =	sadd.s32 s13, s2  }
0xd: {  	s11 =	sshrl.u32 s11, $0x3;
	s18 =	sshrl.u32 s10, $0x3;
	s12 =	sadd.s32 s16, s12  }
0xe: {  	s13 =	sadd.s32 s16, s13;
	s16 =	sadd.s32 s16, s17;
	s15 =	smax.u32 s15, $0x1  }
0xf: {  	s17 =	simm.s32 $0x1;
	s9 =	sadd.s32 $0x2E00, s9;
	s10 =	sadd.s32 s14, s11  }
0x10: {  	s11 =	sadd.s32 s14, s18;
	s12 =	sshrl.u32 s12, $0x3;
	s13 =	sshrl.u32 s13, $0x3  }
0x11: {  	s16 =	sshrl.u32 s16, $0x3;
	s18 =	simm.s32 $0x80;
	s12 =	sadd.s32 s14, s12  }
0x12: {  	v0 =	vimm.f32 $1.000000000e+00;
	v1 =	vimm.f32 $0.0e+00;
	s13 =	sadd.s32 s14, s13;
	s14 =	sadd.s32 s14, s16;
	s16 =	simm.s32 $0x6800  }
.LBB2_1:
0x13: {  	s21 =	simm.s32 $0x200;
	s22 =	simm.s32 $0x0  }
.LBB2_2:
0x14: {  	p0 =	sne.s32 s21, $0xFE00;
	[tilespmem:s22+$0x2800] =	vst v0;
	s23 =	smov.u32 s21;
	s21 =	sadd.s32 $0x200, s21  }
.Ltmp0:
0x15: {  	[tilespmem:s22+$0x6800] =	vst v1;
	(pc) =	sbr.rel @p0 .LBB2_2-.Ltmp0, $2  }
0x16: {  	_ =	sdelay $0x2  }
0x17: {  	s22 =	sshra.s32 s23, $0x2  }
0x18: {  	[tilespmem:s22+$0x2800] =	vst v0  }
0x19: {  	[tilespmem:s22+$0x6800] =	vst v1  }
0x1a: {  	[spmem:s4] =	stream.linear.scatter [tilespmem:s16], [sflag:$0x1], $0x4000, $0x38;
	[tilespmem:$0xD000] =	vst v63  }
0x1b: {  	_ =	swait.ge [sflag:s17], $0x4000  }
0x1c: {  	[sflag:s17] =	ssyncset.done $0x0  }
0x1d: {  	[sflag:s17] =	ssyncadd.s32 $0xFFFFC000  }
0x1e: {  	[spmem:s5] =	stream.linear.scatter [tilespmem:s16], [sflag:$0x1], $0x4000, $0x38;
	[tilespmem:$0xD000] =	vst v63  }
0x1f: {  	_ =	swait.ge [sflag:s17], $0x4000  }
0x20: {  	[sflag:s17] =	ssyncset.done $0x0  }
0x21: {  	[sflag:s17] =	ssyncadd.s32 $0xFFFFC000  }
0x22: {  	[spmem:s6] =	stream.linear.scatter [tilespmem:s16], [sflag:$0x1], $0x4000, $0x38;
	[tilespmem:$0xD000] =	vst v63  }
0x23: {  	_ =	swait.ge [sflag:s17], $0x4000  }
0x24: {  	[sflag:s17] =	ssyncset.done $0x0  }
0x25: {  	[sflag:s17] =	ssyncadd.s32 $0xFFFFC000  }
0x26: {  	[spmem:s7] =	stream.linear.scatter [tilespmem:s16], [sflag:$0x1], $0x4000, $0x38;
	[tilespmem:$0xD000] =	vst v63  }
0x27: {  	_ =	swait.ge [sflag:s17], $0x4000  }
0x28: {  	[sflag:s17] =	ssyncset.done $0x0  }
0x29: {  	[sflag:s17] =	ssyncadd.s32 $0xFFFFC000  }
0x2a: {  	[spmem:s8] =	stream.linear.scatter [tilespmem:s16], [sflag:$0x1], $0x4000, $0x38;
	[tilespmem:$0xD000] =	vst v63  }
0x2b: {  	_ =	swait.ge [sflag:s17], $0x4000  }
0x2c: {  	[sflag:s17] =	ssyncset.done $0x0  }
0x2d: {  	s21 =	simm.s32 $0x0;
	[sflag:s17] =	ssyncadd.s32 $0xFFFFC000  }
0x2e: {  	[tilespmem:s21], [sflag:$0x1] =	stream.linear.gather [hbm4b:s9+s21], $0x2800, $0x38;
	[tilespmem:$0xD000] =	vst v63  }
0x2f: {  	_ =	swait.ge [sflag:s17], $0x2800  }
0x30: {  	[sflag:s17] =	ssyncset.done $0x0  }
0x31: {  	[sflag:s17] =	ssyncadd.s32 $0xFFFFD800  }
0x32: {  	s31 =	simm.s32 $0x0;
	[bflag:$0x0] =	sbarrier.arrive $0xFFFF  }
0x33: {  	[spmem:s2] =	stream.indirect.scatter.add.f32 [tilespmem:s19], [sflag:$0x1], $0x10, s31, s18, $0xb8;
	[tilespmem:$0xD000] =	vst v63  }
0x34: {  	_ =	swait.ge [sflag:s17], $0x800  }
0x35: {  	s21 =	simm.s32 $0x200;
	[sflag:s17] =	ssyncset.done $0x0  }
.LBB2_4:
0x36: {  	s22 =	sshra.s32 s21, $0x2;
	[sflag:s17] =	ssyncadd.s32 $0xFFFFF800;
	p0 =	sne.s32 s21, $0x9E00  }
0x37: {  	[spmem:s2] =	stream.indirect.scatter.add.f32 [tilespmem:s19], [sflag:$0x1], $0x10, s22, s18, $0xb8;
	[tilespmem:$0xD000] =	vst v63  }
.Ltmp1:
0x38: {  	_ = 	snop;
	(pc) =	sbr.rel @p0 .LBB2_4-.Ltmp1, $4  }
0x39: {  	_ = 	snop  }
0x3a: {  	s21 =	sadd.s32 $0x200, s21  }
0x3b: {  	_ =	swait.ge [sflag:s17], $0x800  }
0x3c: {  	[sflag:s17] =	ssyncset.done $0x0  }
0x3d: {  	[sflag:s17] =	ssyncadd.s32 $0xFFFFF800  }
0x3e: {  	[bflag:$0x0] =	sbarrier.arrive $0xFFFF  }
0x3f: {  	[tilespmem:s16], [sflag:$0x1] =	stream.linear.gather [spmem:s4], $0x4000, $0x38;
	[tilespmem:$0xD000] =	vst v63  }
0x40: {  	_ =	swait.ge [sflag:s17], $0x4000  }
0x41: {  	[sflag:s17] =	ssyncset.done $0x0  }
0x42: {  	[sflag:s17] =	ssyncadd.s32 $0xFFFFC000  }
0x43: {  	[hbm4b:s10+s3] =	stream.linear.scatter [tilespmem:s16], [sflag:$0x1], $0x4000, $0x38;
	[tilespmem:$0xD000] =	vst v63  }
0x44: {  	_ =	swait.ge [sflag:s17], $0x4000  }
0x45: {  	[sflag:s17] =	ssyncset.done $0x0  }
0x46: {  	[sflag:s17] =	ssyncadd.s32 $0xFFFFC000  }
0x47: {  	[tilespmem:s16], [sflag:$0x1] =	stream.linear.gather [spmem:s5], $0x4000, $0x38;
	[tilespmem:$0xD000] =	vst v63  }
0x48: {  	_ =	swait.ge [sflag:s17], $0x4000  }
0x49: {  	[sflag:s17] =	ssyncset.done $0x0  }
0x4a: {  	[sflag:s17] =	ssyncadd.s32 $0xFFFFC000  }
0x4b: {  	[hbm4b:s11+s3] =	stream.linear.scatter [tilespmem:s16], [sflag:$0x1], $0x4000, $0x38;
	[tilespmem:$0xD000] =	vst v63  }
0x4c: {  	_ =	swait.ge [sflag:s17], $0x4000  }
0x4d: {  	[sflag:s17] =	ssyncset.done $0x0  }
0x4e: {  	[sflag:s17] =	ssyncadd.s32 $0xFFFFC000  }
0x4f: {  	[tilespmem:s16], [sflag:$0x1] =	stream.linear.gather [spmem:s6], $0x4000, $0x38;
	[tilespmem:$0xD000] =	vst v63  }
0x50: {  	_ =	swait.ge [sflag:s17], $0x4000  }
0x51: {  	[sflag:s17] =	ssyncset.done $0x0  }
0x52: {  	[sflag:s17] =	ssyncadd.s32 $0xFFFFC000  }
0x53: {  	[hbm4b:s12+s3] =	stream.linear.scatter [tilespmem:s16], [sflag:$0x1], $0x4000, $0x38;
	[tilespmem:$0xD000] =	vst v63  }
0x54: {  	_ =	swait.ge [sflag:s17], $0x4000  }
0x55: {  	[sflag:s17] =	ssyncset.done $0x0  }
0x56: {  	[sflag:s17] =	ssyncadd.s32 $0xFFFFC000  }
0x57: {  	[tilespmem:s16], [sflag:$0x1] =	stream.linear.gather [spmem:s7], $0x4000, $0x38;
	[tilespmem:$0xD000] =	vst v63  }
0x58: {  	_ =	swait.ge [sflag:s17], $0x4000  }
0x59: {  	[sflag:s17] =	ssyncset.done $0x0  }
0x5a: {  	[sflag:s17] =	ssyncadd.s32 $0xFFFFC000  }
0x5b: {  	[hbm4b:s13+s3] =	stream.linear.scatter [tilespmem:s16], [sflag:$0x1], $0x4000, $0x38;
	[tilespmem:$0xD000] =	vst v63  }
0x5c: {  	_ =	swait.ge [sflag:s17], $0x4000  }
0x5d: {  	[sflag:s17] =	ssyncset.done $0x0  }
0x5e: {  	[sflag:s17] =	ssyncadd.s32 $0xFFFFC000  }
0x5f: {  	[tilespmem:s16], [sflag:$0x1] =	stream.linear.gather [spmem:s8], $0x4000, $0x38;
	[tilespmem:$0xD000] =	vst v63  }
0x60: {  	s20 =	sadd.s32 $0x1, s20;
	_ =	swait.ge [sflag:s17], $0x4000  }
0x61: {  	p0 =	sne.s32 s20, s15;
	[sflag:s17] =	ssyncset.done $0x0  }
.Ltmp2:
0x62: {  	[sflag:s17] =	ssyncadd.s32 $0xFFFFC000;
	(pc) =	sbr.rel @p0 .LBB2_1-.Ltmp2, $4  }
0x63: {  	[hbm4b:s14+s3] =	stream.linear.scatter [tilespmem:s16], [sflag:$0x1], $0x4000, $0x38;
	[tilespmem:$0xD000] =	vst v63  }
0x64: {  	_ =	swait.ge [sflag:s17], $0x4000  }
0x65: {  	[sflag:s17] =	ssyncset.done $0x0  }
0x66: {  	[sflag:s17] =	ssyncadd.s32 $0xFFFFC000  }
0x67: {  	_ =	sfence.sel $0x180000  }
0x68: {  	[bflag:$0x0] =	sbarrier.arrive $0xFFFF  }
0x69: {  	p0 =	sne.s32 s0, $0x0;
	_ =	strace $0x90000047  }
0x6a: {  	s0 =	sadd.s32 @!p0 $0x100000, s1;
	[bflag:$0x2] =	sbarrier.arrive $0xFFFF  }
0x6b: {  	[sflag:s0] =	ssyncadd.tile.s32 @!p0 $0x1;
	_ =	shalt  }
.Lfunc_end2:
_tile_overlayer_lowered:
.L_overlay_start_2:
0x6c: {  	(tag) =	ssettag $0x2  }
0x6d: {  	s0 =	rddreg [dreg:$0x0];
	s2 =	stileid.u32  }
0x6e: {  	s1 =	rddreg [dreg:$0x1];
	p0 =	sne.s32 s2, $0x0  }
0x6f: {  	s3 =	rddreg [dreg:$0x2];
	[bflag:$0x3] =	sbarrier.arrive $0xFFFF;
	s2 =	simm.s32 @!p0 $0x1C01  }
0x70: {  	[timem:s3], [sflag:s2] =	dma.local @!p0 [hbm:s0], s1  }
0x71: {  	s0 =	simm.s32 @!p0 $0x1  }
0x72: {  	_ =	swait.ge @!p0 [sflag:s0], s1  }
0x73: {  	s1 =	ssub.s32 @!p0 $0x0, s1;
	[sflag:s0] =	ssyncset.done @!p0 $0x0  }
0x74: {  	[sflag:s0] =	ssyncadd.s32 @!p0 s1  }
0x75: {  	[bflag:$0x3] =	sbarrier.arrive $0xFFFF  }
0x76: {  	_ =	shalt  }

</sc_bundles>
